<compile_context>
chip_gen: v7x
topology: tpu7x:2x2x1
jax: 0.10.2.dev20260603
libtpu: 0.0.44.dev20260713+nightly
codegen_flags: <defaults>
</compile_context>

<pallas_src>
import functools
import math

import jax
import jax.numpy as jnp
from jax import lax
from jax.experimental import pallas as pl
from jax.experimental.pallas import tpu as pltpu
from jax.experimental.pallas import tpu_sc as plsc

NC = 2
NS = 16
NW = NC * NS
LANES = 16
CHUNK = 128
NBUF = 4
PADV = CHUNK + 8


def _emb_kernel(S, V, D):
  scale = math.sqrt(D)
  mesh = plsc.VectorSubcoreMesh(core_axis_name="c", subcore_axis_name="s")
  DI = D // 8
  ST = S // 8

  @functools.partial(
      pl.kernel,
      mesh=mesh,
      compiler_params=pltpu.CompilerParams(
          use_tc_tiling_on_sc=False, needs_layout_passes=False),
      out_type=jax.ShapeDtypeStruct((S, DI, NW, 8, CHUNK), jnp.float32),
      scratch_types=[
          pltpu.VMEM((ST, 8, CHUNK), jnp.int32),
          pltpu.VMEM((NBUF, CHUNK, D), jnp.float32),
          pltpu.VMEM((NBUF, DI, 8, PADV), jnp.float32),
          [pltpu.SemaphoreType.DMA] * NBUF,
          [pltpu.SemaphoreType.DMA] * NBUF,
      ],
  )
  def k(idx_hbm, table_hbm, out_hbm, idx_v, rbuf, tbuf, gsem, ssem):
    wid = lax.axis_index("s") * NC + lax.axis_index("c")
    pltpu.sync_copy(idx_hbm.at[:, wid], idx_v)
    lanes = lax.iota(jnp.int32, LANES)
    fcoords = []
    for fb in range(D // LANES):
      f16 = fb * LANES + lanes
      fcoords.append((f16 // 8, f16 % 8))

    for b in range(NBUF):
      pltpu.async_copy(table_hbm.at[idx_v.at[b // 8, b % 8]],
                       rbuf.at[b], gsem[b])

    @pl.loop(0, S, step=NBUF)
    def _grp(s0):
      for b in range(NBUF):
        s = s0 + b
        pltpu.make_async_copy(
            table_hbm.at[idx_v.at[0, 0]], rbuf.at[b], gsem[b]).wait()

        rb = rbuf.at[b]
        tb = tbuf.at[b]

        @pl.when(s >= NBUF)
        def _():
          pltpu.make_async_copy(
              tb.at[:, :, pl.ds(0, CHUNK)],
              out_hbm.at[0, :, wid], ssem[b]).wait()

        @plsc.parallel_loop(0, CHUNK, unroll=4)
        def _v(v):
          vcol = jnp.full((LANES,), v, jnp.int32)
          for fb, (fi, fu) in enumerate(fcoords):
            vals = rb[v, pl.ds(fb * LANES, LANES)]
            plsc.store_scatter(tb, [fi, fu, vcol], vals * scale)

        @pl.when(s + NBUF < S)
        def _():
          sn = s + NBUF
          pltpu.async_copy(
              table_hbm.at[idx_v.at[sn // 8, sn % 8]], rbuf.at[b], gsem[b])

        pltpu.async_copy(
            tb.at[:, :, pl.ds(0, CHUNK)], out_hbm.at[s, :, wid], ssem[b])

    for b in range(NBUF):
      pltpu.make_async_copy(
          tbuf.at[b].at[:, :, pl.ds(0, CHUNK)],
          out_hbm.at[0, :, wid], ssem[b]).wait()

  return k


def kernel(tokens, table):
  B0, S = tokens.shape
  V, D = table.shape
  idx = jnp.clip(tokens.astype(jnp.int32), 0, V - 1)
  idx = idx.T.reshape(S // 8, 8, NW, CHUNK).transpose(0, 2, 1, 3)
  out5 = _emb_kernel(S, V, D)(idx, table)
  return out5.transpose(2, 4, 0, 1, 3).reshape(B0, S, D)

# --- scband reference (transcript-rebuilt; emitter-appended) ---
"""Pipeline reference for scband-token-embedding-42880953483468 (READ-ONLY COPY).

The authoritative reference and input builder live on the scoring server;
editing this copy changes nothing except your own understanding.
"""

import jax, jax.numpy as jnp
import numpy as np
import math

VOCAB = 1000000
EMBED = 64

def setup_inputs(seed: int = 0) -> dict:
    key = jax.random.key(seed)
    k_tok, k_tab = jax.random.split(key)
    tokens = jax.random.randint(k_tok, (4096, 200), 0, VOCAB, dtype=jnp.int64 if jax.config.jax_enable_x64 else jnp.int32)
    table = jax.random.normal(k_tab, (VOCAB, EMBED), dtype=jnp.float32)
    return {"tokens": tokens, "table": table}

def reference(tokens, table):
    # TokenEmbedding.forward: embedding(tokens.long()) * sqrt(embedding_size)
    emb = jnp.take(table, tokens, axis=0)
    return emb * math.sqrt(EMBED)

if __name__ == "__main__":
    import jax
    _d = setup_inputs()
    print(jax.jit(kernel)(*tuple(_d.values())))

</pallas_src>

<mosaic_0001>
#map = affine_map<(d0, d1) -> (0, 0, 0, 0)>
#map1 = affine_map<(d0, d1) -> (0, 0)>
#map2 = affine_map<(d0, d1) -> (0, 0, 0, 0, 0)>
module attributes {stable_mosaic.version = 14 : i64} {
  func.func @k(%arg0: i32, %arg1: i32, %arg2: memref<25x32x8x128xi32, #tpu.memory_space<hbm>>, %arg3: memref<1000000x64xf32, #tpu.memory_space<hbm>>, %arg4: memref<200x8x32x8x128xf32, #tpu.memory_space<hbm>>, %arg5: memref<25x8x128xi32, #tpu.memory_space<vmem>>, %arg6: memref<4x128x64xf32, #tpu.memory_space<vmem>>, %arg7: memref<4x8x8x136xf32, #tpu.memory_space<vmem>>, %arg8: memref<!tpu.dma_semaphore, #tpu.memory_space<semaphore_mem>>, %arg9: memref<!tpu.dma_semaphore, #tpu.memory_space<semaphore_mem>>, %arg10: memref<!tpu.dma_semaphore, #tpu.memory_space<semaphore_mem>>, %arg11: memref<!tpu.dma_semaphore, #tpu.memory_space<semaphore_mem>>, %arg12: memref<!tpu.dma_semaphore, #tpu.memory_space<semaphore_mem>>, %arg13: memref<!tpu.dma_semaphore, #tpu.memory_space<semaphore_mem>>, %arg14: memref<!tpu.dma_semaphore, #tpu.memory_space<semaphore_mem>>, %arg15: memref<!tpu.dma_semaphore, #tpu.memory_space<semaphore_mem>>) attributes {dimension_semantics = [#tpu.dimension_semantics<core_parallel>, #tpu.dimension_semantics<subcore_parallel>], iteration_bounds = array<i64: 2, 16>, scalar_prefetch = 0 : i64, scratch_operands = 11 : i64, tpu.core_type = #tpu.core_type<sc_vector_subcore>, window_params = [{transform_indices = #map}, {transform_indices = #map1}, {transform_indices = #map2}]} {
    %mul3A = arith.constant 2 : i32
    %mul3A_0 = arith.muli %arg1, %mul3A : i32
    %add3A = arith.addi %mul3A_0, %arg0 : i32
    "tpu.region"() ({
      %run_scoped3A = tpu.sem_alloc : memref<!tpu.dma_semaphore, #tpu.memory_space<semaphore_mem>>
      %dma_start3A_389 = arith.constant 0 : i32
      %dma_start3A_390 = arith.constant 0 : i32
      %dma_start3A_391 = arith.constant 0 : i32
      %dma_start3A_392 = tpu.memref_slice %arg2[%dma_start3A_389, %add3A, %dma_start3A_390, %dma_start3A_391] : memref<25x32x8x128xi32, #tpu.memory_space<hbm>> -> memref<25x1x8x128xi32, #tpu.memory_space<hbm>>
      %dma_start3A_393 = tpu.memref_squeeze %dma_start3A_392 : memref<25x1x8x128xi32, #tpu.memory_space<hbm>> -> memref<25x8x128xi32, #tpu.memory_space<hbm>>
      %dma_start3A_394 = arith.constant 0 : i32
      %dma_start3A_395 = arith.constant 0 : i32
      %dma_start3A_396 = arith.constant 0 : i32
      %dma_start3A_397 = tpu.memref_slice %arg2[%dma_start3A_394, %add3A, %dma_start3A_395, %dma_start3A_396] : memref<25x32x8x128xi32, #tpu.memory_space<hbm>> -> memref<25x1x8x128xi32, #tpu.memory_space<hbm>>
      %dma_start3A_398 = tpu.memref_squeeze %dma_start3A_397 : memref<25x1x8x128xi32, #tpu.memory_space<hbm>> -> memref<25x8x128xi32, #tpu.memory_space<hbm>>
      tpu.enqueue_dma source(%dma_start3A_398 : memref<25x8x128xi32, #tpu.memory_space<hbm>>) target(%arg5 : memref<25x8x128xi32, #tpu.memory_space<vmem>>) target_semaphore(%run_scoped3A : memref<!tpu.dma_semaphore, #tpu.memory_space<semaphore_mem>>)
      %dma_wait3A_399 = arith.constant 0 : i32
      %dma_wait3A_400 = arith.constant 0 : i32
      %dma_wait3A_401 = arith.constant 0 : i32
      %dma_wait3A_402 = tpu.memref_slice %arg2[%dma_wait3A_399, %add3A, %dma_wait3A_400, %dma_wait3A_401] : memref<25x32x8x128xi32, #tpu.memory_space<hbm>> -> memref<25x1x8x128xi32, #tpu.memory_space<hbm>>
      %dma_wait3A_403 = tpu.memref_squeeze %dma_wait3A_402 : memref<25x1x8x128xi32, #tpu.memory_space<hbm>> -> memref<25x8x128xi32, #tpu.memory_space<hbm>>
      %dma_wait3A_404 = arith.constant 0 : i32
      %dma_wait3A_405 = arith.constant 0 : i32
      %dma_wait3A_406 = arith.constant 0 : i32
      %dma_wait3A_407 = tpu.memref_slice %arg2[%dma_wait3A_404, %add3A, %dma_wait3A_405, %dma_wait3A_406] : memref<25x32x8x128xi32, #tpu.memory_space<hbm>> -> memref<25x1x8x128xi32, #tpu.memory_space<hbm>>
      %dma_wait3A_408 = tpu.memref_squeeze %dma_wait3A_407 : memref<25x1x8x128xi32, #tpu.memory_space<hbm>> -> memref<25x8x128xi32, #tpu.memory_space<hbm>>
      tpu.wait_dma2 semaphore(%run_scoped3A : memref<!tpu.dma_semaphore, #tpu.memory_space<semaphore_mem>>) src(%dma_wait3A_408 : memref<25x8x128xi32, #tpu.memory_space<hbm>>) dst(%arg5 : memref<25x8x128xi32, #tpu.memory_space<vmem>>)
      tpu.yield
    }) : () -> ()
    %iota3A = tpu.iota {dimensions = array<i32: 0>} : vector<16xi32>
    %add3A_1 = arith.constant 0 : i32
    %add3A_2 = vector.broadcast %add3A_1 : i32 to vector<16xi32>
    %add3A_3 = arith.addi %add3A_2, %iota3A : vector<16xi32>
    %jit3A = arith.constant 8 : i32
    %div3A = vector.broadcast %jit3A : i32 to vector<16xi32>
    %div3A_4 = arith.divsi %add3A_3, %div3A : vector<16xi32>
    %sign3A = arith.constant 0 : i32
    %sign3A_5 = vector.broadcast %sign3A : i32 to vector<16xi32>
    %sign3A_6 = arith.cmpi sgt, %add3A_3, %sign3A_5 : vector<16xi32>
    %sign3A_7 = arith.extui %sign3A_6 : vector<16xi1> to vector<16xi32>
    %sign3A_8 = arith.constant 0 : i32
    %sign3A_9 = vector.broadcast %sign3A_8 : i32 to vector<16xi32>
    %sign3A_10 = arith.cmpi slt, %add3A_3, %sign3A_9 : vector<16xi32>
    %sign3A_11 = arith.extui %sign3A_10 : vector<16xi1> to vector<16xi32>
    %sign3A_12 = arith.subi %sign3A_7, %sign3A_11 : vector<16xi32>
    %sign3A_13 = arith.constant 0 : i32
    %sign3A_14 = arith.cmpi sgt, %jit3A, %sign3A_13 : i32
    %sign3A_15 = arith.extui %sign3A_14 : i1 to i32
    %sign3A_16 = arith.constant 0 : i32
    %sign3A_17 = arith.cmpi slt, %jit3A, %sign3A_16 : i32
    %sign3A_18 = arith.extui %sign3A_17 : i1 to i32
    %sign3A_19 = arith.subi %sign3A_15, %sign3A_18 : i32
    %ne3A = vector.broadcast %sign3A_19 : i32 to vector<16xi32>
    %ne3A_20 = arith.cmpi ne, %sign3A_12, %ne3A : vector<16xi32>
    %rem3A = vector.broadcast %jit3A : i32 to vector<16xi32>
    %rem3A_21 = arith.remsi %add3A_3, %rem3A : vector<16xi32>
    %ne3A_22 = arith.constant 0 : i32
    %ne3A_23 = vector.broadcast %ne3A_22 : i32 to vector<16xi32>
    %ne3A_24 = arith.cmpi ne, %rem3A_21, %ne3A_23 : vector<16xi32>
    %and3A = arith.andi %ne3A_20, %ne3A_24 : vector<16xi1>
    %sub3A = arith.constant 1 : i32
    %sub3A_25 = vector.broadcast %sub3A : i32 to vector<16xi32>
    %sub3A_26 = arith.subi %div3A_4, %sub3A_25 : vector<16xi32>
    %select_n3A = arith.select %and3A, %sub3A_26, %div3A_4 : vector<16xi1>, vector<16xi32>
    %jit3A_27 = arith.constant 8 : i32
    %eq3A = arith.constant 0 : i32
    %eq3A_28 = arith.cmpi eq, %jit3A_27, %eq3A : i32
    %jit3A_29 = arith.constant 1 : i32
    %select_n3A_30 = arith.select %eq3A_28, %jit3A_29, %jit3A_27 : i32
    %rem3A_31 = vector.broadcast %select_n3A_30 : i32 to vector<16xi32>
    %rem3A_32 = arith.remsi %add3A_3, %rem3A_31 : vector<16xi32>
    %ne3A_33 = arith.constant 0 : i32
    %ne3A_34 = vector.broadcast %ne3A_33 : i32 to vector<16xi32>
    %ne3A_35 = arith.cmpi ne, %rem3A_32, %ne3A_34 : vector<16xi32>
    %lt3A = arith.constant 0 : i32
    %lt3A_36 = vector.broadcast %lt3A : i32 to vector<16xi32>
    %lt3A_37 = arith.cmpi slt, %rem3A_32, %lt3A_36 : vector<16xi32>
    %lt3A_38 = arith.constant 0 : i32
    %lt3A_39 = arith.cmpi slt, %select_n3A_30, %lt3A_38 : i32
    %ne3A_40 = vector.broadcast %lt3A_39 : i1 to vector<16xi1>
    %ne3A_41 = vector.broadcast %ne3A_40 : vector<16xi1> to vector<16xi1>
    %ne3A_42 = arith.xori %lt3A_37, %ne3A_41 : vector<16xi1>
    %and3A_43 = arith.andi %ne3A_42, %ne3A_35 : vector<16xi1>
    %add3A_44 = vector.broadcast %select_n3A_30 : i32 to vector<16xi32>
    %add3A_45 = arith.addi %rem3A_32, %add3A_44 : vector<16xi32>
    %select_n3A_46 = arith.select %and3A_43, %add3A_45, %rem3A_32 : vector<16xi1>, vector<16xi32>
    %add3A_47 = arith.constant 16 : i32
    %add3A_48 = vector.broadcast %add3A_47 : i32 to vector<16xi32>
    %add3A_49 = arith.addi %add3A_48, %iota3A : vector<16xi32>
    %jit3A_50 = arith.constant 8 : i32
    %div3A_51 = vector.broadcast %jit3A_50 : i32 to vector<16xi32>
    %div3A_52 = arith.divsi %add3A_49, %div3A_51 : vector<16xi32>
    %sign3A_53 = arith.constant 0 : i32
    %sign3A_54 = vector.broadcast %sign3A_53 : i32 to vector<16xi32>
    %sign3A_55 = arith.cmpi sgt, %add3A_49, %sign3A_54 : vector<16xi32>
    %sign3A_56 = arith.extui %sign3A_55 : vector<16xi1> to vector<16xi32>
    %sign3A_57 = arith.constant 0 : i32
    %sign3A_58 = vector.broadcast %sign3A_57 : i32 to vector<16xi32>
    %sign3A_59 = arith.cmpi slt, %add3A_49, %sign3A_58 : vector<16xi32>
    %sign3A_60 = arith.extui %sign3A_59 : vector<16xi1> to vector<16xi32>
    %sign3A_61 = arith.subi %sign3A_56, %sign3A_60 : vector<16xi32>
    %sign3A_62 = arith.constant 0 : i32
    %sign3A_63 = arith.cmpi sgt, %jit3A_50, %sign3A_62 : i32
    %sign3A_64 = arith.extui %sign3A_63 : i1 to i32
    %sign3A_65 = arith.constant 0 : i32
    %sign3A_66 = arith.cmpi slt, %jit3A_50, %sign3A_65 : i32
    %sign3A_67 = arith.extui %sign3A_66 : i1 to i32
    %sign3A_68 = arith.subi %sign3A_64, %sign3A_67 : i32
    %ne3A_69 = vector.broadcast %sign3A_68 : i32 to vector<16xi32>
    %ne3A_70 = arith.cmpi ne, %sign3A_61, %ne3A_69 : vector<16xi32>
    %rem3A_71 = vector.broadcast %jit3A_50 : i32 to vector<16xi32>
    %rem3A_72 = arith.remsi %add3A_49, %rem3A_71 : vector<16xi32>
    %ne3A_73 = arith.constant 0 : i32
    %ne3A_74 = vector.broadcast %ne3A_73 : i32 to vector<16xi32>
    %ne3A_75 = arith.cmpi ne, %rem3A_72, %ne3A_74 : vector<16xi32>
    %and3A_76 = arith.andi %ne3A_70, %ne3A_75 : vector<16xi1>
    %sub3A_77 = arith.constant 1 : i32
    %sub3A_78 = vector.broadcast %sub3A_77 : i32 to vector<16xi32>
    %sub3A_79 = arith.subi %div3A_52, %sub3A_78 : vector<16xi32>
    %select_n3A_80 = arith.select %and3A_76, %sub3A_79, %div3A_52 : vector<16xi1>, vector<16xi32>
    %jit3A_81 = arith.constant 8 : i32
    %eq3A_82 = arith.constant 0 : i32
    %eq3A_83 = arith.cmpi eq, %jit3A_81, %eq3A_82 : i32
    %jit3A_84 = arith.constant 1 : i32
    %select_n3A_85 = arith.select %eq3A_83, %jit3A_84, %jit3A_81 : i32
    %rem3A_86 = vector.broadcast %select_n3A_85 : i32 to vector<16xi32>
    %rem3A_87 = arith.remsi %add3A_49, %rem3A_86 : vector<16xi32>
    %ne3A_88 = arith.constant 0 : i32
    %ne3A_89 = vector.broadcast %ne3A_88 : i32 to vector<16xi32>
    %ne3A_90 = arith.cmpi ne, %rem3A_87, %ne3A_89 : vector<16xi32>
    %lt3A_91 = arith.constant 0 : i32
    %lt3A_92 = vector.broadcast %lt3A_91 : i32 to vector<16xi32>
    %lt3A_93 = arith.cmpi slt, %rem3A_87, %lt3A_92 : vector<16xi32>
    %lt3A_94 = arith.constant 0 : i32
    %lt3A_95 = arith.cmpi slt, %select_n3A_85, %lt3A_94 : i32
    %ne3A_96 = vector.broadcast %lt3A_95 : i1 to vector<16xi1>
    %ne3A_97 = vector.broadcast %ne3A_96 : vector<16xi1> to vector<16xi1>
    %ne3A_98 = arith.xori %lt3A_93, %ne3A_97 : vector<16xi1>
    %and3A_99 = arith.andi %ne3A_98, %ne3A_90 : vector<16xi1>
    %add3A_100 = vector.broadcast %select_n3A_85 : i32 to vector<16xi32>
    %add3A_101 = arith.addi %rem3A_87, %add3A_100 : vector<16xi32>
    %select_n3A_102 = arith.select %and3A_99, %add3A_101, %rem3A_87 : vector<16xi1>, vector<16xi32>
    %add3A_103 = arith.constant 32 : i32
    %add3A_104 = vector.broadcast %add3A_103 : i32 to vector<16xi32>
    %add3A_105 = arith.addi %add3A_104, %iota3A : vector<16xi32>
    %jit3A_106 = arith.constant 8 : i32
    %div3A_107 = vector.broadcast %jit3A_106 : i32 to vector<16xi32>
    %div3A_108 = arith.divsi %add3A_105, %div3A_107 : vector<16xi32>
    %sign3A_109 = arith.constant 0 : i32
    %sign3A_110 = vector.broadcast %sign3A_109 : i32 to vector<16xi32>
    %sign3A_111 = arith.cmpi sgt, %add3A_105, %sign3A_110 : vector<16xi32>
    %sign3A_112 = arith.extui %sign3A_111 : vector<16xi1> to vector<16xi32>
    %sign3A_113 = arith.constant 0 : i32
    %sign3A_114 = vector.broadcast %sign3A_113 : i32 to vector<16xi32>
    %sign3A_115 = arith.cmpi slt, %add3A_105, %sign3A_114 : vector<16xi32>
    %sign3A_116 = arith.extui %sign3A_115 : vector<16xi1> to vector<16xi32>
    %sign3A_117 = arith.subi %sign3A_112, %sign3A_116 : vector<16xi32>
    %sign3A_118 = arith.constant 0 : i32
    %sign3A_119 = arith.cmpi sgt, %jit3A_106, %sign3A_118 : i32
    %sign3A_120 = arith.extui %sign3A_119 : i1 to i32
    %sign3A_121 = arith.constant 0 : i32
    %sign3A_122 = arith.cmpi slt, %jit3A_106, %sign3A_121 : i32
    %sign3A_123 = arith.extui %sign3A_122 : i1 to i32
    %sign3A_124 = arith.subi %sign3A_120, %sign3A_123 : i32
    %ne3A_125 = vector.broadcast %sign3A_124 : i32 to vector<16xi32>
    %ne3A_126 = arith.cmpi ne, %sign3A_117, %ne3A_125 : vector<16xi32>
    %rem3A_127 = vector.broadcast %jit3A_106 : i32 to vector<16xi32>
    %rem3A_128 = arith.remsi %add3A_105, %rem3A_127 : vector<16xi32>
    %ne3A_129 = arith.constant 0 : i32
    %ne3A_130 = vector.broadcast %ne3A_129 : i32 to vector<16xi32>
    %ne3A_131 = arith.cmpi ne, %rem3A_128, %ne3A_130 : vector<16xi32>
    %and3A_132 = arith.andi %ne3A_126, %ne3A_131 : vector<16xi1>
    %sub3A_133 = arith.constant 1 : i32
    %sub3A_134 = vector.broadcast %sub3A_133 : i32 to vector<16xi32>
    %sub3A_135 = arith.subi %div3A_108, %sub3A_134 : vector<16xi32>
    %select_n3A_136 = arith.select %and3A_132, %sub3A_135, %div3A_108 : vector<16xi1>, vector<16xi32>
    %jit3A_137 = arith.constant 8 : i32
    %eq3A_138 = arith.constant 0 : i32
    %eq3A_139 = arith.cmpi eq, %jit3A_137, %eq3A_138 : i32
    %jit3A_140 = arith.constant 1 : i32
    %select_n3A_141 = arith.select %eq3A_139, %jit3A_140, %jit3A_137 : i32
    %rem3A_142 = vector.broadcast %select_n3A_141 : i32 to vector<16xi32>
    %rem3A_143 = arith.remsi %add3A_105, %rem3A_142 : vector<16xi32>
    %ne3A_144 = arith.constant 0 : i32
    %ne3A_145 = vector.broadcast %ne3A_144 : i32 to vector<16xi32>
    %ne3A_146 = arith.cmpi ne, %rem3A_143, %ne3A_145 : vector<16xi32>
    %lt3A_147 = arith.constant 0 : i32
    %lt3A_148 = vector.broadcast %lt3A_147 : i32 to vector<16xi32>
    %lt3A_149 = arith.cmpi slt, %rem3A_143, %lt3A_148 : vector<16xi32>
    %lt3A_150 = arith.constant 0 : i32
    %lt3A_151 = arith.cmpi slt, %select_n3A_141, %lt3A_150 : i32
    %ne3A_152 = vector.broadcast %lt3A_151 : i1 to vector<16xi1>
    %ne3A_153 = vector.broadcast %ne3A_152 : vector<16xi1> to vector<16xi1>
    %ne3A_154 = arith.xori %lt3A_149, %ne3A_153 : vector<16xi1>
    %and3A_155 = arith.andi %ne3A_154, %ne3A_146 : vector<16xi1>
    %add3A_156 = vector.broadcast %select_n3A_141 : i32 to vector<16xi32>
    %add3A_157 = arith.addi %rem3A_143, %add3A_156 : vector<16xi32>
    %select_n3A_158 = arith.select %and3A_155, %add3A_157, %rem3A_143 : vector<16xi1>, vector<16xi32>
    %add3A_159 = arith.constant 48 : i32
    %add3A_160 = vector.broadcast %add3A_159 : i32 to vector<16xi32>
    %add3A_161 = arith.addi %add3A_160, %iota3A : vector<16xi32>
    %jit3A_162 = arith.constant 8 : i32
    %div3A_163 = vector.broadcast %jit3A_162 : i32 to vector<16xi32>
    %div3A_164 = arith.divsi %add3A_161, %div3A_163 : vector<16xi32>
    %sign3A_165 = arith.constant 0 : i32
    %sign3A_166 = vector.broadcast %sign3A_165 : i32 to vector<16xi32>
    %sign3A_167 = arith.cmpi sgt, %add3A_161, %sign3A_166 : vector<16xi32>
    %sign3A_168 = arith.extui %sign3A_167 : vector<16xi1> to vector<16xi32>
    %sign3A_169 = arith.constant 0 : i32
    %sign3A_170 = vector.broadcast %sign3A_169 : i32 to vector<16xi32>
    %sign3A_171 = arith.cmpi slt, %add3A_161, %sign3A_170 : vector<16xi32>
    %sign3A_172 = arith.extui %sign3A_171 : vector<16xi1> to vector<16xi32>
    %sign3A_173 = arith.subi %sign3A_168, %sign3A_172 : vector<16xi32>
    %sign3A_174 = arith.constant 0 : i32
    %sign3A_175 = arith.cmpi sgt, %jit3A_162, %sign3A_174 : i32
    %sign3A_176 = arith.extui %sign3A_175 : i1 to i32
    %sign3A_177 = arith.constant 0 : i32
    %sign3A_178 = arith.cmpi slt, %jit3A_162, %sign3A_177 : i32
    %sign3A_179 = arith.extui %sign3A_178 : i1 to i32
    %sign3A_180 = arith.subi %sign3A_176, %sign3A_179 : i32
    %ne3A_181 = vector.broadcast %sign3A_180 : i32 to vector<16xi32>
    %ne3A_182 = arith.cmpi ne, %sign3A_173, %ne3A_181 : vector<16xi32>
    %rem3A_183 = vector.broadcast %jit3A_162 : i32 to vector<16xi32>
    %rem3A_184 = arith.remsi %add3A_161, %rem3A_183 : vector<16xi32>
    %ne3A_185 = arith.constant 0 : i32
    %ne3A_186 = vector.broadcast %ne3A_185 : i32 to vector<16xi32>
    %ne3A_187 = arith.cmpi ne, %rem3A_184, %ne3A_186 : vector<16xi32>
    %and3A_188 = arith.andi %ne3A_182, %ne3A_187 : vector<16xi1>
    %sub3A_189 = arith.constant 1 : i32
    %sub3A_190 = vector.broadcast %sub3A_189 : i32 to vector<16xi32>
    %sub3A_191 = arith.subi %div3A_164, %sub3A_190 : vector<16xi32>
    %select_n3A_192 = arith.select %and3A_188, %sub3A_191, %div3A_164 : vector<16xi1>, vector<16xi32>
    %jit3A_193 = arith.constant 8 : i32
    %eq3A_194 = arith.constant 0 : i32
    %eq3A_195 = arith.cmpi eq, %jit3A_193, %eq3A_194 : i32
    %jit3A_196 = arith.constant 1 : i32
    %select_n3A_197 = arith.select %eq3A_195, %jit3A_196, %jit3A_193 : i32
    %rem3A_198 = vector.broadcast %select_n3A_197 : i32 to vector<16xi32>
    %rem3A_199 = arith.remsi %add3A_161, %rem3A_198 : vector<16xi32>
    %ne3A_200 = arith.constant 0 : i32
    %ne3A_201 = vector.broadcast %ne3A_200 : i32 to vector<16xi32>
    %ne3A_202 = arith.cmpi ne, %rem3A_199, %ne3A_201 : vector<16xi32>
    %lt3A_203 = arith.constant 0 : i32
    %lt3A_204 = vector.broadcast %lt3A_203 : i32 to vector<16xi32>
    %lt3A_205 = arith.cmpi slt, %rem3A_199, %lt3A_204 : vector<16xi32>
    %lt3A_206 = arith.constant 0 : i32
    %lt3A_207 = arith.cmpi slt, %select_n3A_197, %lt3A_206 : i32
    %ne3A_208 = vector.broadcast %lt3A_207 : i1 to vector<16xi1>
    %ne3A_209 = vector.broadcast %ne3A_208 : vector<16xi1> to vector<16xi1>
    %ne3A_210 = arith.xori %lt3A_205, %ne3A_209 : vector<16xi1>
    %and3A_211 = arith.andi %ne3A_210, %ne3A_202 : vector<16xi1>
    %add3A_212 = vector.broadcast %select_n3A_197 : i32 to vector<16xi32>
    %add3A_213 = arith.addi %rem3A_199, %add3A_212 : vector<16xi32>
    %select_n3A_214 = arith.select %and3A_211, %add3A_213, %rem3A_199 : vector<16xi1>, vector<16xi32>
    %dma_start3A = arith.constant 0 : i32
    %dma_start3A_215 = arith.constant 0 : i32
    %dma_start3A_216 = arith.constant 0 : i32
    %dma_start3A_217 = arith.constant 0 : i32
    %dma_start3A_218 = arith.constant 0 : i32
    %dma_start3A_219 = tpu.memref_slice %arg6[%dma_start3A_216, %dma_start3A_217, %dma_start3A_218] : memref<4x128x64xf32, #tpu.memory_space<vmem>> -> memref<1x128x64xf32, #tpu.memory_space<vmem>>
    %dma_start3A_220 = tpu.memref_squeeze %dma_start3A_219 : memref<1x128x64xf32, #tpu.memory_space<vmem>> -> memref<128x64xf32, #tpu.memory_space<vmem>>
    %dma_start3A_221 = arith.constant 0 : i32
    %dma_start3A_222 = tpu.memref_slice %arg5[%dma_start3A, %dma_start3A_215, %dma_start3A_221] : memref<25x8x128xi32, #tpu.memory_space<vmem>> -> memref<1x1x128xi32, #tpu.memory_space<vmem>>
    %dma_start3A_223 = tpu.memref_squeeze %dma_start3A_222 : memref<1x1x128xi32, #tpu.memory_space<vmem>> -> memref<128xi32, #tpu.memory_space<vmem>>
    %dma_start3A_224 = arith.constant 0 : i32
    %dma_start3A_225 = arith.constant 0 : i32
    %dma_start3A_226 = tpu.memref_slice %arg3[%dma_start3A_224, %dma_start3A_225] : memref<1000000x64xf32, #tpu.memory_space<hbm>> -> memref<1000000x64xf32, #tpu.memory_space<hbm>>
    tpu.enqueue_indirect_dma source(%dma_start3A_226 : memref<1000000x64xf32, #tpu.memory_space<hbm>>) target(%dma_start3A_220 : memref<128x64xf32, #tpu.memory_space<vmem>>) offsets(%dma_start3A_223 : memref<128xi32, #tpu.memory_space<vmem>>) semaphore(%arg8 : memref<!tpu.dma_semaphore, #tpu.memory_space<semaphore_mem>>)
    %dma_start3A_227 = arith.constant 0 : i32
    %dma_start3A_228 = arith.constant 1 : i32
    %dma_start3A_229 = arith.constant 1 : i32
    %dma_start3A_230 = arith.constant 0 : i32
    %dma_start3A_231 = arith.constant 0 : i32
    %dma_start3A_232 = tpu.memref_slice %arg6[%dma_start3A_229, %dma_start3A_230, %dma_start3A_231] : memref<4x128x64xf32, #tpu.memory_space<vmem>> -> memref<1x128x64xf32, #tpu.memory_space<vmem>>
    %dma_start3A_233 = tpu.memref_squeeze %dma_start3A_232 : memref<1x128x64xf32, #tpu.memory_space<vmem>> -> memref<128x64xf32, #tpu.memory_space<vmem>>
    %dma_start3A_234 = arith.constant 0 : i32
    %dma_start3A_235 = tpu.memref_slice %arg5[%dma_start3A_227, %dma_start3A_228, %dma_start3A_234] : memref<25x8x128xi32, #tpu.memory_space<vmem>> -> memref<1x1x128xi32, #tpu.memory_space<vmem>>
    %dma_start3A_236 = tpu.memref_squeeze %dma_start3A_235 : memref<1x1x128xi32, #tpu.memory_space<vmem>> -> memref<128xi32, #tpu.memory_space<vmem>>
    %dma_start3A_237 = arith.constant 0 : i32
    %dma_start3A_238 = arith.constant 0 : i32
    %dma_start3A_239 = tpu.memref_slice %arg3[%dma_start3A_237, %dma_start3A_238] : memref<1000000x64xf32, #tpu.memory_space<hbm>> -> memref<1000000x64xf32, #tpu.memory_space<hbm>>
    tpu.enqueue_indirect_dma source(%dma_start3A_239 : memref<1000000x64xf32, #tpu.memory_space<hbm>>) target(%dma_start3A_233 : memref<128x64xf32, #tpu.memory_space<vmem>>) offsets(%dma_start3A_236 : memref<128xi32, #tpu.memory_space<vmem>>) semaphore(%arg9 : memref<!tpu.dma_semaphore, #tpu.memory_space<semaphore_mem>>)
    %dma_start3A_240 = arith.constant 0 : i32
    %dma_start3A_241 = arith.constant 2 : i32
    %dma_start3A_242 = arith.constant 2 : i32
    %dma_start3A_243 = arith.constant 0 : i32
    %dma_start3A_244 = arith.constant 0 : i32
    %dma_start3A_245 = tpu.memref_slice %arg6[%dma_start3A_242, %dma_start3A_243, %dma_start3A_244] : memref<4x128x64xf32, #tpu.memory_space<vmem>> -> memref<1x128x64xf32, #tpu.memory_space<vmem>>
    %dma_start3A_246 = tpu.memref_squeeze %dma_start3A_245 : memref<1x128x64xf32, #tpu.memory_space<vmem>> -> memref<128x64xf32, #tpu.memory_space<vmem>>
    %dma_start3A_247 = arith.constant 0 : i32
    %dma_start3A_248 = tpu.memref_slice %arg5[%dma_start3A_240, %dma_start3A_241, %dma_start3A_247] : memref<25x8x128xi32, #tpu.memory_space<vmem>> -> memref<1x1x128xi32, #tpu.memory_space<vmem>>
    %dma_start3A_249 = tpu.memref_squeeze %dma_start3A_248 : memref<1x1x128xi32, #tpu.memory_space<vmem>> -> memref<128xi32, #tpu.memory_space<vmem>>
    %dma_start3A_250 = arith.constant 0 : i32
    %dma_start3A_251 = arith.constant 0 : i32
    %dma_start3A_252 = tpu.memref_slice %arg3[%dma_start3A_250, %dma_start3A_251] : memref<1000000x64xf32, #tpu.memory_space<hbm>> -> memref<1000000x64xf32, #tpu.memory_space<hbm>>
    tpu.enqueue_indirect_dma source(%dma_start3A_252 : memref<1000000x64xf32, #tpu.memory_space<hbm>>) target(%dma_start3A_246 : memref<128x64xf32, #tpu.memory_space<vmem>>) offsets(%dma_start3A_249 : memref<128xi32, #tpu.memory_space<vmem>>) semaphore(%arg10 : memref<!tpu.dma_semaphore, #tpu.memory_space<semaphore_mem>>)
    %dma_start3A_253 = arith.constant 0 : i32
    %dma_start3A_254 = arith.constant 3 : i32
    %dma_start3A_255 = arith.constant 3 : i32
    %dma_start3A_256 = arith.constant 0 : i32
    %dma_start3A_257 = arith.constant 0 : i32
    %dma_start3A_258 = tpu.memref_slice %arg6[%dma_start3A_255, %dma_start3A_256, %dma_start3A_257] : memref<4x128x64xf32, #tpu.memory_space<vmem>> -> memref<1x128x64xf32, #tpu.memory_space<vmem>>
    %dma_start3A_259 = tpu.memref_squeeze %dma_start3A_258 : memref<1x128x64xf32, #tpu.memory_space<vmem>> -> memref<128x64xf32, #tpu.memory_space<vmem>>
    %dma_start3A_260 = arith.constant 0 : i32
    %dma_start3A_261 = tpu.memref_slice %arg5[%dma_start3A_253, %dma_start3A_254, %dma_start3A_260] : memref<25x8x128xi32, #tpu.memory_space<vmem>> -> memref<1x1x128xi32, #tpu.memory_space<vmem>>
    %dma_start3A_262 = tpu.memref_squeeze %dma_start3A_261 : memref<1x1x128xi32, #tpu.memory_space<vmem>> -> memref<128xi32, #tpu.memory_space<vmem>>
    %dma_start3A_263 = arith.constant 0 : i32
    %dma_start3A_264 = arith.constant 0 : i32
    %dma_start3A_265 = tpu.memref_slice %arg3[%dma_start3A_263, %dma_start3A_264] : memref<1000000x64xf32, #tpu.memory_space<hbm>> -> memref<1000000x64xf32, #tpu.memory_space<hbm>>
    tpu.enqueue_indirect_dma source(%dma_start3A_265 : memref<1000000x64xf32, #tpu.memory_space<hbm>>) target(%dma_start3A_259 : memref<128x64xf32, #tpu.memory_space<vmem>>) offsets(%dma_start3A_262 : memref<128xi32, #tpu.memory_space<vmem>>) semaphore(%arg11 : memref<!tpu.dma_semaphore, #tpu.memory_space<semaphore_mem>>)
    %scan3A = arith.constant 0 : i32
    %scan3A_266 = arith.constant 50 : i32
    %scan3A_267 = arith.addi %scan3A, %scan3A_266 : i32
    %scan3A_268 = arith.constant 1 : i32
    scf.for %scan3A_389 = %scan3A to %scan3A_267 step %scan3A_268  : i32 {
      %mul3A_390 = arith.constant 4 : i32
      %mul3A_391 = arith.muli %scan3A_389, %mul3A_390 : i32
      %add3A_392 = arith.constant 0 : i32
      %add3A_393 = arith.addi %add3A_392, %mul3A_391 : i32
      %add3A_394 = arith.constant 0 : i32
      %add3A_395 = arith.addi %add3A_393, %add3A_394 : i32
      %dma_wait3A_396 = arith.constant 0 : i32
      %dma_wait3A_397 = arith.constant 0 : i32
      %dma_wait3A_398 = arith.constant 0 : i32
      %dma_wait3A_399 = arith.constant 0 : i32
      %dma_wait3A_400 = arith.constant 0 : i32
      %dma_wait3A_401 = tpu.memref_slice %arg6[%dma_wait3A_398, %dma_wait3A_399, %dma_wait3A_400] : memref<4x128x64xf32, #tpu.memory_space<vmem>> -> memref<1x128x64xf32, #tpu.memory_space<vmem>>
      %dma_wait3A_402 = tpu.memref_squeeze %dma_wait3A_401 : memref<1x128x64xf32, #tpu.memory_space<vmem>> -> memref<128x64xf32, #tpu.memory_space<vmem>>
      %dma_wait3A_403 = arith.constant 0 : i32
      %dma_wait3A_404 = tpu.memref_slice %arg5[%dma_wait3A_396, %dma_wait3A_397, %dma_wait3A_403] : memref<25x8x128xi32, #tpu.memory_space<vmem>> -> memref<1x1x128xi32, #tpu.memory_space<vmem>>
      %dma_wait3A_405 = tpu.memref_squeeze %dma_wait3A_404 : memref<1x1x128xi32, #tpu.memory_space<vmem>> -> memref<128xi32, #tpu.memory_space<vmem>>
      %dma_wait3A_406 = arith.constant 0 : i32
      %dma_wait3A_407 = arith.constant 0 : i32
      %dma_wait3A_408 = tpu.memref_slice %arg3[%dma_wait3A_406, %dma_wait3A_407] : memref<1000000x64xf32, #tpu.memory_space<hbm>> -> memref<1000000x64xf32, #tpu.memory_space<hbm>>
      tpu.wait_indirect_dma semaphore(%arg8 : memref<!tpu.dma_semaphore, #tpu.memory_space<semaphore_mem>>) src(%dma_wait3A_408 : memref<1000000x64xf32, #tpu.memory_space<hbm>>) dst(%dma_wait3A_402 : memref<128x64xf32, #tpu.memory_space<vmem>>)
      %ge3A = arith.constant 4 : i32
      %ge3A_409 = arith.cmpi sge, %add3A_395, %ge3A : i32
      %convert_element_type3A = arith.extui %ge3A_409 : i1 to i32
      %cond3A = arith.constant 0 : i32
      %cond3A_410 = arith.constant 0 : i32
      %cond3A_411 = arith.cmpi ne, %convert_element_type3A, %cond3A_410 : i32
      scf.if %cond3A_411 {
        %dma_wait3A_638 = arith.constant 0 : i32
        %dma_wait3A_639 = arith.constant 0 : i32
        %dma_wait3A_640 = arith.constant 0 : i32
        %dma_wait3A_641 = arith.constant 0 : i32
        %dma_wait3A_642 = tpu.memref_slice %arg7[%cond3A, %dma_wait3A_639, %dma_wait3A_640, %dma_wait3A_641] : memref<4x8x8x136xf32, #tpu.memory_space<vmem>> -> memref<1x8x8x136xf32, #tpu.memory_space<vmem>>
        %dma_wait3A_643 = tpu.memref_squeeze %dma_wait3A_642 : memref<1x8x8x136xf32, #tpu.memory_space<vmem>> -> memref<8x8x136xf32, #tpu.memory_space<vmem>>
        %dma_wait3A_644 = arith.constant 0 : i32
        %dma_wait3A_645 = arith.constant 0 : i32
        %dma_wait3A_646 = arith.constant 0 : i32
        %dma_wait3A_647 = tpu.memref_slice %dma_wait3A_643[%dma_wait3A_644, %dma_wait3A_645, %dma_wait3A_646] : memref<8x8x136xf32, #tpu.memory_space<vmem>> -> memref<8x8x128xf32, #tpu.memory_space<vmem>>
        %dma_wait3A_648 = arith.constant 0 : i32
        %dma_wait3A_649 = arith.constant 0 : i32
        %dma_wait3A_650 = arith.constant 0 : i32
        %dma_wait3A_651 = tpu.memref_slice %arg4[%dma_wait3A_638, %dma_wait3A_648, %add3A, %dma_wait3A_649, %dma_wait3A_650] : memref<200x8x32x8x128xf32, #tpu.memory_space<hbm>> -> memref<1x8x1x8x128xf32, #tpu.memory_space<hbm>>
        %dma_wait3A_652 = tpu.memref_squeeze %dma_wait3A_651 : memref<1x8x1x8x128xf32, #tpu.memory_space<hbm>> -> memref<8x8x128xf32, #tpu.memory_space<hbm>>
        %dma_wait3A_653 = arith.constant 0 : i32
        %dma_wait3A_654 = arith.constant 0 : i32
        %dma_wait3A_655 = arith.constant 0 : i32
        %dma_wait3A_656 = tpu.memref_slice %arg4[%dma_wait3A_638, %dma_wait3A_653, %add3A, %dma_wait3A_654, %dma_wait3A_655] : memref<200x8x32x8x128xf32, #tpu.memory_space<hbm>> -> memref<1x8x1x8x128xf32, #tpu.memory_space<hbm>>
        %dma_wait3A_657 = tpu.memref_squeeze %dma_wait3A_656 : memref<1x8x1x8x128xf32, #tpu.memory_space<hbm>> -> memref<8x8x128xf32, #tpu.memory_space<hbm>>
        %dma_wait3A_658 = arith.constant 0 : i32
        %dma_wait3A_659 = arith.constant 0 : i32
        %dma_wait3A_660 = arith.constant 0 : i32
        %dma_wait3A_661 = tpu.memref_slice %arg7[%cond3A, %dma_wait3A_658, %dma_wait3A_659, %dma_wait3A_660] : memref<4x8x8x136xf32, #tpu.memory_space<vmem>> -> memref<1x8x8x136xf32, #tpu.memory_space<vmem>>
        %dma_wait3A_662 = tpu.memref_squeeze %dma_wait3A_661 : memref<1x8x8x136xf32, #tpu.memory_space<vmem>> -> memref<8x8x136xf32, #tpu.memory_space<vmem>>
        %dma_wait3A_663 = arith.constant 0 : i32
        %dma_wait3A_664 = arith.constant 0 : i32
        %dma_wait3A_665 = arith.constant 0 : i32
        %dma_wait3A_666 = tpu.memref_slice %dma_wait3A_662[%dma_wait3A_663, %dma_wait3A_664, %dma_wait3A_665] : memref<8x8x136xf32, #tpu.memory_space<vmem>> -> memref<8x8x128xf32, #tpu.memory_space<vmem>>
        tpu.wait_dma2 semaphore(%arg12 : memref<!tpu.dma_semaphore, #tpu.memory_space<semaphore_mem>>) src(%dma_wait3A_666 : memref<8x8x128xf32, #tpu.memory_space<vmem>>) dst(%dma_wait3A_657 : memref<8x8x128xf32, #tpu.memory_space<hbm>>)
      } else {
      }
      %parallel_loop3A = arith.constant 0 : i32
      %parallel_loop3A_412 = arith.constant 128 : i32
      %parallel_loop3A_413 = arith.constant 1 : i32
      %parallel_loop3A_414 = arith.constant 0 : i32
      %parallel_loop3A_415 = arith.constant 0 : i32
      scf.for %parallel_loop3A_638 = %parallel_loop3A to %parallel_loop3A_412 step %parallel_loop3A_413  : i32 {
        %parallel_loop3A_639 = vector.broadcast %parallel_loop3A_638 : i32 to vector<16xi32>
        %parallel_loop3A_640 = arith.constant 0 : i32
        %parallel_loop3A_641 = arith.constant 0 : i32
        %parallel_loop3A_642 = tpu.memref_slice %arg6[%parallel_loop3A_414, %parallel_loop3A_640, %parallel_loop3A_641] : memref<4x128x64xf32, #tpu.memory_space<vmem>> -> memref<1x128x64xf32, #tpu.memory_space<vmem>>
        %parallel_loop3A_643 = tpu.memref_squeeze %parallel_loop3A_642 : memref<1x128x64xf32, #tpu.memory_space<vmem>> -> memref<128x64xf32, #tpu.memory_space<vmem>>
        %parallel_loop3A_644 = arith.index_cast %parallel_loop3A_638 : i32 to index
        %parallel_loop3A_645 = arith.constant 0 : index
        %parallel_loop3A_646 = tpu.vector_load %parallel_loop3A_643[%parallel_loop3A_644, %parallel_loop3A_645] {strides = array<i32>} : memref<128x64xf32, #tpu.memory_space<vmem>>, vector<16xf32>,
        %parallel_loop3A_647 = arith.constant 8.000000e+00 : f32
        %parallel_loop3A_648 = vector.broadcast %parallel_loop3A_647 : f32 to vector<16xf32>
        %parallel_loop3A_649 = arith.mulf %parallel_loop3A_646, %parallel_loop3A_648 : vector<16xf32>
        %parallel_loop3A_650 = arith.constant 0 : i32
        %parallel_loop3A_651 = arith.constant 0 : i32
        %parallel_loop3A_652 = arith.constant 0 : i32
        %parallel_loop3A_653 = tpu.memref_slice %arg7[%parallel_loop3A_415, %parallel_loop3A_650, %parallel_loop3A_651, %parallel_loop3A_652] : memref<4x8x8x136xf32, #tpu.memory_space<vmem>> -> memref<1x8x8x136xf32, #tpu.memory_space<vmem>>
        %parallel_loop3A_654 = tpu.memref_squeeze %parallel_loop3A_653 : memref<1x8x8x136xf32, #tpu.memory_space<vmem>> -> memref<8x8x136xf32, #tpu.memory_space<vmem>>
        tpu.vector_store_idx %parallel_loop3A_654[%select_n3A, %select_n3A_46, %parallel_loop3A_639], %parallel_loop3A_649 : memref<8x8x136xf32, #tpu.memory_space<vmem>>[vector<16xi32>, vector<16xi32>, vector<16xi32>], vector<16xf32>,
        %parallel_loop3A_655 = arith.constant 0 : i32
        %parallel_loop3A_656 = arith.constant 0 : i32
        %parallel_loop3A_657 = tpu.memref_slice %arg6[%parallel_loop3A_414, %parallel_loop3A_655, %parallel_loop3A_656] : memref<4x128x64xf32, #tpu.memory_space<vmem>> -> memref<1x128x64xf32, #tpu.memory_space<vmem>>
        %parallel_loop3A_658 = tpu.memref_squeeze %parallel_loop3A_657 : memref<1x128x64xf32, #tpu.memory_space<vmem>> -> memref<128x64xf32, #tpu.memory_space<vmem>>
        %parallel_loop3A_659 = arith.index_cast %parallel_loop3A_638 : i32 to index
        %parallel_loop3A_660 = arith.constant 16 : index
        %parallel_loop3A_661 = tpu.vector_load %parallel_loop3A_658[%parallel_loop3A_659, %parallel_loop3A_660] {strides = array<i32>} : memref<128x64xf32, #tpu.memory_space<vmem>>, vector<16xf32>,
        %parallel_loop3A_662 = arith.constant 8.000000e+00 : f32
        %parallel_loop3A_663 = vector.broadcast %parallel_loop3A_662 : f32 to vector<16xf32>
        %parallel_loop3A_664 = arith.mulf %parallel_loop3A_661, %parallel_loop3A_663 : vector<16xf32>
        %parallel_loop3A_665 = arith.constant 0 : i32
        %parallel_loop3A_666 = arith.constant 0 : i32
        %parallel_loop3A_667 = arith.constant 0 : i32
        %parallel_loop3A_668 = tpu.memref_slice %arg7[%parallel_loop3A_415, %parallel_loop3A_665, %parallel_loop3A_666, %parallel_loop3A_667] : memref<4x8x8x136xf32, #tpu.memory_space<vmem>> -> memref<1x8x8x136xf32, #tpu.memory_space<vmem>>
        %parallel_loop3A_669 = tpu.memref_squeeze %parallel_loop3A_668 : memref<1x8x8x136xf32, #tpu.memory_space<vmem>> -> memref<8x8x136xf32, #tpu.memory_space<vmem>>
        tpu.vector_store_idx %parallel_loop3A_669[%select_n3A_80, %select_n3A_102, %parallel_loop3A_639], %parallel_loop3A_664 : memref<8x8x136xf32, #tpu.memory_space<vmem>>[vector<16xi32>, vector<16xi32>, vector<16xi32>], vector<16xf32>,
        %parallel_loop3A_670 = arith.constant 0 : i32
        %parallel_loop3A_671 = arith.constant 0 : i32
        %parallel_loop3A_672 = tpu.memref_slice %arg6[%parallel_loop3A_414, %parallel_loop3A_670, %parallel_loop3A_671] : memref<4x128x64xf32, #tpu.memory_space<vmem>> -> memref<1x128x64xf32, #tpu.memory_space<vmem>>
        %parallel_loop3A_673 = tpu.memref_squeeze %parallel_loop3A_672 : memref<1x128x64xf32, #tpu.memory_space<vmem>> -> memref<128x64xf32, #tpu.memory_space<vmem>>
        %parallel_loop3A_674 = arith.index_cast %parallel_loop3A_638 : i32 to index
        %parallel_loop3A_675 = arith.constant 32 : index
        %parallel_loop3A_676 = tpu.vector_load %parallel_loop3A_673[%parallel_loop3A_674, %parallel_loop3A_675] {strides = array<i32>} : memref<128x64xf32, #tpu.memory_space<vmem>>, vector<16xf32>,
        %parallel_loop3A_677 = arith.constant 8.000000e+00 : f32
        %parallel_loop3A_678 = vector.broadcast %parallel_loop3A_677 : f32 to vector<16xf32>
        %parallel_loop3A_679 = arith.mulf %parallel_loop3A_676, %parallel_loop3A_678 : vector<16xf32>
        %parallel_loop3A_680 = arith.constant 0 : i32
        %parallel_loop3A_681 = arith.constant 0 : i32
        %parallel_loop3A_682 = arith.constant 0 : i32
        %parallel_loop3A_683 = tpu.memref_slice %arg7[%parallel_loop3A_415, %parallel_loop3A_680, %parallel_loop3A_681, %parallel_loop3A_682] : memref<4x8x8x136xf32, #tpu.memory_space<vmem>> -> memref<1x8x8x136xf32, #tpu.memory_space<vmem>>
        %parallel_loop3A_684 = tpu.memref_squeeze %parallel_loop3A_683 : memref<1x8x8x136xf32, #tpu.memory_space<vmem>> -> memref<8x8x136xf32, #tpu.memory_space<vmem>>
        tpu.vector_store_idx %parallel_loop3A_684[%select_n3A_136, %select_n3A_158, %parallel_loop3A_639], %parallel_loop3A_679 : memref<8x8x136xf32, #tpu.memory_space<vmem>>[vector<16xi32>, vector<16xi32>, vector<16xi32>], vector<16xf32>,
        %parallel_loop3A_685 = arith.constant 0 : i32
        %parallel_loop3A_686 = arith.constant 0 : i32
        %parallel_loop3A_687 = tpu.memref_slice %arg6[%parallel_loop3A_414, %parallel_loop3A_685, %parallel_loop3A_686] : memref<4x128x64xf32, #tpu.memory_space<vmem>> -> memref<1x128x64xf32, #tpu.memory_space<vmem>>
        %parallel_loop3A_688 = tpu.memref_squeeze %parallel_loop3A_687 : memref<1x128x64xf32, #tpu.memory_space<vmem>> -> memref<128x64xf32, #tpu.memory_space<vmem>>
        %parallel_loop3A_689 = arith.index_cast %parallel_loop3A_638 : i32 to index
        %parallel_loop3A_690 = arith.constant 48 : index
        %parallel_loop3A_691 = tpu.vector_load %parallel_loop3A_688[%parallel_loop3A_689, %parallel_loop3A_690] {strides = array<i32>} : memref<128x64xf32, #tpu.memory_space<vmem>>, vector<16xf32>,
        %parallel_loop3A_692 = arith.constant 8.000000e+00 : f32
        %parallel_loop3A_693 = vector.broadcast %parallel_loop3A_692 : f32 to vector<16xf32>
        %parallel_loop3A_694 = arith.mulf %parallel_loop3A_691, %parallel_loop3A_693 : vector<16xf32>
        %parallel_loop3A_695 = arith.constant 0 : i32
        %parallel_loop3A_696 = arith.constant 0 : i32
        %parallel_loop3A_697 = arith.constant 0 : i32
        %parallel_loop3A_698 = tpu.memref_slice %arg7[%parallel_loop3A_415, %parallel_loop3A_695, %parallel_loop3A_696, %parallel_loop3A_697] : memref<4x8x8x136xf32, #tpu.memory_space<vmem>> -> memref<1x8x8x136xf32, #tpu.memory_space<vmem>>
        %parallel_loop3A_699 = tpu.memref_squeeze %parallel_loop3A_698 : memref<1x8x8x136xf32, #tpu.memory_space<vmem>> -> memref<8x8x136xf32, #tpu.memory_space<vmem>>
        tpu.vector_store_idx %parallel_loop3A_699[%select_n3A_192, %select_n3A_214, %parallel_loop3A_639], %parallel_loop3A_694 : memref<8x8x136xf32, #tpu.memory_space<vmem>>[vector<16xi32>, vector<16xi32>, vector<16xi32>], vector<16xf32>,
      } {sc.loop_unroll_factor = 4 : i64, sc.parallel_access}
      %add3A_416 = arith.constant 4 : i32
      %add3A_417 = arith.addi %add3A_395, %add3A_416 : i32
      %lt3A_418 = arith.constant 200 : i32
      %lt3A_419 = arith.cmpi slt, %add3A_417, %lt3A_418 : i32
      %convert_element_type3A_420 = arith.extui %lt3A_419 : i1 to i32
      %cond3A_421 = arith.constant 0 : i32
      %cond3A_422 = arith.cmpi ne, %convert_element_type3A_420, %cond3A_421 : i32
      scf.if %cond3A_422 {
        %add3A_638 = arith.constant 4 : i32
        %add3A_639 = arith.addi %add3A_395, %add3A_638 : i32
        %jit3A_640 = arith.constant 8 : i32
        %div3A_641 = arith.divsi %add3A_639, %jit3A_640 : i32
        %sign3A_642 = arith.constant 0 : i32
        %sign3A_643 = arith.cmpi sgt, %add3A_639, %sign3A_642 : i32
        %sign3A_644 = arith.extui %sign3A_643 : i1 to i32
        %sign3A_645 = arith.constant 0 : i32
        %sign3A_646 = arith.cmpi slt, %add3A_639, %sign3A_645 : i32
        %sign3A_647 = arith.extui %sign3A_646 : i1 to i32
        %sign3A_648 = arith.subi %sign3A_644, %sign3A_647 : i32
        %sign3A_649 = arith.constant 0 : i32
        %sign3A_650 = arith.cmpi sgt, %jit3A_640, %sign3A_649 : i32
        %sign3A_651 = arith.extui %sign3A_650 : i1 to i32
        %sign3A_652 = arith.constant 0 : i32
        %sign3A_653 = arith.cmpi slt, %jit3A_640, %sign3A_652 : i32
        %sign3A_654 = arith.extui %sign3A_653 : i1 to i32
        %sign3A_655 = arith.subi %sign3A_651, %sign3A_654 : i32
        %ne3A_656 = arith.cmpi ne, %sign3A_648, %sign3A_655 : i32
        %rem3A_657 = arith.remsi %add3A_639, %jit3A_640 : i32
        %ne3A_658 = arith.constant 0 : i32
        %ne3A_659 = arith.cmpi ne, %rem3A_657, %ne3A_658 : i32
        %and3A_660 = arith.andi %ne3A_656, %ne3A_659 : i1
        %sub3A_661 = arith.constant 1 : i32
        %sub3A_662 = arith.subi %div3A_641, %sub3A_661 : i32
        %select_n3A_663 = arith.select %and3A_660, %sub3A_662, %div3A_641 : i32
        %jit3A_664 = arith.constant 8 : i32
        %eq3A_665 = arith.constant 0 : i32
        %eq3A_666 = arith.cmpi eq, %jit3A_664, %eq3A_665 : i32
        %jit3A_667 = arith.constant 1 : i32
        %select_n3A_668 = arith.select %eq3A_666, %jit3A_667, %jit3A_664 : i32
        %rem3A_669 = arith.remsi %add3A_639, %select_n3A_668 : i32
        %ne3A_670 = arith.constant 0 : i32
        %ne3A_671 = arith.cmpi ne, %rem3A_669, %ne3A_670 : i32
        %lt3A_672 = arith.constant 0 : i32
        %lt3A_673 = arith.cmpi slt, %rem3A_669, %lt3A_672 : i32
        %lt3A_674 = arith.constant 0 : i32
        %lt3A_675 = arith.cmpi slt, %select_n3A_668, %lt3A_674 : i32
        %ne3A_676 = arith.xori %lt3A_673, %lt3A_675 : i1
        %and3A_677 = arith.andi %ne3A_676, %ne3A_671 : i1
        %add3A_678 = arith.addi %rem3A_669, %select_n3A_668 : i32
        %select_n3A_679 = arith.select %and3A_677, %add3A_678, %rem3A_669 : i32
        %dma_start3A_680 = arith.constant 0 : i32
        %dma_start3A_681 = arith.constant 0 : i32
        %dma_start3A_682 = arith.constant 0 : i32
        %dma_start3A_683 = tpu.memref_slice %arg6[%dma_start3A_680, %dma_start3A_681, %dma_start3A_682] : memref<4x128x64xf32, #tpu.memory_space<vmem>> -> memref<1x128x64xf32, #tpu.memory_space<vmem>>
        %dma_start3A_684 = tpu.memref_squeeze %dma_start3A_683 : memref<1x128x64xf32, #tpu.memory_space<vmem>> -> memref<128x64xf32, #tpu.memory_space<vmem>>
        %dma_start3A_685 = arith.constant 0 : i32
        %dma_start3A_686 = tpu.memref_slice %arg5[%select_n3A_663, %select_n3A_679, %dma_start3A_685] : memref<25x8x128xi32, #tpu.memory_space<vmem>> -> memref<1x1x128xi32, #tpu.memory_space<vmem>>
        %dma_start3A_687 = tpu.memref_squeeze %dma_start3A_686 : memref<1x1x128xi32, #tpu.memory_space<vmem>> -> memref<128xi32, #tpu.memory_space<vmem>>
        %dma_start3A_688 = arith.constant 0 : i32
        %dma_start3A_689 = arith.constant 0 : i32
        %dma_start3A_690 = tpu.memref_slice %arg3[%dma_start3A_688, %dma_start3A_689] : memref<1000000x64xf32, #tpu.memory_space<hbm>> -> memref<1000000x64xf32, #tpu.memory_space<hbm>>
        tpu.enqueue_indirect_dma source(%dma_start3A_690 : memref<1000000x64xf32, #tpu.memory_space<hbm>>) target(%dma_start3A_684 : memref<128x64xf32, #tpu.memory_space<vmem>>) offsets(%dma_start3A_687 : memref<128xi32, #tpu.memory_space<vmem>>) semaphore(%arg8 : memref<!tpu.dma_semaphore, #tpu.memory_space<semaphore_mem>>)
      } else {
      }
      %dma_start3A_423 = arith.constant 0 : i32
      %dma_start3A_424 = arith.constant 0 : i32
      %dma_start3A_425 = arith.constant 0 : i32
      %dma_start3A_426 = arith.constant 0 : i32
      %dma_start3A_427 = tpu.memref_slice %arg7[%dma_start3A_423, %dma_start3A_424, %dma_start3A_425, %dma_start3A_426] : memref<4x8x8x136xf32, #tpu.memory_space<vmem>> -> memref<1x8x8x136xf32, #tpu.memory_space<vmem>>
      %dma_start3A_428 = tpu.memref_squeeze %dma_start3A_427 : memref<1x8x8x136xf32, #tpu.memory_space<vmem>> -> memref<8x8x136xf32, #tpu.memory_space<vmem>>
      %dma_start3A_429 = arith.constant 0 : i32
      %dma_start3A_430 = arith.constant 0 : i32
      %dma_start3A_431 = arith.constant 0 : i32
      %dma_start3A_432 = tpu.memref_slice %dma_start3A_428[%dma_start3A_429, %dma_start3A_430, %dma_start3A_431] : memref<8x8x136xf32, #tpu.memory_space<vmem>> -> memref<8x8x128xf32, #tpu.memory_space<vmem>>
      %dma_start3A_433 = arith.constant 0 : i32
      %dma_start3A_434 = arith.constant 0 : i32
      %dma_start3A_435 = arith.constant 0 : i32
      %dma_start3A_436 = tpu.memref_slice %arg4[%add3A_395, %dma_start3A_433, %add3A, %dma_start3A_434, %dma_start3A_435] : memref<200x8x32x8x128xf32, #tpu.memory_space<hbm>> -> memref<1x8x1x8x128xf32, #tpu.memory_space<hbm>>
      %dma_start3A_437 = tpu.memref_squeeze %dma_start3A_436 : memref<1x8x1x8x128xf32, #tpu.memory_space<hbm>> -> memref<8x8x128xf32, #tpu.memory_space<hbm>>
      %dma_start3A_438 = arith.constant 0 : i32
      %dma_start3A_439 = arith.constant 0 : i32
      %dma_start3A_440 = arith.constant 0 : i32
      %dma_start3A_441 = tpu.memref_slice %arg4[%add3A_395, %dma_start3A_438, %add3A, %dma_start3A_439, %dma_start3A_440] : memref<200x8x32x8x128xf32, #tpu.memory_space<hbm>> -> memref<1x8x1x8x128xf32, #tpu.memory_space<hbm>>
      %dma_start3A_442 = tpu.memref_squeeze %dma_start3A_441 : memref<1x8x1x8x128xf32, #tpu.memory_space<hbm>> -> memref<8x8x128xf32, #tpu.memory_space<hbm>>
      %dma_start3A_443 = arith.constant 0 : i32
      %dma_start3A_444 = arith.constant 0 : i32
      %dma_start3A_445 = arith.constant 0 : i32
      %dma_start3A_446 = tpu.memref_slice %arg7[%dma_start3A_423, %dma_start3A_443, %dma_start3A_444, %dma_start3A_445] : memref<4x8x8x136xf32, #tpu.memory_space<vmem>> -> memref<1x8x8x136xf32, #tpu.memory_space<vmem>>
      %dma_start3A_447 = tpu.memref_squeeze %dma_start3A_446 : memref<1x8x8x136xf32, #tpu.memory_space<vmem>> -> memref<8x8x136xf32, #tpu.memory_space<vmem>>
      %dma_start3A_448 = arith.constant 0 : i32
      %dma_start3A_449 = arith.constant 0 : i32
      %dma_start3A_450 = arith.constant 0 : i32
      %dma_start3A_451 = tpu.memref_slice %dma_start3A_447[%dma_start3A_448, %dma_start3A_449, %dma_start3A_450] : memref<8x8x136xf32, #tpu.memory_space<vmem>> -> memref<8x8x128xf32, #tpu.memory_space<vmem>>
      tpu.enqueue_dma source(%dma_start3A_451 : memref<8x8x128xf32, #tpu.memory_space<vmem>>) target(%dma_start3A_442 : memref<8x8x128xf32, #tpu.memory_space<hbm>>) target_semaphore(%arg12 : memref<!tpu.dma_semaphore, #tpu.memory_space<semaphore_mem>>)
      %add3A_452 = arith.constant 1 : i32
      %add3A_453 = arith.addi %add3A_393, %add3A_452 : i32
      %dma_wait3A_454 = arith.constant 0 : i32
      %dma_wait3A_455 = arith.constant 0 : i32
      %dma_wait3A_456 = arith.constant 1 : i32
      %dma_wait3A_457 = arith.constant 0 : i32
      %dma_wait3A_458 = arith.constant 0 : i32
      %dma_wait3A_459 = tpu.memref_slice %arg6[%dma_wait3A_456, %dma_wait3A_457, %dma_wait3A_458] : memref<4x128x64xf32, #tpu.memory_space<vmem>> -> memref<1x128x64xf32, #tpu.memory_space<vmem>>
      %dma_wait3A_460 = tpu.memref_squeeze %dma_wait3A_459 : memref<1x128x64xf32, #tpu.memory_space<vmem>> -> memref<128x64xf32, #tpu.memory_space<vmem>>
      %dma_wait3A_461 = arith.constant 0 : i32
      %dma_wait3A_462 = tpu.memref_slice %arg5[%dma_wait3A_454, %dma_wait3A_455, %dma_wait3A_461] : memref<25x8x128xi32, #tpu.memory_space<vmem>> -> memref<1x1x128xi32, #tpu.memory_space<vmem>>
      %dma_wait3A_463 = tpu.memref_squeeze %dma_wait3A_462 : memref<1x1x128xi32, #tpu.memory_space<vmem>> -> memref<128xi32, #tpu.memory_space<vmem>>
      %dma_wait3A_464 = arith.constant 0 : i32
      %dma_wait3A_465 = arith.constant 0 : i32
      %dma_wait3A_466 = tpu.memref_slice %arg3[%dma_wait3A_464, %dma_wait3A_465] : memref<1000000x64xf32, #tpu.memory_space<hbm>> -> memref<1000000x64xf32, #tpu.memory_space<hbm>>
      tpu.wait_indirect_dma semaphore(%arg9 : memref<!tpu.dma_semaphore, #tpu.memory_space<semaphore_mem>>) src(%dma_wait3A_466 : memref<1000000x64xf32, #tpu.memory_space<hbm>>) dst(%dma_wait3A_460 : memref<128x64xf32, #tpu.memory_space<vmem>>)
      %ge3A_467 = arith.constant 4 : i32
      %ge3A_468 = arith.cmpi sge, %add3A_453, %ge3A_467 : i32
      %convert_element_type3A_469 = arith.extui %ge3A_468 : i1 to i32
      %cond3A_470 = arith.constant 1 : i32
      %cond3A_471 = arith.constant 0 : i32
      %cond3A_472 = arith.cmpi ne, %convert_element_type3A_469, %cond3A_471 : i32
      scf.if %cond3A_472 {
        %dma_wait3A_638 = arith.constant 0 : i32
        %dma_wait3A_639 = arith.constant 0 : i32
        %dma_wait3A_640 = arith.constant 0 : i32
        %dma_wait3A_641 = arith.constant 0 : i32
        %dma_wait3A_642 = tpu.memref_slice %arg7[%cond3A_470, %dma_wait3A_639, %dma_wait3A_640, %dma_wait3A_641] : memref<4x8x8x136xf32, #tpu.memory_space<vmem>> -> memref<1x8x8x136xf32, #tpu.memory_space<vmem>>
        %dma_wait3A_643 = tpu.memref_squeeze %dma_wait3A_642 : memref<1x8x8x136xf32, #tpu.memory_space<vmem>> -> memref<8x8x136xf32, #tpu.memory_space<vmem>>
        %dma_wait3A_644 = arith.constant 0 : i32
        %dma_wait3A_645 = arith.constant 0 : i32
        %dma_wait3A_646 = arith.constant 0 : i32
        %dma_wait3A_647 = tpu.memref_slice %dma_wait3A_643[%dma_wait3A_644, %dma_wait3A_645, %dma_wait3A_646] : memref<8x8x136xf32, #tpu.memory_space<vmem>> -> memref<8x8x128xf32, #tpu.memory_space<vmem>>
        %dma_wait3A_648 = arith.constant 0 : i32
        %dma_wait3A_649 = arith.constant 0 : i32
        %dma_wait3A_650 = arith.constant 0 : i32
        %dma_wait3A_651 = tpu.memref_slice %arg4[%dma_wait3A_638, %dma_wait3A_648, %add3A, %dma_wait3A_649, %dma_wait3A_650] : memref<200x8x32x8x128xf32, #tpu.memory_space<hbm>> -> memref<1x8x1x8x128xf32, #tpu.memory_space<hbm>>
        %dma_wait3A_652 = tpu.memref_squeeze %dma_wait3A_651 : memref<1x8x1x8x128xf32, #tpu.memory_space<hbm>> -> memref<8x8x128xf32, #tpu.memory_space<hbm>>
        %dma_wait3A_653 = arith.constant 0 : i32
        %dma_wait3A_654 = arith.constant 0 : i32
        %dma_wait3A_655 = arith.constant 0 : i32
        %dma_wait3A_656 = tpu.memref_slice %arg4[%dma_wait3A_638, %dma_wait3A_653, %add3A, %dma_wait3A_654, %dma_wait3A_655] : memref<200x8x32x8x128xf32, #tpu.memory_space<hbm>> -> memref<1x8x1x8x128xf32, #tpu.memory_space<hbm>>
        %dma_wait3A_657 = tpu.memref_squeeze %dma_wait3A_656 : memref<1x8x1x8x128xf32, #tpu.memory_space<hbm>> -> memref<8x8x128xf32, #tpu.memory_space<hbm>>
        %dma_wait3A_658 = arith.constant 0 : i32
        %dma_wait3A_659 = arith.constant 0 : i32
        %dma_wait3A_660 = arith.constant 0 : i32
        %dma_wait3A_661 = tpu.memref_slice %arg7[%cond3A_470, %dma_wait3A_658, %dma_wait3A_659, %dma_wait3A_660] : memref<4x8x8x136xf32, #tpu.memory_space<vmem>> -> memref<1x8x8x136xf32, #tpu.memory_space<vmem>>
        %dma_wait3A_662 = tpu.memref_squeeze %dma_wait3A_661 : memref<1x8x8x136xf32, #tpu.memory_space<vmem>> -> memref<8x8x136xf32, #tpu.memory_space<vmem>>
        %dma_wait3A_663 = arith.constant 0 : i32
        %dma_wait3A_664 = arith.constant 0 : i32
        %dma_wait3A_665 = arith.constant 0 : i32
        %dma_wait3A_666 = tpu.memref_slice %dma_wait3A_662[%dma_wait3A_663, %dma_wait3A_664, %dma_wait3A_665] : memref<8x8x136xf32, #tpu.memory_space<vmem>> -> memref<8x8x128xf32, #tpu.memory_space<vmem>>
        tpu.wait_dma2 semaphore(%arg13 : memref<!tpu.dma_semaphore, #tpu.memory_space<semaphore_mem>>) src(%dma_wait3A_666 : memref<8x8x128xf32, #tpu.memory_space<vmem>>) dst(%dma_wait3A_657 : memref<8x8x128xf32, #tpu.memory_space<hbm>>)
      } else {
      }
      %parallel_loop3A_473 = arith.constant 0 : i32
      %parallel_loop3A_474 = arith.constant 128 : i32
      %parallel_loop3A_475 = arith.constant 1 : i32
      %parallel_loop3A_476 = arith.constant 1 : i32
      %parallel_loop3A_477 = arith.constant 1 : i32
      scf.for %parallel_loop3A_638 = %parallel_loop3A_473 to %parallel_loop3A_474 step %parallel_loop3A_475  : i32 {
        %parallel_loop3A_639 = vector.broadcast %parallel_loop3A_638 : i32 to vector<16xi32>
        %parallel_loop3A_640 = arith.constant 0 : i32
        %parallel_loop3A_641 = arith.constant 0 : i32
        %parallel_loop3A_642 = tpu.memref_slice %arg6[%parallel_loop3A_476, %parallel_loop3A_640, %parallel_loop3A_641] : memref<4x128x64xf32, #tpu.memory_space<vmem>> -> memref<1x128x64xf32, #tpu.memory_space<vmem>>
        %parallel_loop3A_643 = tpu.memref_squeeze %parallel_loop3A_642 : memref<1x128x64xf32, #tpu.memory_space<vmem>> -> memref<128x64xf32, #tpu.memory_space<vmem>>
        %parallel_loop3A_644 = arith.index_cast %parallel_loop3A_638 : i32 to index
        %parallel_loop3A_645 = arith.constant 0 : index
        %parallel_loop3A_646 = tpu.vector_load %parallel_loop3A_643[%parallel_loop3A_644, %parallel_loop3A_645] {strides = array<i32>} : memref<128x64xf32, #tpu.memory_space<vmem>>, vector<16xf32>,
        %parallel_loop3A_647 = arith.constant 8.000000e+00 : f32
        %parallel_loop3A_648 = vector.broadcast %parallel_loop3A_647 : f32 to vector<16xf32>
        %parallel_loop3A_649 = arith.mulf %parallel_loop3A_646, %parallel_loop3A_648 : vector<16xf32>
        %parallel_loop3A_650 = arith.constant 0 : i32
        %parallel_loop3A_651 = arith.constant 0 : i32
        %parallel_loop3A_652 = arith.constant 0 : i32
        %parallel_loop3A_653 = tpu.memref_slice %arg7[%parallel_loop3A_477, %parallel_loop3A_650, %parallel_loop3A_651, %parallel_loop3A_652] : memref<4x8x8x136xf32, #tpu.memory_space<vmem>> -> memref<1x8x8x136xf32, #tpu.memory_space<vmem>>
        %parallel_loop3A_654 = tpu.memref_squeeze %parallel_loop3A_653 : memref<1x8x8x136xf32, #tpu.memory_space<vmem>> -> memref<8x8x136xf32, #tpu.memory_space<vmem>>
        tpu.vector_store_idx %parallel_loop3A_654[%select_n3A, %select_n3A_46, %parallel_loop3A_639], %parallel_loop3A_649 : memref<8x8x136xf32, #tpu.memory_space<vmem>>[vector<16xi32>, vector<16xi32>, vector<16xi32>], vector<16xf32>,
        %parallel_loop3A_655 = arith.constant 0 : i32
        %parallel_loop3A_656 = arith.constant 0 : i32
        %parallel_loop3A_657 = tpu.memref_slice %arg6[%parallel_loop3A_476, %parallel_loop3A_655, %parallel_loop3A_656] : memref<4x128x64xf32, #tpu.memory_space<vmem>> -> memref<1x128x64xf32, #tpu.memory_space<vmem>>
        %parallel_loop3A_658 = tpu.memref_squeeze %parallel_loop3A_657 : memref<1x128x64xf32, #tpu.memory_space<vmem>> -> memref<128x64xf32, #tpu.memory_space<vmem>>
        %parallel_loop3A_659 = arith.index_cast %parallel_loop3A_638 : i32 to index
        %parallel_loop3A_660 = arith.constant 16 : index
        %parallel_loop3A_661 = tpu.vector_load %parallel_loop3A_658[%parallel_loop3A_659, %parallel_loop3A_660] {strides = array<i32>} : memref<128x64xf32, #tpu.memory_space<vmem>>, vector<16xf32>,
        %parallel_loop3A_662 = arith.constant 8.000000e+00 : f32
        %parallel_loop3A_663 = vector.broadcast %parallel_loop3A_662 : f32 to vector<16xf32>
        %parallel_loop3A_664 = arith.mulf %parallel_loop3A_661, %parallel_loop3A_663 : vector<16xf32>
        %parallel_loop3A_665 = arith.constant 0 : i32
        %parallel_loop3A_666 = arith.constant 0 : i32
        %parallel_loop3A_667 = arith.constant 0 : i32
        %parallel_loop3A_668 = tpu.memref_slice %arg7[%parallel_loop3A_477, %parallel_loop3A_665, %parallel_loop3A_666, %parallel_loop3A_667] : memref<4x8x8x136xf32, #tpu.memory_space<vmem>> -> memref<1x8x8x136xf32, #tpu.memory_space<vmem>>
        %parallel_loop3A_669 = tpu.memref_squeeze %parallel_loop3A_668 : memref<1x8x8x136xf32, #tpu.memory_space<vmem>> -> memref<8x8x136xf32, #tpu.memory_space<vmem>>
        tpu.vector_store_idx %parallel_loop3A_669[%select_n3A_80, %select_n3A_102, %parallel_loop3A_639], %parallel_loop3A_664 : memref<8x8x136xf32, #tpu.memory_space<vmem>>[vector<16xi32>, vector<16xi32>, vector<16xi32>], vector<16xf32>,
        %parallel_loop3A_670 = arith.constant 0 : i32
        %parallel_loop3A_671 = arith.constant 0 : i32
        %parallel_loop3A_672 = tpu.memref_slice %arg6[%parallel_loop3A_476, %parallel_loop3A_670, %parallel_loop3A_671] : memref<4x128x64xf32, #tpu.memory_space<vmem>> -> memref<1x128x64xf32, #tpu.memory_space<vmem>>
        %parallel_loop3A_673 = tpu.memref_squeeze %parallel_loop3A_672 : memref<1x128x64xf32, #tpu.memory_space<vmem>> -> memref<128x64xf32, #tpu.memory_space<vmem>>
        %parallel_loop3A_674 = arith.index_cast %parallel_loop3A_638 : i32 to index
        %parallel_loop3A_675 = arith.constant 32 : index
        %parallel_loop3A_676 = tpu.vector_load %parallel_loop3A_673[%parallel_loop3A_674, %parallel_loop3A_675] {strides = array<i32>} : memref<128x64xf32, #tpu.memory_space<vmem>>, vector<16xf32>,
        %parallel_loop3A_677 = arith.constant 8.000000e+00 : f32
        %parallel_loop3A_678 = vector.broadcast %parallel_loop3A_677 : f32 to vector<16xf32>
        %parallel_loop3A_679 = arith.mulf %parallel_loop3A_676, %parallel_loop3A_678 : vector<16xf32>
        %parallel_loop3A_680 = arith.constant 0 : i32
        %parallel_loop3A_681 = arith.constant 0 : i32
        %parallel_loop3A_682 = arith.constant 0 : i32
        %parallel_loop3A_683 = tpu.memref_slice %arg7[%parallel_loop3A_477, %parallel_loop3A_680, %parallel_loop3A_681, %parallel_loop3A_682] : memref<4x8x8x136xf32, #tpu.memory_space<vmem>> -> memref<1x8x8x136xf32, #tpu.memory_space<vmem>>
        %parallel_loop3A_684 = tpu.memref_squeeze %parallel_loop3A_683 : memref<1x8x8x136xf32, #tpu.memory_space<vmem>> -> memref<8x8x136xf32, #tpu.memory_space<vmem>>
        tpu.vector_store_idx %parallel_loop3A_684[%select_n3A_136, %select_n3A_158, %parallel_loop3A_639], %parallel_loop3A_679 : memref<8x8x136xf32, #tpu.memory_space<vmem>>[vector<16xi32>, vector<16xi32>, vector<16xi32>], vector<16xf32>,
        %parallel_loop3A_685 = arith.constant 0 : i32
        %parallel_loop3A_686 = arith.constant 0 : i32
        %parallel_loop3A_687 = tpu.memref_slice %arg6[%parallel_loop3A_476, %parallel_loop3A_685, %parallel_loop3A_686] : memref<4x128x64xf32, #tpu.memory_space<vmem>> -> memref<1x128x64xf32, #tpu.memory_space<vmem>>
        %parallel_loop3A_688 = tpu.memref_squeeze %parallel_loop3A_687 : memref<1x128x64xf32, #tpu.memory_space<vmem>> -> memref<128x64xf32, #tpu.memory_space<vmem>>
        %parallel_loop3A_689 = arith.index_cast %parallel_loop3A_638 : i32 to index
        %parallel_loop3A_690 = arith.constant 48 : index
        %parallel_loop3A_691 = tpu.vector_load %parallel_loop3A_688[%parallel_loop3A_689, %parallel_loop3A_690] {strides = array<i32>} : memref<128x64xf32, #tpu.memory_space<vmem>>, vector<16xf32>,
        %parallel_loop3A_692 = arith.constant 8.000000e+00 : f32
        %parallel_loop3A_693 = vector.broadcast %parallel_loop3A_692 : f32 to vector<16xf32>
        %parallel_loop3A_694 = arith.mulf %parallel_loop3A_691, %parallel_loop3A_693 : vector<16xf32>
        %parallel_loop3A_695 = arith.constant 0 : i32
        %parallel_loop3A_696 = arith.constant 0 : i32
        %parallel_loop3A_697 = arith.constant 0 : i32
        %parallel_loop3A_698 = tpu.memref_slice %arg7[%parallel_loop3A_477, %parallel_loop3A_695, %parallel_loop3A_696, %parallel_loop3A_697] : memref<4x8x8x136xf32, #tpu.memory_space<vmem>> -> memref<1x8x8x136xf32, #tpu.memory_space<vmem>>
        %parallel_loop3A_699 = tpu.memref_squeeze %parallel_loop3A_698 : memref<1x8x8x136xf32, #tpu.memory_space<vmem>> -> memref<8x8x136xf32, #tpu.memory_space<vmem>>
        tpu.vector_store_idx %parallel_loop3A_699[%select_n3A_192, %select_n3A_214, %parallel_loop3A_639], %parallel_loop3A_694 : memref<8x8x136xf32, #tpu.memory_space<vmem>>[vector<16xi32>, vector<16xi32>, vector<16xi32>], vector<16xf32>,
      } {sc.loop_unroll_factor = 4 : i64, sc.parallel_access}
      %add3A_478 = arith.constant 4 : i32
      %add3A_479 = arith.addi %add3A_453, %add3A_478 : i32
      %lt3A_480 = arith.constant 200 : i32
      %lt3A_481 = arith.cmpi slt, %add3A_479, %lt3A_480 : i32
      %convert_element_type3A_482 = arith.extui %lt3A_481 : i1 to i32
      %cond3A_483 = arith.constant 0 : i32
      %cond3A_484 = arith.cmpi ne, %convert_element_type3A_482, %cond3A_483 : i32
      scf.if %cond3A_484 {
        %add3A_638 = arith.constant 4 : i32
        %add3A_639 = arith.addi %add3A_453, %add3A_638 : i32
        %jit3A_640 = arith.constant 8 : i32
        %div3A_641 = arith.divsi %add3A_639, %jit3A_640 : i32
        %sign3A_642 = arith.constant 0 : i32
        %sign3A_643 = arith.cmpi sgt, %add3A_639, %sign3A_642 : i32
        %sign3A_644 = arith.extui %sign3A_643 : i1 to i32
        %sign3A_645 = arith.constant 0 : i32
        %sign3A_646 = arith.cmpi slt, %add3A_639, %sign3A_645 : i32
        %sign3A_647 = arith.extui %sign3A_646 : i1 to i32
        %sign3A_648 = arith.subi %sign3A_644, %sign3A_647 : i32
        %sign3A_649 = arith.constant 0 : i32
        %sign3A_650 = arith.cmpi sgt, %jit3A_640, %sign3A_649 : i32
        %sign3A_651 = arith.extui %sign3A_650 : i1 to i32
        %sign3A_652 = arith.constant 0 : i32
        %sign3A_653 = arith.cmpi slt, %jit3A_640, %sign3A_652 : i32
        %sign3A_654 = arith.extui %sign3A_653 : i1 to i32
        %sign3A_655 = arith.subi %sign3A_651, %sign3A_654 : i32
        %ne3A_656 = arith.cmpi ne, %sign3A_648, %sign3A_655 : i32
        %rem3A_657 = arith.remsi %add3A_639, %jit3A_640 : i32
        %ne3A_658 = arith.constant 0 : i32
        %ne3A_659 = arith.cmpi ne, %rem3A_657, %ne3A_658 : i32
        %and3A_660 = arith.andi %ne3A_656, %ne3A_659 : i1
        %sub3A_661 = arith.constant 1 : i32
        %sub3A_662 = arith.subi %div3A_641, %sub3A_661 : i32
        %select_n3A_663 = arith.select %and3A_660, %sub3A_662, %div3A_641 : i32
        %jit3A_664 = arith.constant 8 : i32
        %eq3A_665 = arith.constant 0 : i32
        %eq3A_666 = arith.cmpi eq, %jit3A_664, %eq3A_665 : i32
        %jit3A_667 = arith.constant 1 : i32
        %select_n3A_668 = arith.select %eq3A_666, %jit3A_667, %jit3A_664 : i32
        %rem3A_669 = arith.remsi %add3A_639, %select_n3A_668 : i32
        %ne3A_670 = arith.constant 0 : i32
        %ne3A_671 = arith.cmpi ne, %rem3A_669, %ne3A_670 : i32
        %lt3A_672 = arith.constant 0 : i32
        %lt3A_673 = arith.cmpi slt, %rem3A_669, %lt3A_672 : i32
        %lt3A_674 = arith.constant 0 : i32
        %lt3A_675 = arith.cmpi slt, %select_n3A_668, %lt3A_674 : i32
        %ne3A_676 = arith.xori %lt3A_673, %lt3A_675 : i1
        %and3A_677 = arith.andi %ne3A_676, %ne3A_671 : i1
        %add3A_678 = arith.addi %rem3A_669, %select_n3A_668 : i32
        %select_n3A_679 = arith.select %and3A_677, %add3A_678, %rem3A_669 : i32
        %dma_start3A_680 = arith.constant 1 : i32
        %dma_start3A_681 = arith.constant 0 : i32
        %dma_start3A_682 = arith.constant 0 : i32
        %dma_start3A_683 = tpu.memref_slice %arg6[%dma_start3A_680, %dma_start3A_681, %dma_start3A_682] : memref<4x128x64xf32, #tpu.memory_space<vmem>> -> memref<1x128x64xf32, #tpu.memory_space<vmem>>
        %dma_start3A_684 = tpu.memref_squeeze %dma_start3A_683 : memref<1x128x64xf32, #tpu.memory_space<vmem>> -> memref<128x64xf32, #tpu.memory_space<vmem>>
        %dma_start3A_685 = arith.constant 0 : i32
        %dma_start3A_686 = tpu.memref_slice %arg5[%select_n3A_663, %select_n3A_679, %dma_start3A_685] : memref<25x8x128xi32, #tpu.memory_space<vmem>> -> memref<1x1x128xi32, #tpu.memory_space<vmem>>
        %dma_start3A_687 = tpu.memref_squeeze %dma_start3A_686 : memref<1x1x128xi32, #tpu.memory_space<vmem>> -> memref<128xi32, #tpu.memory_space<vmem>>
        %dma_start3A_688 = arith.constant 0 : i32
        %dma_start3A_689 = arith.constant 0 : i32
        %dma_start3A_690 = tpu.memref_slice %arg3[%dma_start3A_688, %dma_start3A_689] : memref<1000000x64xf32, #tpu.memory_space<hbm>> -> memref<1000000x64xf32, #tpu.memory_space<hbm>>
        tpu.enqueue_indirect_dma source(%dma_start3A_690 : memref<1000000x64xf32, #tpu.memory_space<hbm>>) target(%dma_start3A_684 : memref<128x64xf32, #tpu.memory_space<vmem>>) offsets(%dma_start3A_687 : memref<128xi32, #tpu.memory_space<vmem>>) semaphore(%arg9 : memref<!tpu.dma_semaphore, #tpu.memory_space<semaphore_mem>>)
      } else {
      }
      %dma_start3A_485 = arith.constant 1 : i32
      %dma_start3A_486 = arith.constant 0 : i32
      %dma_start3A_487 = arith.constant 0 : i32
      %dma_start3A_488 = arith.constant 0 : i32
      %dma_start3A_489 = tpu.memref_slice %arg7[%dma_start3A_485, %dma_start3A_486, %dma_start3A_487, %dma_start3A_488] : memref<4x8x8x136xf32, #tpu.memory_space<vmem>> -> memref<1x8x8x136xf32, #tpu.memory_space<vmem>>
      %dma_start3A_490 = tpu.memref_squeeze %dma_start3A_489 : memref<1x8x8x136xf32, #tpu.memory_space<vmem>> -> memref<8x8x136xf32, #tpu.memory_space<vmem>>
      %dma_start3A_491 = arith.constant 0 : i32
      %dma_start3A_492 = arith.constant 0 : i32
      %dma_start3A_493 = arith.constant 0 : i32
      %dma_start3A_494 = tpu.memref_slice %dma_start3A_490[%dma_start3A_491, %dma_start3A_492, %dma_start3A_493] : memref<8x8x136xf32, #tpu.memory_space<vmem>> -> memref<8x8x128xf32, #tpu.memory_space<vmem>>
      %dma_start3A_495 = arith.constant 0 : i32
      %dma_start3A_496 = arith.constant 0 : i32
      %dma_start3A_497 = arith.constant 0 : i32
      %dma_start3A_498 = tpu.memref_slice %arg4[%add3A_453, %dma_start3A_495, %add3A, %dma_start3A_496, %dma_start3A_497] : memref<200x8x32x8x128xf32, #tpu.memory_space<hbm>> -> memref<1x8x1x8x128xf32, #tpu.memory_space<hbm>>
      %dma_start3A_499 = tpu.memref_squeeze %dma_start3A_498 : memref<1x8x1x8x128xf32, #tpu.memory_space<hbm>> -> memref<8x8x128xf32, #tpu.memory_space<hbm>>
      %dma_start3A_500 = arith.constant 0 : i32
      %dma_start3A_501 = arith.constant 0 : i32
      %dma_start3A_502 = arith.constant 0 : i32
      %dma_start3A_503 = tpu.memref_slice %arg4[%add3A_453, %dma_start3A_500, %add3A, %dma_start3A_501, %dma_start3A_502] : memref<200x8x32x8x128xf32, #tpu.memory_space<hbm>> -> memref<1x8x1x8x128xf32, #tpu.memory_space<hbm>>
      %dma_start3A_504 = tpu.memref_squeeze %dma_start3A_503 : memref<1x8x1x8x128xf32, #tpu.memory_space<hbm>> -> memref<8x8x128xf32, #tpu.memory_space<hbm>>
      %dma_start3A_505 = arith.constant 0 : i32
      %dma_start3A_506 = arith.constant 0 : i32
      %dma_start3A_507 = arith.constant 0 : i32
      %dma_start3A_508 = tpu.memref_slice %arg7[%dma_start3A_485, %dma_start3A_505, %dma_start3A_506, %dma_start3A_507] : memref<4x8x8x136xf32, #tpu.memory_space<vmem>> -> memref<1x8x8x136xf32, #tpu.memory_space<vmem>>
      %dma_start3A_509 = tpu.memref_squeeze %dma_start3A_508 : memref<1x8x8x136xf32, #tpu.memory_space<vmem>> -> memref<8x8x136xf32, #tpu.memory_space<vmem>>
      %dma_start3A_510 = arith.constant 0 : i32
      %dma_start3A_511 = arith.constant 0 : i32
      %dma_start3A_512 = arith.constant 0 : i32
      %dma_start3A_513 = tpu.memref_slice %dma_start3A_509[%dma_start3A_510, %dma_start3A_511, %dma_start3A_512] : memref<8x8x136xf32, #tpu.memory_space<vmem>> -> memref<8x8x128xf32, #tpu.memory_space<vmem>>
      tpu.enqueue_dma source(%dma_start3A_513 : memref<8x8x128xf32, #tpu.memory_space<vmem>>) target(%dma_start3A_504 : memref<8x8x128xf32, #tpu.memory_space<hbm>>) target_semaphore(%arg13 : memref<!tpu.dma_semaphore, #tpu.memory_space<semaphore_mem>>)
      %add3A_514 = arith.constant 2 : i32
      %add3A_515 = arith.addi %add3A_393, %add3A_514 : i32
      %dma_wait3A_516 = arith.constant 0 : i32
      %dma_wait3A_517 = arith.constant 0 : i32
      %dma_wait3A_518 = arith.constant 2 : i32
      %dma_wait3A_519 = arith.constant 0 : i32
      %dma_wait3A_520 = arith.constant 0 : i32
      %dma_wait3A_521 = tpu.memref_slice %arg6[%dma_wait3A_518, %dma_wait3A_519, %dma_wait3A_520] : memref<4x128x64xf32, #tpu.memory_space<vmem>> -> memref<1x128x64xf32, #tpu.memory_space<vmem>>
      %dma_wait3A_522 = tpu.memref_squeeze %dma_wait3A_521 : memref<1x128x64xf32, #tpu.memory_space<vmem>> -> memref<128x64xf32, #tpu.memory_space<vmem>>
      %dma_wait3A_523 = arith.constant 0 : i32
      %dma_wait3A_524 = tpu.memref_slice %arg5[%dma_wait3A_516, %dma_wait3A_517, %dma_wait3A_523] : memref<25x8x128xi32, #tpu.memory_space<vmem>> -> memref<1x1x128xi32, #tpu.memory_space<vmem>>
      %dma_wait3A_525 = tpu.memref_squeeze %dma_wait3A_524 : memref<1x1x128xi32, #tpu.memory_space<vmem>> -> memref<128xi32, #tpu.memory_space<vmem>>
      %dma_wait3A_526 = arith.constant 0 : i32
      %dma_wait3A_527 = arith.constant 0 : i32
      %dma_wait3A_528 = tpu.memref_slice %arg3[%dma_wait3A_526, %dma_wait3A_527] : memref<1000000x64xf32, #tpu.memory_space<hbm>> -> memref<1000000x64xf32, #tpu.memory_space<hbm>>
      tpu.wait_indirect_dma semaphore(%arg10 : memref<!tpu.dma_semaphore, #tpu.memory_space<semaphore_mem>>) src(%dma_wait3A_528 : memref<1000000x64xf32, #tpu.memory_space<hbm>>) dst(%dma_wait3A_522 : memref<128x64xf32, #tpu.memory_space<vmem>>)
      %ge3A_529 = arith.constant 4 : i32
      %ge3A_530 = arith.cmpi sge, %add3A_515, %ge3A_529 : i32
      %convert_element_type3A_531 = arith.extui %ge3A_530 : i1 to i32
      %cond3A_532 = arith.constant 2 : i32
      %cond3A_533 = arith.constant 0 : i32
      %cond3A_534 = arith.cmpi ne, %convert_element_type3A_531, %cond3A_533 : i32
      scf.if %cond3A_534 {
        %dma_wait3A_638 = arith.constant 0 : i32
        %dma_wait3A_639 = arith.constant 0 : i32
        %dma_wait3A_640 = arith.constant 0 : i32
        %dma_wait3A_641 = arith.constant 0 : i32
        %dma_wait3A_642 = tpu.memref_slice %arg7[%cond3A_532, %dma_wait3A_639, %dma_wait3A_640, %dma_wait3A_641] : memref<4x8x8x136xf32, #tpu.memory_space<vmem>> -> memref<1x8x8x136xf32, #tpu.memory_space<vmem>>
        %dma_wait3A_643 = tpu.memref_squeeze %dma_wait3A_642 : memref<1x8x8x136xf32, #tpu.memory_space<vmem>> -> memref<8x8x136xf32, #tpu.memory_space<vmem>>
        %dma_wait3A_644 = arith.constant 0 : i32
        %dma_wait3A_645 = arith.constant 0 : i32
        %dma_wait3A_646 = arith.constant 0 : i32
        %dma_wait3A_647 = tpu.memref_slice %dma_wait3A_643[%dma_wait3A_644, %dma_wait3A_645, %dma_wait3A_646] : memref<8x8x136xf32, #tpu.memory_space<vmem>> -> memref<8x8x128xf32, #tpu.memory_space<vmem>>
        %dma_wait3A_648 = arith.constant 0 : i32
        %dma_wait3A_649 = arith.constant 0 : i32
        %dma_wait3A_650 = arith.constant 0 : i32
        %dma_wait3A_651 = tpu.memref_slice %arg4[%dma_wait3A_638, %dma_wait3A_648, %add3A, %dma_wait3A_649, %dma_wait3A_650] : memref<200x8x32x8x128xf32, #tpu.memory_space<hbm>> -> memref<1x8x1x8x128xf32, #tpu.memory_space<hbm>>
        %dma_wait3A_652 = tpu.memref_squeeze %dma_wait3A_651 : memref<1x8x1x8x128xf32, #tpu.memory_space<hbm>> -> memref<8x8x128xf32, #tpu.memory_space<hbm>>
        %dma_wait3A_653 = arith.constant 0 : i32
        %dma_wait3A_654 = arith.constant 0 : i32
        %dma_wait3A_655 = arith.constant 0 : i32
        %dma_wait3A_656 = tpu.memref_slice %arg4[%dma_wait3A_638, %dma_wait3A_653, %add3A, %dma_wait3A_654, %dma_wait3A_655] : memref<200x8x32x8x128xf32, #tpu.memory_space<hbm>> -> memref<1x8x1x8x128xf32, #tpu.memory_space<hbm>>
        %dma_wait3A_657 = tpu.memref_squeeze %dma_wait3A_656 : memref<1x8x1x8x128xf32, #tpu.memory_space<hbm>> -> memref<8x8x128xf32, #tpu.memory_space<hbm>>
        %dma_wait3A_658 = arith.constant 0 : i32
        %dma_wait3A_659 = arith.constant 0 : i32
        %dma_wait3A_660 = arith.constant 0 : i32
        %dma_wait3A_661 = tpu.memref_slice %arg7[%cond3A_532, %dma_wait3A_658, %dma_wait3A_659, %dma_wait3A_660] : memref<4x8x8x136xf32, #tpu.memory_space<vmem>> -> memref<1x8x8x136xf32, #tpu.memory_space<vmem>>
        %dma_wait3A_662 = tpu.memref_squeeze %dma_wait3A_661 : memref<1x8x8x136xf32, #tpu.memory_space<vmem>> -> memref<8x8x136xf32, #tpu.memory_space<vmem>>
        %dma_wait3A_663 = arith.constant 0 : i32
        %dma_wait3A_664 = arith.constant 0 : i32
        %dma_wait3A_665 = arith.constant 0 : i32
        %dma_wait3A_666 = tpu.memref_slice %dma_wait3A_662[%dma_wait3A_663, %dma_wait3A_664, %dma_wait3A_665] : memref<8x8x136xf32, #tpu.memory_space<vmem>> -> memref<8x8x128xf32, #tpu.memory_space<vmem>>
        tpu.wait_dma2 semaphore(%arg14 : memref<!tpu.dma_semaphore, #tpu.memory_space<semaphore_mem>>) src(%dma_wait3A_666 : memref<8x8x128xf32, #tpu.memory_space<vmem>>) dst(%dma_wait3A_657 : memref<8x8x128xf32, #tpu.memory_space<hbm>>)
      } else {
      }
      %parallel_loop3A_535 = arith.constant 0 : i32
      %parallel_loop3A_536 = arith.constant 128 : i32
      %parallel_loop3A_537 = arith.constant 1 : i32
      %parallel_loop3A_538 = arith.constant 2 : i32
      %parallel_loop3A_539 = arith.constant 2 : i32
      scf.for %parallel_loop3A_638 = %parallel_loop3A_535 to %parallel_loop3A_536 step %parallel_loop3A_537  : i32 {
        %parallel_loop3A_639 = vector.broadcast %parallel_loop3A_638 : i32 to vector<16xi32>
        %parallel_loop3A_640 = arith.constant 0 : i32
        %parallel_loop3A_641 = arith.constant 0 : i32
        %parallel_loop3A_642 = tpu.memref_slice %arg6[%parallel_loop3A_538, %parallel_loop3A_640, %parallel_loop3A_641] : memref<4x128x64xf32, #tpu.memory_space<vmem>> -> memref<1x128x64xf32, #tpu.memory_space<vmem>>
        %parallel_loop3A_643 = tpu.memref_squeeze %parallel_loop3A_642 : memref<1x128x64xf32, #tpu.memory_space<vmem>> -> memref<128x64xf32, #tpu.memory_space<vmem>>
        %parallel_loop3A_644 = arith.index_cast %parallel_loop3A_638 : i32 to index
        %parallel_loop3A_645 = arith.constant 0 : index
        %parallel_loop3A_646 = tpu.vector_load %parallel_loop3A_643[%parallel_loop3A_644, %parallel_loop3A_645] {strides = array<i32>} : memref<128x64xf32, #tpu.memory_space<vmem>>, vector<16xf32>,
        %parallel_loop3A_647 = arith.constant 8.000000e+00 : f32
        %parallel_loop3A_648 = vector.broadcast %parallel_loop3A_647 : f32 to vector<16xf32>
        %parallel_loop3A_649 = arith.mulf %parallel_loop3A_646, %parallel_loop3A_648 : vector<16xf32>
        %parallel_loop3A_650 = arith.constant 0 : i32
        %parallel_loop3A_651 = arith.constant 0 : i32
        %parallel_loop3A_652 = arith.constant 0 : i32
        %parallel_loop3A_653 = tpu.memref_slice %arg7[%parallel_loop3A_539, %parallel_loop3A_650, %parallel_loop3A_651, %parallel_loop3A_652] : memref<4x8x8x136xf32, #tpu.memory_space<vmem>> -> memref<1x8x8x136xf32, #tpu.memory_space<vmem>>
        %parallel_loop3A_654 = tpu.memref_squeeze %parallel_loop3A_653 : memref<1x8x8x136xf32, #tpu.memory_space<vmem>> -> memref<8x8x136xf32, #tpu.memory_space<vmem>>
        tpu.vector_store_idx %parallel_loop3A_654[%select_n3A, %select_n3A_46, %parallel_loop3A_639], %parallel_loop3A_649 : memref<8x8x136xf32, #tpu.memory_space<vmem>>[vector<16xi32>, vector<16xi32>, vector<16xi32>], vector<16xf32>,
        %parallel_loop3A_655 = arith.constant 0 : i32
        %parallel_loop3A_656 = arith.constant 0 : i32
        %parallel_loop3A_657 = tpu.memref_slice %arg6[%parallel_loop3A_538, %parallel_loop3A_655, %parallel_loop3A_656] : memref<4x128x64xf32, #tpu.memory_space<vmem>> -> memref<1x128x64xf32, #tpu.memory_space<vmem>>
        %parallel_loop3A_658 = tpu.memref_squeeze %parallel_loop3A_657 : memref<1x128x64xf32, #tpu.memory_space<vmem>> -> memref<128x64xf32, #tpu.memory_space<vmem>>
        %parallel_loop3A_659 = arith.index_cast %parallel_loop3A_638 : i32 to index
        %parallel_loop3A_660 = arith.constant 16 : index
        %parallel_loop3A_661 = tpu.vector_load %parallel_loop3A_658[%parallel_loop3A_659, %parallel_loop3A_660] {strides = array<i32>} : memref<128x64xf32, #tpu.memory_space<vmem>>, vector<16xf32>,
        %parallel_loop3A_662 = arith.constant 8.000000e+00 : f32
        %parallel_loop3A_663 = vector.broadcast %parallel_loop3A_662 : f32 to vector<16xf32>
        %parallel_loop3A_664 = arith.mulf %parallel_loop3A_661, %parallel_loop3A_663 : vector<16xf32>
        %parallel_loop3A_665 = arith.constant 0 : i32
        %parallel_loop3A_666 = arith.constant 0 : i32
        %parallel_loop3A_667 = arith.constant 0 : i32
        %parallel_loop3A_668 = tpu.memref_slice %arg7[%parallel_loop3A_539, %parallel_loop3A_665, %parallel_loop3A_666, %parallel_loop3A_667] : memref<4x8x8x136xf32, #tpu.memory_space<vmem>> -> memref<1x8x8x136xf32, #tpu.memory_space<vmem>>
        %parallel_loop3A_669 = tpu.memref_squeeze %parallel_loop3A_668 : memref<1x8x8x136xf32, #tpu.memory_space<vmem>> -> memref<8x8x136xf32, #tpu.memory_space<vmem>>
        tpu.vector_store_idx %parallel_loop3A_669[%select_n3A_80, %select_n3A_102, %parallel_loop3A_639], %parallel_loop3A_664 : memref<8x8x136xf32, #tpu.memory_space<vmem>>[vector<16xi32>, vector<16xi32>, vector<16xi32>], vector<16xf32>,
        %parallel_loop3A_670 = arith.constant 0 : i32
        %parallel_loop3A_671 = arith.constant 0 : i32
        %parallel_loop3A_672 = tpu.memref_slice %arg6[%parallel_loop3A_538, %parallel_loop3A_670, %parallel_loop3A_671] : memref<4x128x64xf32, #tpu.memory_space<vmem>> -> memref<1x128x64xf32, #tpu.memory_space<vmem>>
        %parallel_loop3A_673 = tpu.memref_squeeze %parallel_loop3A_672 : memref<1x128x64xf32, #tpu.memory_space<vmem>> -> memref<128x64xf32, #tpu.memory_space<vmem>>
        %parallel_loop3A_674 = arith.index_cast %parallel_loop3A_638 : i32 to index
        %parallel_loop3A_675 = arith.constant 32 : index
        %parallel_loop3A_676 = tpu.vector_load %parallel_loop3A_673[%parallel_loop3A_674, %parallel_loop3A_675] {strides = array<i32>} : memref<128x64xf32, #tpu.memory_space<vmem>>, vector<16xf32>,
        %parallel_loop3A_677 = arith.constant 8.000000e+00 : f32
        %parallel_loop3A_678 = vector.broadcast %parallel_loop3A_677 : f32 to vector<16xf32>
        %parallel_loop3A_679 = arith.mulf %parallel_loop3A_676, %parallel_loop3A_678 : vector<16xf32>
        %parallel_loop3A_680 = arith.constant 0 : i32
        %parallel_loop3A_681 = arith.constant 0 : i32
        %parallel_loop3A_682 = arith.constant 0 : i32
        %parallel_loop3A_683 = tpu.memref_slice %arg7[%parallel_loop3A_539, %parallel_loop3A_680, %parallel_loop3A_681, %parallel_loop3A_682] : memref<4x8x8x136xf32, #tpu.memory_space<vmem>> -> memref<1x8x8x136xf32, #tpu.memory_space<vmem>>
        %parallel_loop3A_684 = tpu.memref_squeeze %parallel_loop3A_683 : memref<1x8x8x136xf32, #tpu.memory_space<vmem>> -> memref<8x8x136xf32, #tpu.memory_space<vmem>>
        tpu.vector_store_idx %parallel_loop3A_684[%select_n3A_136, %select_n3A_158, %parallel_loop3A_639], %parallel_loop3A_679 : memref<8x8x136xf32, #tpu.memory_space<vmem>>[vector<16xi32>, vector<16xi32>, vector<16xi32>], vector<16xf32>,
        %parallel_loop3A_685 = arith.constant 0 : i32
        %parallel_loop3A_686 = arith.constant 0 : i32
        %parallel_loop3A_687 = tpu.memref_slice %arg6[%parallel_loop3A_538, %parallel_loop3A_685, %parallel_loop3A_686] : memref<4x128x64xf32, #tpu.memory_space<vmem>> -> memref<1x128x64xf32, #tpu.memory_space<vmem>>
        %parallel_loop3A_688 = tpu.memref_squeeze %parallel_loop3A_687 : memref<1x128x64xf32, #tpu.memory_space<vmem>> -> memref<128x64xf32, #tpu.memory_space<vmem>>
        %parallel_loop3A_689 = arith.index_cast %parallel_loop3A_638 : i32 to index
        %parallel_loop3A_690 = arith.constant 48 : index
        %parallel_loop3A_691 = tpu.vector_load %parallel_loop3A_688[%parallel_loop3A_689, %parallel_loop3A_690] {strides = array<i32>} : memref<128x64xf32, #tpu.memory_space<vmem>>, vector<16xf32>,
        %parallel_loop3A_692 = arith.constant 8.000000e+00 : f32
        %parallel_loop3A_693 = vector.broadcast %parallel_loop3A_692 : f32 to vector<16xf32>
        %parallel_loop3A_694 = arith.mulf %parallel_loop3A_691, %parallel_loop3A_693 : vector<16xf32>
        %parallel_loop3A_695 = arith.constant 0 : i32
        %parallel_loop3A_696 = arith.constant 0 : i32
        %parallel_loop3A_697 = arith.constant 0 : i32
        %parallel_loop3A_698 = tpu.memref_slice %arg7[%parallel_loop3A_539, %parallel_loop3A_695, %parallel_loop3A_696, %parallel_loop3A_697] : memref<4x8x8x136xf32, #tpu.memory_space<vmem>> -> memref<1x8x8x136xf32, #tpu.memory_space<vmem>>
        %parallel_loop3A_699 = tpu.memref_squeeze %parallel_loop3A_698 : memref<1x8x8x136xf32, #tpu.memory_space<vmem>> -> memref<8x8x136xf32, #tpu.memory_space<vmem>>
        tpu.vector_store_idx %parallel_loop3A_699[%select_n3A_192, %select_n3A_214, %parallel_loop3A_639], %parallel_loop3A_694 : memref<8x8x136xf32, #tpu.memory_space<vmem>>[vector<16xi32>, vector<16xi32>, vector<16xi32>], vector<16xf32>,
      } {sc.loop_unroll_factor = 4 : i64, sc.parallel_access}
      %add3A_540 = arith.constant 4 : i32
      %add3A_541 = arith.addi %add3A_515, %add3A_540 : i32
      %lt3A_542 = arith.constant 200 : i32
      %lt3A_543 = arith.cmpi slt, %add3A_541, %lt3A_542 : i32
      %convert_element_type3A_544 = arith.extui %lt3A_543 : i1 to i32
      %cond3A_545 = arith.constant 0 : i32
      %cond3A_546 = arith.cmpi ne, %convert_element_type3A_544, %cond3A_545 : i32
      scf.if %cond3A_546 {
        %add3A_638 = arith.constant 4 : i32
        %add3A_639 = arith.addi %add3A_515, %add3A_638 : i32
        %jit3A_640 = arith.constant 8 : i32
        %div3A_641 = arith.divsi %add3A_639, %jit3A_640 : i32
        %sign3A_642 = arith.constant 0 : i32
        %sign3A_643 = arith.cmpi sgt, %add3A_639, %sign3A_642 : i32
        %sign3A_644 = arith.extui %sign3A_643 : i1 to i32
        %sign3A_645 = arith.constant 0 : i32
        %sign3A_646 = arith.cmpi slt, %add3A_639, %sign3A_645 : i32
        %sign3A_647 = arith.extui %sign3A_646 : i1 to i32
        %sign3A_648 = arith.subi %sign3A_644, %sign3A_647 : i32
        %sign3A_649 = arith.constant 0 : i32
        %sign3A_650 = arith.cmpi sgt, %jit3A_640, %sign3A_649 : i32
        %sign3A_651 = arith.extui %sign3A_650 : i1 to i32
        %sign3A_652 = arith.constant 0 : i32
        %sign3A_653 = arith.cmpi slt, %jit3A_640, %sign3A_652 : i32
        %sign3A_654 = arith.extui %sign3A_653 : i1 to i32
        %sign3A_655 = arith.subi %sign3A_651, %sign3A_654 : i32
        %ne3A_656 = arith.cmpi ne, %sign3A_648, %sign3A_655 : i32
        %rem3A_657 = arith.remsi %add3A_639, %jit3A_640 : i32
        %ne3A_658 = arith.constant 0 : i32
        %ne3A_659 = arith.cmpi ne, %rem3A_657, %ne3A_658 : i32
        %and3A_660 = arith.andi %ne3A_656, %ne3A_659 : i1
        %sub3A_661 = arith.constant 1 : i32
        %sub3A_662 = arith.subi %div3A_641, %sub3A_661 : i32
        %select_n3A_663 = arith.select %and3A_660, %sub3A_662, %div3A_641 : i32
        %jit3A_664 = arith.constant 8 : i32
        %eq3A_665 = arith.constant 0 : i32
        %eq3A_666 = arith.cmpi eq, %jit3A_664, %eq3A_665 : i32
        %jit3A_667 = arith.constant 1 : i32
        %select_n3A_668 = arith.select %eq3A_666, %jit3A_667, %jit3A_664 : i32
        %rem3A_669 = arith.remsi %add3A_639, %select_n3A_668 : i32
        %ne3A_670 = arith.constant 0 : i32
        %ne3A_671 = arith.cmpi ne, %rem3A_669, %ne3A_670 : i32
        %lt3A_672 = arith.constant 0 : i32
        %lt3A_673 = arith.cmpi slt, %rem3A_669, %lt3A_672 : i32
        %lt3A_674 = arith.constant 0 : i32
        %lt3A_675 = arith.cmpi slt, %select_n3A_668, %lt3A_674 : i32
        %ne3A_676 = arith.xori %lt3A_673, %lt3A_675 : i1
        %and3A_677 = arith.andi %ne3A_676, %ne3A_671 : i1
        %add3A_678 = arith.addi %rem3A_669, %select_n3A_668 : i32
        %select_n3A_679 = arith.select %and3A_677, %add3A_678, %rem3A_669 : i32
        %dma_start3A_680 = arith.constant 2 : i32
        %dma_start3A_681 = arith.constant 0 : i32
        %dma_start3A_682 = arith.constant 0 : i32
        %dma_start3A_683 = tpu.memref_slice %arg6[%dma_start3A_680, %dma_start3A_681, %dma_start3A_682] : memref<4x128x64xf32, #tpu.memory_space<vmem>> -> memref<1x128x64xf32, #tpu.memory_space<vmem>>
        %dma_start3A_684 = tpu.memref_squeeze %dma_start3A_683 : memref<1x128x64xf32, #tpu.memory_space<vmem>> -> memref<128x64xf32, #tpu.memory_space<vmem>>
        %dma_start3A_685 = arith.constant 0 : i32
        %dma_start3A_686 = tpu.memref_slice %arg5[%select_n3A_663, %select_n3A_679, %dma_start3A_685] : memref<25x8x128xi32, #tpu.memory_space<vmem>> -> memref<1x1x128xi32, #tpu.memory_space<vmem>>
        %dma_start3A_687 = tpu.memref_squeeze %dma_start3A_686 : memref<1x1x128xi32, #tpu.memory_space<vmem>> -> memref<128xi32, #tpu.memory_space<vmem>>
        %dma_start3A_688 = arith.constant 0 : i32
        %dma_start3A_689 = arith.constant 0 : i32
        %dma_start3A_690 = tpu.memref_slice %arg3[%dma_start3A_688, %dma_start3A_689] : memref<1000000x64xf32, #tpu.memory_space<hbm>> -> memref<1000000x64xf32, #tpu.memory_space<hbm>>
        tpu.enqueue_indirect_dma source(%dma_start3A_690 : memref<1000000x64xf32, #tpu.memory_space<hbm>>) target(%dma_start3A_684 : memref<128x64xf32, #tpu.memory_space<vmem>>) offsets(%dma_start3A_687 : memref<128xi32, #tpu.memory_space<vmem>>) semaphore(%arg10 : memref<!tpu.dma_semaphore, #tpu.memory_space<semaphore_mem>>)
      } else {
      }
      %dma_start3A_547 = arith.constant 2 : i32
      %dma_start3A_548 = arith.constant 0 : i32
      %dma_start3A_549 = arith.constant 0 : i32
      %dma_start3A_550 = arith.constant 0 : i32
      %dma_start3A_551 = tpu.memref_slice %arg7[%dma_start3A_547, %dma_start3A_548, %dma_start3A_549, %dma_start3A_550] : memref<4x8x8x136xf32, #tpu.memory_space<vmem>> -> memref<1x8x8x136xf32, #tpu.memory_space<vmem>>
      %dma_start3A_552 = tpu.memref_squeeze %dma_start3A_551 : memref<1x8x8x136xf32, #tpu.memory_space<vmem>> -> memref<8x8x136xf32, #tpu.memory_space<vmem>>
      %dma_start3A_553 = arith.constant 0 : i32
      %dma_start3A_554 = arith.constant 0 : i32
      %dma_start3A_555 = arith.constant 0 : i32
      %dma_start3A_556 = tpu.memref_slice %dma_start3A_552[%dma_start3A_553, %dma_start3A_554, %dma_start3A_555] : memref<8x8x136xf32, #tpu.memory_space<vmem>> -> memref<8x8x128xf32, #tpu.memory_space<vmem>>
      %dma_start3A_557 = arith.constant 0 : i32
      %dma_start3A_558 = arith.constant 0 : i32
      %dma_start3A_559 = arith.constant 0 : i32
      %dma_start3A_560 = tpu.memref_slice %arg4[%add3A_515, %dma_start3A_557, %add3A, %dma_start3A_558, %dma_start3A_559] : memref<200x8x32x8x128xf32, #tpu.memory_space<hbm>> -> memref<1x8x1x8x128xf32, #tpu.memory_space<hbm>>
      %dma_start3A_561 = tpu.memref_squeeze %dma_start3A_560 : memref<1x8x1x8x128xf32, #tpu.memory_space<hbm>> -> memref<8x8x128xf32, #tpu.memory_space<hbm>>
      %dma_start3A_562 = arith.constant 0 : i32
      %dma_start3A_563 = arith.constant 0 : i32
      %dma_start3A_564 = arith.constant 0 : i32
      %dma_start3A_565 = tpu.memref_slice %arg4[%add3A_515, %dma_start3A_562, %add3A, %dma_start3A_563, %dma_start3A_564] : memref<200x8x32x8x128xf32, #tpu.memory_space<hbm>> -> memref<1x8x1x8x128xf32, #tpu.memory_space<hbm>>
      %dma_start3A_566 = tpu.memref_squeeze %dma_start3A_565 : memref<1x8x1x8x128xf32, #tpu.memory_space<hbm>> -> memref<8x8x128xf32, #tpu.memory_space<hbm>>
      %dma_start3A_567 = arith.constant 0 : i32
      %dma_start3A_568 = arith.constant 0 : i32
      %dma_start3A_569 = arith.constant 0 : i32
      %dma_start3A_570 = tpu.memref_slice %arg7[%dma_start3A_547, %dma_start3A_567, %dma_start3A_568, %dma_start3A_569] : memref<4x8x8x136xf32, #tpu.memory_space<vmem>> -> memref<1x8x8x136xf32, #tpu.memory_space<vmem>>
      %dma_start3A_571 = tpu.memref_squeeze %dma_start3A_570 : memref<1x8x8x136xf32, #tpu.memory_space<vmem>> -> memref<8x8x136xf32, #tpu.memory_space<vmem>>
      %dma_start3A_572 = arith.constant 0 : i32
      %dma_start3A_573 = arith.constant 0 : i32
      %dma_start3A_574 = arith.constant 0 : i32
      %dma_start3A_575 = tpu.memref_slice %dma_start3A_571[%dma_start3A_572, %dma_start3A_573, %dma_start3A_574] : memref<8x8x136xf32, #tpu.memory_space<vmem>> -> memref<8x8x128xf32, #tpu.memory_space<vmem>>
      tpu.enqueue_dma source(%dma_start3A_575 : memref<8x8x128xf32, #tpu.memory_space<vmem>>) target(%dma_start3A_566 : memref<8x8x128xf32, #tpu.memory_space<hbm>>) target_semaphore(%arg14 : memref<!tpu.dma_semaphore, #tpu.memory_space<semaphore_mem>>)
      %add3A_576 = arith.constant 3 : i32
      %add3A_577 = arith.addi %add3A_393, %add3A_576 : i32
      %dma_wait3A_578 = arith.constant 0 : i32
      %dma_wait3A_579 = arith.constant 0 : i32
      %dma_wait3A_580 = arith.constant 3 : i32
      %dma_wait3A_581 = arith.constant 0 : i32
      %dma_wait3A_582 = arith.constant 0 : i32
      %dma_wait3A_583 = tpu.memref_slice %arg6[%dma_wait3A_580, %dma_wait3A_581, %dma_wait3A_582] : memref<4x128x64xf32, #tpu.memory_space<vmem>> -> memref<1x128x64xf32, #tpu.memory_space<vmem>>
      %dma_wait3A_584 = tpu.memref_squeeze %dma_wait3A_583 : memref<1x128x64xf32, #tpu.memory_space<vmem>> -> memref<128x64xf32, #tpu.memory_space<vmem>>
      %dma_wait3A_585 = arith.constant 0 : i32
      %dma_wait3A_586 = tpu.memref_slice %arg5[%dma_wait3A_578, %dma_wait3A_579, %dma_wait3A_585] : memref<25x8x128xi32, #tpu.memory_space<vmem>> -> memref<1x1x128xi32, #tpu.memory_space<vmem>>
      %dma_wait3A_587 = tpu.memref_squeeze %dma_wait3A_586 : memref<1x1x128xi32, #tpu.memory_space<vmem>> -> memref<128xi32, #tpu.memory_space<vmem>>
      %dma_wait3A_588 = arith.constant 0 : i32
      %dma_wait3A_589 = arith.constant 0 : i32
      %dma_wait3A_590 = tpu.memref_slice %arg3[%dma_wait3A_588, %dma_wait3A_589] : memref<1000000x64xf32, #tpu.memory_space<hbm>> -> memref<1000000x64xf32, #tpu.memory_space<hbm>>
      tpu.wait_indirect_dma semaphore(%arg11 : memref<!tpu.dma_semaphore, #tpu.memory_space<semaphore_mem>>) src(%dma_wait3A_590 : memref<1000000x64xf32, #tpu.memory_space<hbm>>) dst(%dma_wait3A_584 : memref<128x64xf32, #tpu.memory_space<vmem>>)
      %ge3A_591 = arith.constant 4 : i32
      %ge3A_592 = arith.cmpi sge, %add3A_577, %ge3A_591 : i32
      %convert_element_type3A_593 = arith.extui %ge3A_592 : i1 to i32
      %cond3A_594 = arith.constant 3 : i32
      %cond3A_595 = arith.constant 0 : i32
      %cond3A_596 = arith.cmpi ne, %convert_element_type3A_593, %cond3A_595 : i32
      scf.if %cond3A_596 {
        %dma_wait3A_638 = arith.constant 0 : i32
        %dma_wait3A_639 = arith.constant 0 : i32
        %dma_wait3A_640 = arith.constant 0 : i32
        %dma_wait3A_641 = arith.constant 0 : i32
        %dma_wait3A_642 = tpu.memref_slice %arg7[%cond3A_594, %dma_wait3A_639, %dma_wait3A_640, %dma_wait3A_641] : memref<4x8x8x136xf32, #tpu.memory_space<vmem>> -> memref<1x8x8x136xf32, #tpu.memory_space<vmem>>
        %dma_wait3A_643 = tpu.memref_squeeze %dma_wait3A_642 : memref<1x8x8x136xf32, #tpu.memory_space<vmem>> -> memref<8x8x136xf32, #tpu.memory_space<vmem>>
        %dma_wait3A_644 = arith.constant 0 : i32
        %dma_wait3A_645 = arith.constant 0 : i32
        %dma_wait3A_646 = arith.constant 0 : i32
        %dma_wait3A_647 = tpu.memref_slice %dma_wait3A_643[%dma_wait3A_644, %dma_wait3A_645, %dma_wait3A_646] : memref<8x8x136xf32, #tpu.memory_space<vmem>> -> memref<8x8x128xf32, #tpu.memory_space<vmem>>
        %dma_wait3A_648 = arith.constant 0 : i32
        %dma_wait3A_649 = arith.constant 0 : i32
        %dma_wait3A_650 = arith.constant 0 : i32
        %dma_wait3A_651 = tpu.memref_slice %arg4[%dma_wait3A_638, %dma_wait3A_648, %add3A, %dma_wait3A_649, %dma_wait3A_650] : memref<200x8x32x8x128xf32, #tpu.memory_space<hbm>> -> memref<1x8x1x8x128xf32, #tpu.memory_space<hbm>>
        %dma_wait3A_652 = tpu.memref_squeeze %dma_wait3A_651 : memref<1x8x1x8x128xf32, #tpu.memory_space<hbm>> -> memref<8x8x128xf32, #tpu.memory_space<hbm>>
        %dma_wait3A_653 = arith.constant 0 : i32
        %dma_wait3A_654 = arith.constant 0 : i32
        %dma_wait3A_655 = arith.constant 0 : i32
        %dma_wait3A_656 = tpu.memref_slice %arg4[%dma_wait3A_638, %dma_wait3A_653, %add3A, %dma_wait3A_654, %dma_wait3A_655] : memref<200x8x32x8x128xf32, #tpu.memory_space<hbm>> -> memref<1x8x1x8x128xf32, #tpu.memory_space<hbm>>
        %dma_wait3A_657 = tpu.memref_squeeze %dma_wait3A_656 : memref<1x8x1x8x128xf32, #tpu.memory_space<hbm>> -> memref<8x8x128xf32, #tpu.memory_space<hbm>>
        %dma_wait3A_658 = arith.constant 0 : i32
        %dma_wait3A_659 = arith.constant 0 : i32
        %dma_wait3A_660 = arith.constant 0 : i32
        %dma_wait3A_661 = tpu.memref_slice %arg7[%cond3A_594, %dma_wait3A_658, %dma_wait3A_659, %dma_wait3A_660] : memref<4x8x8x136xf32, #tpu.memory_space<vmem>> -> memref<1x8x8x136xf32, #tpu.memory_space<vmem>>
        %dma_wait3A_662 = tpu.memref_squeeze %dma_wait3A_661 : memref<1x8x8x136xf32, #tpu.memory_space<vmem>> -> memref<8x8x136xf32, #tpu.memory_space<vmem>>
        %dma_wait3A_663 = arith.constant 0 : i32
        %dma_wait3A_664 = arith.constant 0 : i32
        %dma_wait3A_665 = arith.constant 0 : i32
        %dma_wait3A_666 = tpu.memref_slice %dma_wait3A_662[%dma_wait3A_663, %dma_wait3A_664, %dma_wait3A_665] : memref<8x8x136xf32, #tpu.memory_space<vmem>> -> memref<8x8x128xf32, #tpu.memory_space<vmem>>
        tpu.wait_dma2 semaphore(%arg15 : memref<!tpu.dma_semaphore, #tpu.memory_space<semaphore_mem>>) src(%dma_wait3A_666 : memref<8x8x128xf32, #tpu.memory_space<vmem>>) dst(%dma_wait3A_657 : memref<8x8x128xf32, #tpu.memory_space<hbm>>)
      } else {
      }
      %parallel_loop3A_597 = arith.constant 0 : i32
      %parallel_loop3A_598 = arith.constant 128 : i32
      %parallel_loop3A_599 = arith.constant 1 : i32
      %parallel_loop3A_600 = arith.constant 3 : i32
      %parallel_loop3A_601 = arith.constant 3 : i32
      scf.for %parallel_loop3A_638 = %parallel_loop3A_597 to %parallel_loop3A_598 step %parallel_loop3A_599  : i32 {
        %parallel_loop3A_639 = vector.broadcast %parallel_loop3A_638 : i32 to vector<16xi32>
        %parallel_loop3A_640 = arith.constant 0 : i32
        %parallel_loop3A_641 = arith.constant 0 : i32
        %parallel_loop3A_642 = tpu.memref_slice %arg6[%parallel_loop3A_600, %parallel_loop3A_640, %parallel_loop3A_641] : memref<4x128x64xf32, #tpu.memory_space<vmem>> -> memref<1x128x64xf32, #tpu.memory_space<vmem>>
        %parallel_loop3A_643 = tpu.memref_squeeze %parallel_loop3A_642 : memref<1x128x64xf32, #tpu.memory_space<vmem>> -> memref<128x64xf32, #tpu.memory_space<vmem>>
        %parallel_loop3A_644 = arith.index_cast %parallel_loop3A_638 : i32 to index
        %parallel_loop3A_645 = arith.constant 0 : index
        %parallel_loop3A_646 = tpu.vector_load %parallel_loop3A_643[%parallel_loop3A_644, %parallel_loop3A_645] {strides = array<i32>} : memref<128x64xf32, #tpu.memory_space<vmem>>, vector<16xf32>,
        %parallel_loop3A_647 = arith.constant 8.000000e+00 : f32
        %parallel_loop3A_648 = vector.broadcast %parallel_loop3A_647 : f32 to vector<16xf32>
        %parallel_loop3A_649 = arith.mulf %parallel_loop3A_646, %parallel_loop3A_648 : vector<16xf32>
        %parallel_loop3A_650 = arith.constant 0 : i32
        %parallel_loop3A_651 = arith.constant 0 : i32
        %parallel_loop3A_652 = arith.constant 0 : i32
        %parallel_loop3A_653 = tpu.memref_slice %arg7[%parallel_loop3A_601, %parallel_loop3A_650, %parallel_loop3A_651, %parallel_loop3A_652] : memref<4x8x8x136xf32, #tpu.memory_space<vmem>> -> memref<1x8x8x136xf32, #tpu.memory_space<vmem>>
        %parallel_loop3A_654 = tpu.memref_squeeze %parallel_loop3A_653 : memref<1x8x8x136xf32, #tpu.memory_space<vmem>> -> memref<8x8x136xf32, #tpu.memory_space<vmem>>
        tpu.vector_store_idx %parallel_loop3A_654[%select_n3A, %select_n3A_46, %parallel_loop3A_639], %parallel_loop3A_649 : memref<8x8x136xf32, #tpu.memory_space<vmem>>[vector<16xi32>, vector<16xi32>, vector<16xi32>], vector<16xf32>,
        %parallel_loop3A_655 = arith.constant 0 : i32
        %parallel_loop3A_656 = arith.constant 0 : i32
        %parallel_loop3A_657 = tpu.memref_slice %arg6[%parallel_loop3A_600, %parallel_loop3A_655, %parallel_loop3A_656] : memref<4x128x64xf32, #tpu.memory_space<vmem>> -> memref<1x128x64xf32, #tpu.memory_space<vmem>>
        %parallel_loop3A_658 = tpu.memref_squeeze %parallel_loop3A_657 : memref<1x128x64xf32, #tpu.memory_space<vmem>> -> memref<128x64xf32, #tpu.memory_space<vmem>>
        %parallel_loop3A_659 = arith.index_cast %parallel_loop3A_638 : i32 to index
        %parallel_loop3A_660 = arith.constant 16 : index
        %parallel_loop3A_661 = tpu.vector_load %parallel_loop3A_658[%parallel_loop3A_659, %parallel_loop3A_660] {strides = array<i32>} : memref<128x64xf32, #tpu.memory_space<vmem>>, vector<16xf32>,
        %parallel_loop3A_662 = arith.constant 8.000000e+00 : f32
        %parallel_loop3A_663 = vector.broadcast %parallel_loop3A_662 : f32 to vector<16xf32>
        %parallel_loop3A_664 = arith.mulf %parallel_loop3A_661, %parallel_loop3A_663 : vector<16xf32>
        %parallel_loop3A_665 = arith.constant 0 : i32
        %parallel_loop3A_666 = arith.constant 0 : i32
        %parallel_loop3A_667 = arith.constant 0 : i32
        %parallel_loop3A_668 = tpu.memref_slice %arg7[%parallel_loop3A_601, %parallel_loop3A_665, %parallel_loop3A_666, %parallel_loop3A_667] : memref<4x8x8x136xf32, #tpu.memory_space<vmem>> -> memref<1x8x8x136xf32, #tpu.memory_space<vmem>>
        %parallel_loop3A_669 = tpu.memref_squeeze %parallel_loop3A_668 : memref<1x8x8x136xf32, #tpu.memory_space<vmem>> -> memref<8x8x136xf32, #tpu.memory_space<vmem>>
        tpu.vector_store_idx %parallel_loop3A_669[%select_n3A_80, %select_n3A_102, %parallel_loop3A_639], %parallel_loop3A_664 : memref<8x8x136xf32, #tpu.memory_space<vmem>>[vector<16xi32>, vector<16xi32>, vector<16xi32>], vector<16xf32>,
        %parallel_loop3A_670 = arith.constant 0 : i32
        %parallel_loop3A_671 = arith.constant 0 : i32
        %parallel_loop3A_672 = tpu.memref_slice %arg6[%parallel_loop3A_600, %parallel_loop3A_670, %parallel_loop3A_671] : memref<4x128x64xf32, #tpu.memory_space<vmem>> -> memref<1x128x64xf32, #tpu.memory_space<vmem>>
        %parallel_loop3A_673 = tpu.memref_squeeze %parallel_loop3A_672 : memref<1x128x64xf32, #tpu.memory_space<vmem>> -> memref<128x64xf32, #tpu.memory_space<vmem>>
        %parallel_loop3A_674 = arith.index_cast %parallel_loop3A_638 : i32 to index
        %parallel_loop3A_675 = arith.constant 32 : index
        %parallel_loop3A_676 = tpu.vector_load %parallel_loop3A_673[%parallel_loop3A_674, %parallel_loop3A_675] {strides = array<i32>} : memref<128x64xf32, #tpu.memory_space<vmem>>, vector<16xf32>,
        %parallel_loop3A_677 = arith.constant 8.000000e+00 : f32
        %parallel_loop3A_678 = vector.broadcast %parallel_loop3A_677 : f32 to vector<16xf32>
        %parallel_loop3A_679 = arith.mulf %parallel_loop3A_676, %parallel_loop3A_678 : vector<16xf32>
        %parallel_loop3A_680 = arith.constant 0 : i32
        %parallel_loop3A_681 = arith.constant 0 : i32
        %parallel_loop3A_682 = arith.constant 0 : i32
        %parallel_loop3A_683 = tpu.memref_slice %arg7[%parallel_loop3A_601, %parallel_loop3A_680, %parallel_loop3A_681, %parallel_loop3A_682] : memref<4x8x8x136xf32, #tpu.memory_space<vmem>> -> memref<1x8x8x136xf32, #tpu.memory_space<vmem>>
        %parallel_loop3A_684 = tpu.memref_squeeze %parallel_loop3A_683 : memref<1x8x8x136xf32, #tpu.memory_space<vmem>> -> memref<8x8x136xf32, #tpu.memory_space<vmem>>
        tpu.vector_store_idx %parallel_loop3A_684[%select_n3A_136, %select_n3A_158, %parallel_loop3A_639], %parallel_loop3A_679 : memref<8x8x136xf32, #tpu.memory_space<vmem>>[vector<16xi32>, vector<16xi32>, vector<16xi32>], vector<16xf32>,
        %parallel_loop3A_685 = arith.constant 0 : i32
        %parallel_loop3A_686 = arith.constant 0 : i32
        %parallel_loop3A_687 = tpu.memref_slice %arg6[%parallel_loop3A_600, %parallel_loop3A_685, %parallel_loop3A_686] : memref<4x128x64xf32, #tpu.memory_space<vmem>> -> memref<1x128x64xf32, #tpu.memory_space<vmem>>
        %parallel_loop3A_688 = tpu.memref_squeeze %parallel_loop3A_687 : memref<1x128x64xf32, #tpu.memory_space<vmem>> -> memref<128x64xf32, #tpu.memory_space<vmem>>
        %parallel_loop3A_689 = arith.index_cast %parallel_loop3A_638 : i32 to index
        %parallel_loop3A_690 = arith.constant 48 : index
        %parallel_loop3A_691 = tpu.vector_load %parallel_loop3A_688[%parallel_loop3A_689, %parallel_loop3A_690] {strides = array<i32>} : memref<128x64xf32, #tpu.memory_space<vmem>>, vector<16xf32>,
        %parallel_loop3A_692 = arith.constant 8.000000e+00 : f32
        %parallel_loop3A_693 = vector.broadcast %parallel_loop3A_692 : f32 to vector<16xf32>
        %parallel_loop3A_694 = arith.mulf %parallel_loop3A_691, %parallel_loop3A_693 : vector<16xf32>
        %parallel_loop3A_695 = arith.constant 0 : i32
        %parallel_loop3A_696 = arith.constant 0 : i32
        %parallel_loop3A_697 = arith.constant 0 : i32
        %parallel_loop3A_698 = tpu.memref_slice %arg7[%parallel_loop3A_601, %parallel_loop3A_695, %parallel_loop3A_696, %parallel_loop3A_697] : memref<4x8x8x136xf32, #tpu.memory_space<vmem>> -> memref<1x8x8x136xf32, #tpu.memory_space<vmem>>
        %parallel_loop3A_699 = tpu.memref_squeeze %parallel_loop3A_698 : memref<1x8x8x136xf32, #tpu.memory_space<vmem>> -> memref<8x8x136xf32, #tpu.memory_space<vmem>>
        tpu.vector_store_idx %parallel_loop3A_699[%select_n3A_192, %select_n3A_214, %parallel_loop3A_639], %parallel_loop3A_694 : memref<8x8x136xf32, #tpu.memory_space<vmem>>[vector<16xi32>, vector<16xi32>, vector<16xi32>], vector<16xf32>,
      } {sc.loop_unroll_factor = 4 : i64, sc.parallel_access}
      %add3A_602 = arith.constant 4 : i32
      %add3A_603 = arith.addi %add3A_577, %add3A_602 : i32
      %lt3A_604 = arith.constant 200 : i32
      %lt3A_605 = arith.cmpi slt, %add3A_603, %lt3A_604 : i32
      %convert_element_type3A_606 = arith.extui %lt3A_605 : i1 to i32
      %cond3A_607 = arith.constant 0 : i32
      %cond3A_608 = arith.cmpi ne, %convert_element_type3A_606, %cond3A_607 : i32
      scf.if %cond3A_608 {
        %add3A_638 = arith.constant 4 : i32
        %add3A_639 = arith.addi %add3A_577, %add3A_638 : i32
        %jit3A_640 = arith.constant 8 : i32
        %div3A_641 = arith.divsi %add3A_639, %jit3A_640 : i32
        %sign3A_642 = arith.constant 0 : i32
        %sign3A_643 = arith.cmpi sgt, %add3A_639, %sign3A_642 : i32
        %sign3A_644 = arith.extui %sign3A_643 : i1 to i32
        %sign3A_645 = arith.constant 0 : i32
        %sign3A_646 = arith.cmpi slt, %add3A_639, %sign3A_645 : i32
        %sign3A_647 = arith.extui %sign3A_646 : i1 to i32
        %sign3A_648 = arith.subi %sign3A_644, %sign3A_647 : i32
        %sign3A_649 = arith.constant 0 : i32
        %sign3A_650 = arith.cmpi sgt, %jit3A_640, %sign3A_649 : i32
        %sign3A_651 = arith.extui %sign3A_650 : i1 to i32
        %sign3A_652 = arith.constant 0 : i32
        %sign3A_653 = arith.cmpi slt, %jit3A_640, %sign3A_652 : i32
        %sign3A_654 = arith.extui %sign3A_653 : i1 to i32
        %sign3A_655 = arith.subi %sign3A_651, %sign3A_654 : i32
        %ne3A_656 = arith.cmpi ne, %sign3A_648, %sign3A_655 : i32
        %rem3A_657 = arith.remsi %add3A_639, %jit3A_640 : i32
        %ne3A_658 = arith.constant 0 : i32
        %ne3A_659 = arith.cmpi ne, %rem3A_657, %ne3A_658 : i32
        %and3A_660 = arith.andi %ne3A_656, %ne3A_659 : i1
        %sub3A_661 = arith.constant 1 : i32
        %sub3A_662 = arith.subi %div3A_641, %sub3A_661 : i32
        %select_n3A_663 = arith.select %and3A_660, %sub3A_662, %div3A_641 : i32
        %jit3A_664 = arith.constant 8 : i32
        %eq3A_665 = arith.constant 0 : i32
        %eq3A_666 = arith.cmpi eq, %jit3A_664, %eq3A_665 : i32
        %jit3A_667 = arith.constant 1 : i32
        %select_n3A_668 = arith.select %eq3A_666, %jit3A_667, %jit3A_664 : i32
        %rem3A_669 = arith.remsi %add3A_639, %select_n3A_668 : i32
        %ne3A_670 = arith.constant 0 : i32
        %ne3A_671 = arith.cmpi ne, %rem3A_669, %ne3A_670 : i32
        %lt3A_672 = arith.constant 0 : i32
        %lt3A_673 = arith.cmpi slt, %rem3A_669, %lt3A_672 : i32
        %lt3A_674 = arith.constant 0 : i32
        %lt3A_675 = arith.cmpi slt, %select_n3A_668, %lt3A_674 : i32
        %ne3A_676 = arith.xori %lt3A_673, %lt3A_675 : i1
        %and3A_677 = arith.andi %ne3A_676, %ne3A_671 : i1
        %add3A_678 = arith.addi %rem3A_669, %select_n3A_668 : i32
        %select_n3A_679 = arith.select %and3A_677, %add3A_678, %rem3A_669 : i32
        %dma_start3A_680 = arith.constant 3 : i32
        %dma_start3A_681 = arith.constant 0 : i32
        %dma_start3A_682 = arith.constant 0 : i32
        %dma_start3A_683 = tpu.memref_slice %arg6[%dma_start3A_680, %dma_start3A_681, %dma_start3A_682] : memref<4x128x64xf32, #tpu.memory_space<vmem>> -> memref<1x128x64xf32, #tpu.memory_space<vmem>>
        %dma_start3A_684 = tpu.memref_squeeze %dma_start3A_683 : memref<1x128x64xf32, #tpu.memory_space<vmem>> -> memref<128x64xf32, #tpu.memory_space<vmem>>
        %dma_start3A_685 = arith.constant 0 : i32
        %dma_start3A_686 = tpu.memref_slice %arg5[%select_n3A_663, %select_n3A_679, %dma_start3A_685] : memref<25x8x128xi32, #tpu.memory_space<vmem>> -> memref<1x1x128xi32, #tpu.memory_space<vmem>>
        %dma_start3A_687 = tpu.memref_squeeze %dma_start3A_686 : memref<1x1x128xi32, #tpu.memory_space<vmem>> -> memref<128xi32, #tpu.memory_space<vmem>>
        %dma_start3A_688 = arith.constant 0 : i32
        %dma_start3A_689 = arith.constant 0 : i32
        %dma_start3A_690 = tpu.memref_slice %arg3[%dma_start3A_688, %dma_start3A_689] : memref<1000000x64xf32, #tpu.memory_space<hbm>> -> memref<1000000x64xf32, #tpu.memory_space<hbm>>
        tpu.enqueue_indirect_dma source(%dma_start3A_690 : memref<1000000x64xf32, #tpu.memory_space<hbm>>) target(%dma_start3A_684 : memref<128x64xf32, #tpu.memory_space<vmem>>) offsets(%dma_start3A_687 : memref<128xi32, #tpu.memory_space<vmem>>) semaphore(%arg11 : memref<!tpu.dma_semaphore, #tpu.memory_space<semaphore_mem>>)
      } else {
      }
      %dma_start3A_609 = arith.constant 3 : i32
      %dma_start3A_610 = arith.constant 0 : i32
      %dma_start3A_611 = arith.constant 0 : i32
      %dma_start3A_612 = arith.constant 0 : i32
      %dma_start3A_613 = tpu.memref_slice %arg7[%dma_start3A_609, %dma_start3A_610, %dma_start3A_611, %dma_start3A_612] : memref<4x8x8x136xf32, #tpu.memory_space<vmem>> -> memref<1x8x8x136xf32, #tpu.memory_space<vmem>>
      %dma_start3A_614 = tpu.memref_squeeze %dma_start3A_613 : memref<1x8x8x136xf32, #tpu.memory_space<vmem>> -> memref<8x8x136xf32, #tpu.memory_space<vmem>>
      %dma_start3A_615 = arith.constant 0 : i32
      %dma_start3A_616 = arith.constant 0 : i32
      %dma_start3A_617 = arith.constant 0 : i32
      %dma_start3A_618 = tpu.memref_slice %dma_start3A_614[%dma_start3A_615, %dma_start3A_616, %dma_start3A_617] : memref<8x8x136xf32, #tpu.memory_space<vmem>> -> memref<8x8x128xf32, #tpu.memory_space<vmem>>
      %dma_start3A_619 = arith.constant 0 : i32
      %dma_start3A_620 = arith.constant 0 : i32
      %dma_start3A_621 = arith.constant 0 : i32
      %dma_start3A_622 = tpu.memref_slice %arg4[%add3A_577, %dma_start3A_619, %add3A, %dma_start3A_620, %dma_start3A_621] : memref<200x8x32x8x128xf32, #tpu.memory_space<hbm>> -> memref<1x8x1x8x128xf32, #tpu.memory_space<hbm>>
      %dma_start3A_623 = tpu.memref_squeeze %dma_start3A_622 : memref<1x8x1x8x128xf32, #tpu.memory_space<hbm>> -> memref<8x8x128xf32, #tpu.memory_space<hbm>>
      %dma_start3A_624 = arith.constant 0 : i32
      %dma_start3A_625 = arith.constant 0 : i32
      %dma_start3A_626 = arith.constant 0 : i32
      %dma_start3A_627 = tpu.memref_slice %arg4[%add3A_577, %dma_start3A_624, %add3A, %dma_start3A_625, %dma_start3A_626] : memref<200x8x32x8x128xf32, #tpu.memory_space<hbm>> -> memref<1x8x1x8x128xf32, #tpu.memory_space<hbm>>
      %dma_start3A_628 = tpu.memref_squeeze %dma_start3A_627 : memref<1x8x1x8x128xf32, #tpu.memory_space<hbm>> -> memref<8x8x128xf32, #tpu.memory_space<hbm>>
      %dma_start3A_629 = arith.constant 0 : i32
      %dma_start3A_630 = arith.constant 0 : i32
      %dma_start3A_631 = arith.constant 0 : i32
      %dma_start3A_632 = tpu.memref_slice %arg7[%dma_start3A_609, %dma_start3A_629, %dma_start3A_630, %dma_start3A_631] : memref<4x8x8x136xf32, #tpu.memory_space<vmem>> -> memref<1x8x8x136xf32, #tpu.memory_space<vmem>>
      %dma_start3A_633 = tpu.memref_squeeze %dma_start3A_632 : memref<1x8x8x136xf32, #tpu.memory_space<vmem>> -> memref<8x8x136xf32, #tpu.memory_space<vmem>>
      %dma_start3A_634 = arith.constant 0 : i32
      %dma_start3A_635 = arith.constant 0 : i32
      %dma_start3A_636 = arith.constant 0 : i32
      %dma_start3A_637 = tpu.memref_slice %dma_start3A_633[%dma_start3A_634, %dma_start3A_635, %dma_start3A_636] : memref<8x8x136xf32, #tpu.memory_space<vmem>> -> memref<8x8x128xf32, #tpu.memory_space<vmem>>
      tpu.enqueue_dma source(%dma_start3A_637 : memref<8x8x128xf32, #tpu.memory_space<vmem>>) target(%dma_start3A_628 : memref<8x8x128xf32, #tpu.memory_space<hbm>>) target_semaphore(%arg15 : memref<!tpu.dma_semaphore, #tpu.memory_space<semaphore_mem>>)
    }
    %scan3A_269 = arith.constant 50 : i32
    %dma_wait3A = arith.constant 0 : i32
    %dma_wait3A_270 = arith.constant 0 : i32
    %dma_wait3A_271 = arith.constant 0 : i32
    %dma_wait3A_272 = arith.constant 0 : i32
    %dma_wait3A_273 = arith.constant 0 : i32
    %dma_wait3A_274 = tpu.memref_slice %arg7[%dma_wait3A, %dma_wait3A_271, %dma_wait3A_272, %dma_wait3A_273] : memref<4x8x8x136xf32, #tpu.memory_space<vmem>> -> memref<1x8x8x136xf32, #tpu.memory_space<vmem>>
    %dma_wait3A_275 = tpu.memref_squeeze %dma_wait3A_274 : memref<1x8x8x136xf32, #tpu.memory_space<vmem>> -> memref<8x8x136xf32, #tpu.memory_space<vmem>>
    %dma_wait3A_276 = arith.constant 0 : i32
    %dma_wait3A_277 = arith.constant 0 : i32
    %dma_wait3A_278 = arith.constant 0 : i32
    %dma_wait3A_279 = tpu.memref_slice %dma_wait3A_275[%dma_wait3A_276, %dma_wait3A_277, %dma_wait3A_278] : memref<8x8x136xf32, #tpu.memory_space<vmem>> -> memref<8x8x128xf32, #tpu.memory_space<vmem>>
    %dma_wait3A_280 = arith.constant 0 : i32
    %dma_wait3A_281 = arith.constant 0 : i32
    %dma_wait3A_282 = arith.constant 0 : i32
    %dma_wait3A_283 = tpu.memref_slice %arg4[%dma_wait3A_270, %dma_wait3A_280, %add3A, %dma_wait3A_281, %dma_wait3A_282] : memref<200x8x32x8x128xf32, #tpu.memory_space<hbm>> -> memref<1x8x1x8x128xf32, #tpu.memory_space<hbm>>
    %dma_wait3A_284 = tpu.memref_squeeze %dma_wait3A_283 : memref<1x8x1x8x128xf32, #tpu.memory_space<hbm>> -> memref<8x8x128xf32, #tpu.memory_space<hbm>>
    %dma_wait3A_285 = arith.constant 0 : i32
    %dma_wait3A_286 = arith.constant 0 : i32
    %dma_wait3A_287 = arith.constant 0 : i32
    %dma_wait3A_288 = tpu.memref_slice %arg4[%dma_wait3A_270, %dma_wait3A_285, %add3A, %dma_wait3A_286, %dma_wait3A_287] : memref<200x8x32x8x128xf32, #tpu.memory_space<hbm>> -> memref<1x8x1x8x128xf32, #tpu.memory_space<hbm>>
    %dma_wait3A_289 = tpu.memref_squeeze %dma_wait3A_288 : memref<1x8x1x8x128xf32, #tpu.memory_space<hbm>> -> memref<8x8x128xf32, #tpu.memory_space<hbm>>
    %dma_wait3A_290 = arith.constant 0 : i32
    %dma_wait3A_291 = arith.constant 0 : i32
    %dma_wait3A_292 = arith.constant 0 : i32
    %dma_wait3A_293 = tpu.memref_slice %arg7[%dma_wait3A, %dma_wait3A_290, %dma_wait3A_291, %dma_wait3A_292] : memref<4x8x8x136xf32, #tpu.memory_space<vmem>> -> memref<1x8x8x136xf32, #tpu.memory_space<vmem>>
    %dma_wait3A_294 = tpu.memref_squeeze %dma_wait3A_293 : memref<1x8x8x136xf32, #tpu.memory_space<vmem>> -> memref<8x8x136xf32, #tpu.memory_space<vmem>>
    %dma_wait3A_295 = arith.constant 0 : i32
    %dma_wait3A_296 = arith.constant 0 : i32
    %dma_wait3A_297 = arith.constant 0 : i32
    %dma_wait3A_298 = tpu.memref_slice %dma_wait3A_294[%dma_wait3A_295, %dma_wait3A_296, %dma_wait3A_297] : memref<8x8x136xf32, #tpu.memory_space<vmem>> -> memref<8x8x128xf32, #tpu.memory_space<vmem>>
    tpu.wait_dma2 semaphore(%arg12 : memref<!tpu.dma_semaphore, #tpu.memory_space<semaphore_mem>>) src(%dma_wait3A_298 : memref<8x8x128xf32, #tpu.memory_space<vmem>>) dst(%dma_wait3A_289 : memref<8x8x128xf32, #tpu.memory_space<hbm>>)
    %dma_wait3A_299 = arith.constant 1 : i32
    %dma_wait3A_300 = arith.constant 0 : i32
    %dma_wait3A_301 = arith.constant 0 : i32
    %dma_wait3A_302 = arith.constant 0 : i32
    %dma_wait3A_303 = arith.constant 0 : i32
    %dma_wait3A_304 = tpu.memref_slice %arg7[%dma_wait3A_299, %dma_wait3A_301, %dma_wait3A_302, %dma_wait3A_303] : memref<4x8x8x136xf32, #tpu.memory_space<vmem>> -> memref<1x8x8x136xf32, #tpu.memory_space<vmem>>
    %dma_wait3A_305 = tpu.memref_squeeze %dma_wait3A_304 : memref<1x8x8x136xf32, #tpu.memory_space<vmem>> -> memref<8x8x136xf32, #tpu.memory_space<vmem>>
    %dma_wait3A_306 = arith.constant 0 : i32
    %dma_wait3A_307 = arith.constant 0 : i32
    %dma_wait3A_308 = arith.constant 0 : i32
    %dma_wait3A_309 = tpu.memref_slice %dma_wait3A_305[%dma_wait3A_306, %dma_wait3A_307, %dma_wait3A_308] : memref<8x8x136xf32, #tpu.memory_space<vmem>> -> memref<8x8x128xf32, #tpu.memory_space<vmem>>
    %dma_wait3A_310 = arith.constant 0 : i32
    %dma_wait3A_311 = arith.constant 0 : i32
    %dma_wait3A_312 = arith.constant 0 : i32
    %dma_wait3A_313 = tpu.memref_slice %arg4[%dma_wait3A_300, %dma_wait3A_310, %add3A, %dma_wait3A_311, %dma_wait3A_312] : memref<200x8x32x8x128xf32, #tpu.memory_space<hbm>> -> memref<1x8x1x8x128xf32, #tpu.memory_space<hbm>>
    %dma_wait3A_314 = tpu.memref_squeeze %dma_wait3A_313 : memref<1x8x1x8x128xf32, #tpu.memory_space<hbm>> -> memref<8x8x128xf32, #tpu.memory_space<hbm>>
    %dma_wait3A_315 = arith.constant 0 : i32
    %dma_wait3A_316 = arith.constant 0 : i32
    %dma_wait3A_317 = arith.constant 0 : i32
    %dma_wait3A_318 = tpu.memref_slice %arg4[%dma_wait3A_300, %dma_wait3A_315, %add3A, %dma_wait3A_316, %dma_wait3A_317] : memref<200x8x32x8x128xf32, #tpu.memory_space<hbm>> -> memref<1x8x1x8x128xf32, #tpu.memory_space<hbm>>
    %dma_wait3A_319 = tpu.memref_squeeze %dma_wait3A_318 : memref<1x8x1x8x128xf32, #tpu.memory_space<hbm>> -> memref<8x8x128xf32, #tpu.memory_space<hbm>>
    %dma_wait3A_320 = arith.constant 0 : i32
    %dma_wait3A_321 = arith.constant 0 : i32
    %dma_wait3A_322 = arith.constant 0 : i32
    %dma_wait3A_323 = tpu.memref_slice %arg7[%dma_wait3A_299, %dma_wait3A_320, %dma_wait3A_321, %dma_wait3A_322] : memref<4x8x8x136xf32, #tpu.memory_space<vmem>> -> memref<1x8x8x136xf32, #tpu.memory_space<vmem>>
    %dma_wait3A_324 = tpu.memref_squeeze %dma_wait3A_323 : memref<1x8x8x136xf32, #tpu.memory_space<vmem>> -> memref<8x8x136xf32, #tpu.memory_space<vmem>>
    %dma_wait3A_325 = arith.constant 0 : i32
    %dma_wait3A_326 = arith.constant 0 : i32
    %dma_wait3A_327 = arith.constant 0 : i32
    %dma_wait3A_328 = tpu.memref_slice %dma_wait3A_324[%dma_wait3A_325, %dma_wait3A_326, %dma_wait3A_327] : memref<8x8x136xf32, #tpu.memory_space<vmem>> -> memref<8x8x128xf32, #tpu.memory_space<vmem>>
    tpu.wait_dma2 semaphore(%arg13 : memref<!tpu.dma_semaphore, #tpu.memory_space<semaphore_mem>>) src(%dma_wait3A_328 : memref<8x8x128xf32, #tpu.memory_space<vmem>>) dst(%dma_wait3A_319 : memref<8x8x128xf32, #tpu.memory_space<hbm>>)
    %dma_wait3A_329 = arith.constant 2 : i32
    %dma_wait3A_330 = arith.constant 0 : i32
    %dma_wait3A_331 = arith.constant 0 : i32
    %dma_wait3A_332 = arith.constant 0 : i32
    %dma_wait3A_333 = arith.constant 0 : i32
    %dma_wait3A_334 = tpu.memref_slice %arg7[%dma_wait3A_329, %dma_wait3A_331, %dma_wait3A_332, %dma_wait3A_333] : memref<4x8x8x136xf32, #tpu.memory_space<vmem>> -> memref<1x8x8x136xf32, #tpu.memory_space<vmem>>
    %dma_wait3A_335 = tpu.memref_squeeze %dma_wait3A_334 : memref<1x8x8x136xf32, #tpu.memory_space<vmem>> -> memref<8x8x136xf32, #tpu.memory_space<vmem>>
    %dma_wait3A_336 = arith.constant 0 : i32
    %dma_wait3A_337 = arith.constant 0 : i32
    %dma_wait3A_338 = arith.constant 0 : i32
    %dma_wait3A_339 = tpu.memref_slice %dma_wait3A_335[%dma_wait3A_336, %dma_wait3A_337, %dma_wait3A_338] : memref<8x8x136xf32, #tpu.memory_space<vmem>> -> memref<8x8x128xf32, #tpu.memory_space<vmem>>
    %dma_wait3A_340 = arith.constant 0 : i32
    %dma_wait3A_341 = arith.constant 0 : i32
    %dma_wait3A_342 = arith.constant 0 : i32
    %dma_wait3A_343 = tpu.memref_slice %arg4[%dma_wait3A_330, %dma_wait3A_340, %add3A, %dma_wait3A_341, %dma_wait3A_342] : memref<200x8x32x8x128xf32, #tpu.memory_space<hbm>> -> memref<1x8x1x8x128xf32, #tpu.memory_space<hbm>>
    %dma_wait3A_344 = tpu.memref_squeeze %dma_wait3A_343 : memref<1x8x1x8x128xf32, #tpu.memory_space<hbm>> -> memref<8x8x128xf32, #tpu.memory_space<hbm>>
    %dma_wait3A_345 = arith.constant 0 : i32
    %dma_wait3A_346 = arith.constant 0 : i32
    %dma_wait3A_347 = arith.constant 0 : i32
    %dma_wait3A_348 = tpu.memref_slice %arg4[%dma_wait3A_330, %dma_wait3A_345, %add3A, %dma_wait3A_346, %dma_wait3A_347] : memref<200x8x32x8x128xf32, #tpu.memory_space<hbm>> -> memref<1x8x1x8x128xf32, #tpu.memory_space<hbm>>
    %dma_wait3A_349 = tpu.memref_squeeze %dma_wait3A_348 : memref<1x8x1x8x128xf32, #tpu.memory_space<hbm>> -> memref<8x8x128xf32, #tpu.memory_space<hbm>>
    %dma_wait3A_350 = arith.constant 0 : i32
    %dma_wait3A_351 = arith.constant 0 : i32
    %dma_wait3A_352 = arith.constant 0 : i32
    %dma_wait3A_353 = tpu.memref_slice %arg7[%dma_wait3A_329, %dma_wait3A_350, %dma_wait3A_351, %dma_wait3A_352] : memref<4x8x8x136xf32, #tpu.memory_space<vmem>> -> memref<1x8x8x136xf32, #tpu.memory_space<vmem>>
    %dma_wait3A_354 = tpu.memref_squeeze %dma_wait3A_353 : memref<1x8x8x136xf32, #tpu.memory_space<vmem>> -> memref<8x8x136xf32, #tpu.memory_space<vmem>>
    %dma_wait3A_355 = arith.constant 0 : i32
    %dma_wait3A_356 = arith.constant 0 : i32
    %dma_wait3A_357 = arith.constant 0 : i32
    %dma_wait3A_358 = tpu.memref_slice %dma_wait3A_354[%dma_wait3A_355, %dma_wait3A_356, %dma_wait3A_357] : memref<8x8x136xf32, #tpu.memory_space<vmem>> -> memref<8x8x128xf32, #tpu.memory_space<vmem>>
    tpu.wait_dma2 semaphore(%arg14 : memref<!tpu.dma_semaphore, #tpu.memory_space<semaphore_mem>>) src(%dma_wait3A_358 : memref<8x8x128xf32, #tpu.memory_space<vmem>>) dst(%dma_wait3A_349 : memref<8x8x128xf32, #tpu.memory_space<hbm>>)
    %dma_wait3A_359 = arith.constant 3 : i32
    %dma_wait3A_360 = arith.constant 0 : i32
    %dma_wait3A_361 = arith.constant 0 : i32
    %dma_wait3A_362 = arith.constant 0 : i32
    %dma_wait3A_363 = arith.constant 0 : i32
    %dma_wait3A_364 = tpu.memref_slice %arg7[%dma_wait3A_359, %dma_wait3A_361, %dma_wait3A_362, %dma_wait3A_363] : memref<4x8x8x136xf32, #tpu.memory_space<vmem>> -> memref<1x8x8x136xf32, #tpu.memory_space<vmem>>
    %dma_wait3A_365 = tpu.memref_squeeze %dma_wait3A_364 : memref<1x8x8x136xf32, #tpu.memory_space<vmem>> -> memref<8x8x136xf32, #tpu.memory_space<vmem>>
    %dma_wait3A_366 = arith.constant 0 : i32
    %dma_wait3A_367 = arith.constant 0 : i32
    %dma_wait3A_368 = arith.constant 0 : i32
    %dma_wait3A_369 = tpu.memref_slice %dma_wait3A_365[%dma_wait3A_366, %dma_wait3A_367, %dma_wait3A_368] : memref<8x8x136xf32, #tpu.memory_space<vmem>> -> memref<8x8x128xf32, #tpu.memory_space<vmem>>
    %dma_wait3A_370 = arith.constant 0 : i32
    %dma_wait3A_371 = arith.constant 0 : i32
    %dma_wait3A_372 = arith.constant 0 : i32
    %dma_wait3A_373 = tpu.memref_slice %arg4[%dma_wait3A_360, %dma_wait3A_370, %add3A, %dma_wait3A_371, %dma_wait3A_372] : memref<200x8x32x8x128xf32, #tpu.memory_space<hbm>> -> memref<1x8x1x8x128xf32, #tpu.memory_space<hbm>>
    %dma_wait3A_374 = tpu.memref_squeeze %dma_wait3A_373 : memref<1x8x1x8x128xf32, #tpu.memory_space<hbm>> -> memref<8x8x128xf32, #tpu.memory_space<hbm>>
    %dma_wait3A_375 = arith.constant 0 : i32
    %dma_wait3A_376 = arith.constant 0 : i32
    %dma_wait3A_377 = arith.constant 0 : i32
    %dma_wait3A_378 = tpu.memref_slice %arg4[%dma_wait3A_360, %dma_wait3A_375, %add3A, %dma_wait3A_376, %dma_wait3A_377] : memref<200x8x32x8x128xf32, #tpu.memory_space<hbm>> -> memref<1x8x1x8x128xf32, #tpu.memory_space<hbm>>
    %dma_wait3A_379 = tpu.memref_squeeze %dma_wait3A_378 : memref<1x8x1x8x128xf32, #tpu.memory_space<hbm>> -> memref<8x8x128xf32, #tpu.memory_space<hbm>>
    %dma_wait3A_380 = arith.constant 0 : i32
    %dma_wait3A_381 = arith.constant 0 : i32
    %dma_wait3A_382 = arith.constant 0 : i32
    %dma_wait3A_383 = tpu.memref_slice %arg7[%dma_wait3A_359, %dma_wait3A_380, %dma_wait3A_381, %dma_wait3A_382] : memref<4x8x8x136xf32, #tpu.memory_space<vmem>> -> memref<1x8x8x136xf32, #tpu.memory_space<vmem>>
    %dma_wait3A_384 = tpu.memref_squeeze %dma_wait3A_383 : memref<1x8x8x136xf32, #tpu.memory_space<vmem>> -> memref<8x8x136xf32, #tpu.memory_space<vmem>>
    %dma_wait3A_385 = arith.constant 0 : i32
    %dma_wait3A_386 = arith.constant 0 : i32
    %dma_wait3A_387 = arith.constant 0 : i32
    %dma_wait3A_388 = tpu.memref_slice %dma_wait3A_384[%dma_wait3A_385, %dma_wait3A_386, %dma_wait3A_387] : memref<8x8x136xf32, #tpu.memory_space<vmem>> -> memref<8x8x128xf32, #tpu.memory_space<vmem>>
    tpu.wait_dma2 semaphore(%arg15 : memref<!tpu.dma_semaphore, #tpu.memory_space<semaphore_mem>>) src(%dma_wait3A_388 : memref<8x8x128xf32, #tpu.memory_space<vmem>>) dst(%dma_wait3A_379 : memref<8x8x128xf32, #tpu.memory_space<hbm>>)
    return
  }
}

</mosaic_0001>

<sc_bundles>
// kernel: kernel.3.cloned.1.call-start
scs
__scs_entry_jumppad:
0x0: {  	(pc) =	sbr.rel $0x88, $3  }
0x1: {  	(tag) =	ssettag $0x0;
	lr =	simm.s32 $0x1  }
0x2: {  	[smem:$0x3F9F] =	sst lr;
	_ =	strace $0xD0000000  }
0x3: {  	_ = 	snop  }
0x4: {  	_ = 	snop  }
0x5: {  	_ = 	snop  }
0x6: {  	_ = 	snop  }
0x7: {  	_ = 	snop  }
__scs_overlays_trampoline_lowered:
0x8: {  	[smem:$0x3FAE] =	sst s0  }
0x9: {  	[smem:$0x3FAF] =	sst s1  }
0xa: {  	[smem:$0x3FB0] =	sst s2  }
0xb: {  	[smem:$0x3FB1] =	sst s3  }
0xc: {  	[smem:$0x3FB2] =	sst s4  }
0xd: {  	[smem:$0x3FB3] =	sst s5  }
0xe: {  	[smem:$0x3FB4] =	sst s6  }
0xf: {  	[smem:$0x3FB5] =	sst s7  }
0x10: {  	[smem:$0x3FB6] =	sst s8  }
0x11: {  	[smem:$0x3FB7] =	sst s9;
	s0 =	simm.s32 @!p0 $0x0  }
0x12: {  	s1 =	sld [smem:$0x3F9D];
	s0 =	simm.s32 @p0 $0x1  }
0x13: {  	[smem:$0x3FB8] =	sst s0;
	s0 =	simm.s32 @!p1 $0x0  }
0x14: {  	s2 =	sld [smem:$0x3F9C];
	s0 =	simm.s32 @p1 $0x1  }
0x15: {  	[smem:$0x3FB9] =	sst s0;
	s0 =	simm.s32 @!p2 $0x0  }
0x16: {  	s3 =	sld [smem:$0x3FDB];
	s0 =	simm.s32 @p2 $0x1  }
0x17: {  	s4 =	simm.s32 $0x1BF5;
	[smem:$0x3FBB] =	sst s0  }
0x18: {  	s0 =	sld [smem:$0x3F9E];
	_ =	swait.ge [sflag:s4], $0x0  }
0x19: {  	s7 =	sld [smem:$0x3F9F]  }
0x1a: {  	s8 =	sadd.s32 $0xFFFFE003, lr  }
0x1b: {  	s9 =	sadd.s32 $0xFFFFFEF7, lr;
	s5 =	simm.s32 $0xFFFFFFFF;
	p2 =	slt.u32 s8, $0xFFFFF086  }
0x1c: {  	p1 =	slt.u32 s9, $0xF7A;
	s5 =	simm.s32 @!p2 $0x0  }
0x1d: {  	s5 =	simm.s32 @p1 $0x1;
	p0 =	seq.s32 s7, s2  }
0x1e: {  	s7 =	smul.u32 @!p0 $0xF7A, s2;
	p2 =	seq.s32 @!p0 s5, $0x0  }
0x1f: {  	s9 =	smul.u32 $0xF7A, s1;
	s8 =	simm.s32 @!p0 $0x1BF5;
	p2 =	por !p2, p0  }
0x20: {  	[sflag:s8] =	ssyncset.s32 @!p0 $0xFFFFF086;
	s6 =	sadd.s32 @!p0 s3, s7;
	s7 =	simm.s32 @!p0 $0x108  }
0x21: {  	s3 =	sadd.s32 s3, s9;
	s6 =	sadd.s32 @!p0 $0x88, s6;
	s7 =	simm.s32 @p2 $0x1082  }
0x22: {  	[simem:s7], [sflag:s8] =	dma.local @!p0 [hbm:s6], $0xF7A  }
0x23: {  	s9 =	sor.u32 $0xD0000000, s2;
	s6 =	simm.s32 $0x108;
	_ =	swait.ge @!p0 [sflag:s8], $0x0  }
0x24: {  	s3 =	sadd.s32 $0x88, s3;
	s6 =	simm.s32 @!p1 $0x1082;
	[sflag:s4] =	ssyncset.s32 $0xFFFFF086  }
0x25: {  	[simem:s6], [sflag:s4] =	dma.local [hbm:s3], $0xF7A  }
0x26: {  	[smem:$0x3F9F] =	sst s1;
	(tag) =	ssettag s2;
	_ =	strace s9  }
0x27: {  	s1 =	sld [smem:$0x3FAF]  }
0x28: {  	s2 =	sld [smem:$0x3FB0]  }
0x29: {  	s4 =	sld [smem:$0x3FB2]  }
0x2a: {  	p0 =	seq.s32 s5, $0x0;
	s5 =	sld [smem:$0x3FB3]  }
0x2b: {  	s6 =	sld [smem:$0x3FB4]  }
0x2c: {  	s7 =	sld [smem:$0x3FB5]  }
0x2d: {  	s3 =	simm.s32 $0x108;
	s8 =	sld [smem:$0x3FB6]  }
0x2e: {  	s3 =	simm.s32 @!p0 $0x1082;
	s9 =	sld [smem:$0x3FB7]  }
0x2f: {  	lr =	sadd.s32 s0, s3;
	s0 =	sld [smem:$0x3FAE]  }
0x30: {  	s3 =	sld [smem:$0x3FB1]  }
0x31: {  	[smem:$0x3FBA] =	sst s10  }
0x32: {  	s10 =	sld [smem:$0x3FB8];
	_ =	sdelay $0x3  }
0x33: {  	p0 =	seq.s32 s10, $0x1;
	s10 =	sld [smem:$0x3FBA];
	_ =	sdelay $0x3  }
0x34: {  	[smem:$0x3FBA] =	sst s10  }
0x35: {  	s10 =	sld [smem:$0x3FB9];
	_ =	sdelay $0x3  }
0x36: {  	p1 =	seq.s32 s10, $0x1;
	s10 =	sld [smem:$0x3FBA];
	_ =	sdelay $0x3  }
0x37: {  	[smem:$0x3FBA] =	sst s10  }
0x38: {  	s10 =	sld [smem:$0x3FBB]  }
0x39: {  	_ = 	snop;
	(pc) =	sbr.ind lr, $3  }
0x3a: {  	_ = 	snop  }
0x3b: {  	_ = 	snop  }
0x3c: {  	p2 =	seq.s32 s10, $0x1;
	s10 =	sld [smem:$0x3FBA]  }
0x3d: {  	_ =	shalt  }
0x3e: {  	_ =	shalt  }
0x3f: {  	_ =	shalt  }
0x40: {  	_ =	shalt  }
0x41: {  	_ =	shalt  }
0x42: {  	_ =	shalt  }
0x43: {  	_ =	shalt  }
0x44: {  	_ =	shalt  }
0x45: {  	_ =	shalt  }
0x46: {  	_ =	shalt  }
0x47: {  	_ =	shalt  }
0x48: {  	_ =	shalt  }
0x49: {  	_ =	shalt  }
0x4a: {  	_ =	shalt  }
0x4b: {  	_ =	shalt  }
0x4c: {  	_ =	shalt  }
0x4d: {  	_ =	shalt  }
0x4e: {  	_ =	shalt  }
0x4f: {  	_ =	shalt  }
0x50: {  	_ =	shalt  }
0x51: {  	_ =	shalt  }
0x52: {  	_ =	shalt  }
0x53: {  	_ =	shalt  }
0x54: {  	_ =	shalt  }
0x55: {  	_ =	shalt  }
0x56: {  	_ =	shalt  }
0x57: {  	_ =	shalt  }
0x58: {  	_ =	shalt  }
0x59: {  	_ =	shalt  }
0x5a: {  	_ =	shalt  }
0x5b: {  	_ =	shalt  }
0x5c: {  	_ =	shalt  }
0x5d: {  	_ =	shalt  }
0x5e: {  	_ =	shalt  }
0x5f: {  	_ =	shalt  }
0x60: {  	_ =	shalt  }
0x61: {  	_ =	shalt  }
0x62: {  	_ =	shalt  }
0x63: {  	_ =	shalt  }
0x64: {  	_ =	shalt  }
0x65: {  	_ =	shalt  }
0x66: {  	_ =	shalt  }
0x67: {  	_ =	shalt  }
0x68: {  	_ =	shalt  }
0x69: {  	_ =	shalt  }
0x6a: {  	_ =	shalt  }
0x6b: {  	_ =	shalt  }
0x6c: {  	_ =	shalt  }
0x6d: {  	_ =	shalt  }
0x6e: {  	_ =	shalt  }
0x6f: {  	_ =	shalt  }
0x70: {  	_ =	shalt  }
0x71: {  	_ =	shalt  }
0x72: {  	_ =	shalt  }
0x73: {  	_ =	shalt  }
0x74: {  	_ =	shalt  }
0x75: {  	_ =	shalt  }
0x76: {  	_ =	shalt  }
0x77: {  	_ =	shalt  }
0x78: {  	_ =	shalt  }
0x79: {  	_ =	shalt  }
0x7a: {  	_ =	shalt  }
0x7b: {  	_ =	shalt  }
0x7c: {  	_ =	shalt  }
0x7d: {  	_ =	shalt  }
0x7e: {  	_ =	shalt  }
0x7f: {  	_ =	shalt  }
0x80: {  	_ =	shalt  }
0x81: {  	_ =	shalt  }
0x82: {  	_ =	shalt  }
0x83: {  	_ =	shalt  }
0x84: {  	_ =	shalt  }
0x85: {  	_ =	shalt  }
0x86: {  	_ =	shalt  }
0x87: {  	_ =	shalt  }
.Lfunc_end0:
.L_simem_size_0:
called_computation_lowered:
.L_overlay_start_0:
0x88: {  	s2 =	sld [smem:$0x3FD9]  }
0x89: {  	s3 =	sld [smem:$0x3FFE];
	_ =	sdelay $0x1  }
0x8a: {  	s1 =	srdreg.scid  }
0x8b: {  	s0 =	sand.u32 $0x1, s1  }
0x8c: {  	s17 =	sshll.u32 s0, $0xA;
	s2 =	sadd.s32 s3, s2  }
0x8d: {  	s2 =	sadd.s32 s2, s17  }
0x8e: {  	[smem:$0x3FC6] =	sst s2  }
0x8f: {  	_ = 	snop  }
0x90: {  	s2 =	sld [smem:$0x3FD0];
	(tm) =	ssettm $0x1  }
0x91: {  	s18 =	sld [smem:$0x3FFB];
	_ =	sdelay $0x3  }
0x92: {  	_ =	strace s18  }
0x93: {  	s3 =	sld [smem:$0x3FFC];
	_ =	sdelay $0x3  }
0x94: {  	_ =	strace s3  }
0x95: {  	s3 =	sld [smem:$0x3FFD];
	_ =	sdelay $0x3  }
0x96: {  	_ =	strace s3  }
0x97: {  	_ =	strace $0x8FFFFFFF  }
0x98: {  	s19 =	sld [smem:$0x3FDB];
	_ =	sdelay $0x1  }
0x99: {  	s4 =	simm.s32 $_scs_section_size  }
0x9a: {  	s5 =	simm.s32 $_size__tile_overlayer_lowered;
	s6 =	simm.s32 $_tile_overlayer_lowered  }
0x9b: {  	s22 =	simm.s32 $0x1BFF;
	s21 =	sshll.u32 s6, $0x1;
	s3 =	sadd.s32 s4, s19  }
0x9c: {  	s7 =	simm.s32 $0x0;
	s20 =	sshll.u32 s5, $0x1;
	s5 =	sadd.s32 s21, s3  }
0x9d: {  	[timem:s7], [sflag:s22] =	dma.local [hbm:s5], s20  }
0x9e: {  	_ =	swait.ge [sflag:s22], s20  }
0x9f: {  	s4 =	ssub.s32 $0x0, s20;
	[sflag:s22] =	ssyncset.done $0x0  }
0xa0: {  	[sflag:s22] =	ssyncadd.s32 s4;
	_ =	sdelay $0x1  }
0xa1: {  	s23 =	simm.s32 $0x1B8B  }
0xa2: {  	_ =	swait.ge [sflag:s23], $0x1  }
0xa3: {  	[sflag:s23] =	ssyncset.done $0x0  }
0xa4: {  	s25 =	simm.s32 $0x1B8E;
	s24 =	sld [smem:$0x3FFE];
	[sflag:s23] =	ssyncadd.s32 $0xFFFFFFFF  }
0xa5: {  	s26 =	simm.s32 $execute0_lowered;
	[smem:$0x3FD2] =	sst s25  }
0xa6: {  	s5 =	sshll.u32 s26, $0x1;
	_ =	strace $0x80000046;
	[dreg:$0x1] =	wrdreg $0xFFFFFFFF  }
0xa7: {  	s28 =	simm.s32 $_size_execute0_lowered;
	s3 =	sadd.s32 s3, s5;
	[dreg:$0x0] =	wrdreg $0x0  }
0xa8: {  	s5 =	sshll.u32 s28, $0x1;
	[dreg:$0x2] =	wrdreg s3  }
0xa9: {  	[dreg:$0x3] =	wrdreg s5  }
0xaa: {  	[dreg:$0x4] =	wrdreg $0xC0  }
0xab: {  	_ =	task [dreg:s7], $0x5FFFF  }
0xac: {  	[dreg:$0x1] =	wrdreg $0xFFFFFFFF  }
0xad: {  	[dreg:$0x0] =	wrdreg $0x60  }
0xae: {  	[dreg:$0x2] =	wrdreg s24  }
0xaf: {  	[dreg:$0x3] =	wrdreg s2  }
0xb0: {  	[dreg:$0x4] =	wrdreg $0x9  }
0xb1: {  	_ =	task.clear_ibuf [dreg:s7], $0x5FFFF;
	_ =	strace $0x90000046  }
0xb2: {  	s29 =	simm.s32 $0x9;
	_ =	strace $0x80000048  }
0xb3: {  	_ =	swait.ge [sflag:s29], $0x1  }
0xb4: {  	[sflag:s29] =	ssyncadd.s32 $0xFFFFFFFF  }
0xb5: {  	_ =	strace $0x90000048  }
0xb6: {  	_ =	sfence  }
0xb7: {  	s30 =	sld [smem:$0x0];
	_ =	sdelay $0x2  }
0xb8: {  	s31 =	sshll.u32 s1, $0xD;
	s1 =	sshrl.u32 s1, $0x2  }
0xb9: {  	s3 =	sand.u32 $0x4000, s31;
	s1 =	sadd.s32 s1, s30  }
0xba: {  	s0 =	sor.u32 s3, s0;
	s1 =	sshll.u32 s1, $0x11  }
0xbb: {  	s0 =	sor.u32 s1, s0  }
0xbc: {  	s0 =	sadd.s32 $0x8F2B, s0  }
0xbd: {  	[sflag:s0] =	ssyncadd.remote.s32 $0x1  }
0xbe: {  	_ =	sfence.sel $0xFFFF  }
0xbf: {  	[dreg:$0x0] =	wrdreg $0xFFFFFFFF;
	(pc) =	sbr.abs _section_cstart, $3  }
0xc0: {  	[dreg:$0x1] =	wrdreg $0xFFFFFFFF  }
0xc1: {  	_ =	task.clear_ibuf [dreg:s7], $0x2FFFF;
	_ =	strace $0x9FFFFFFF  }
0xc2: {  	(tm) =	ssettm $0x7FFFFFFF  }
0xc3: {  	_ =	shalt  }
tec
execute0_lowered:
.L_overlay_start_1:
0x0: {  	(tag) =	ssettag $0x1  }
0x1: {  	s0 =	srdreg.scid  }
0x2: {  	s1 =	rddreg [dreg:$0x0];
	s3 =	stileid.u32  }
0x3: {  	s2 =	rddreg [dreg:$0x1];
	s13 =	simm.s32 $0x9;
	s14 =	simm.s32 $0x80  }
0x4: {  	s21 =	simm.s32 $0x1;
	s22 =	simm.s32 $0xE400;
	s23 =	simm.s32 $0x2  }
0x5: {  	s24 =	simm.s32 $0x10600;
	s25 =	simm.s32 $0x3;
	s28 =	simm.s32 $0x4  }
0x6: {  	s29 =	simm.s32 $0x14A00;
	s30 =	simm.s32 $0x5;
	s31 =	simm.s32 $0x6  }
0x7: {  	s11 =	simm.s32 $0x0;
	s0 =	sand.u32 $0x1, s0;
	s4 =	sshll.u32 s3, $0xB  }
0x8: {  	s3 =	simm.s32 $0x0;
	s8 =	sadd.s32 $0x10000, s2;
	s9 =	sadd.s32 $0x18000, s2  }
0x9: {  	s5 =	sshll.u32 s0, $0xA;
	[smem:$0x7FF] =	sst s3;
	s0 =	ssub.s32 $0x2, s0  }
0xa: {  	s4 =	sor.u32 s5, s4;
	_ =	strace $0x80000047;
	s7 =	sshrl.u32 s0, $0x1  }
0xb: {  	v0 =	vlaneseq.u32;
	s5 =	sshrl.u32 s4, $0x3;
	s0 =	ssub.s32 s0, s7;
	s7 =	sadd.s32 $0x8000, s2  }
0xc: {  	v0 =	vmul.u32 $0x88, v0;
	s6 =	sadd.s32 s5, s1;
	s5 =	sadd.s32 $0xF42A00, s1;
	s0 =	smax.u32 s0, $0x1  }
0xd: {  	s1 =	simm.s32 $0x7;
	s26 =	sadd.s32 $0x600, s6;
	[dreg:$0x4] =	wrdreg s0  }
0xe: {  	v1 =	vadd.s32 $0x880, v0;
	v2 =	vadd.s32 $0x1100, v0;
	v3 =	vadd.s32 $0x1980, v0;
	s0 =	simm.s32 $0x8;
	[dreg:$0x3] =	wrdreg s26;
	s26 =	simm.s32 $0x12800  }
.LBB2_1:
0xf: {  	s6 =	rddreg [dreg:$0x3];
	s10 =	simm.s32 $0x400;
	s12 =	simm.s32 $0x8000  }
0x10: {  	[tilespmem:s3], [sflag:$0x9] =	stream.strided.gather [hbm4b:s6+s10], $0x6400, s12, s10, $0x38;
	[tilespmem:$0x16C00] =	vst v63  }
0x11: {  	_ =	swait.ge [sflag:s13], $0x6400  }
0x12: {  	[sflag:s13] =	ssyncset.done $0x0  }
0x13: {  	s15 =	simm.s32 $0x6400;
	[sflag:s13] =	ssyncadd.s32 $0xFFFF9C00  }
0x14: {  	[tilespmem:s15], [sflag:$0x1] =	stream.indirect.gather [hbm4b:s5+s14], $0x40, s3, s14, $0xb8;
	[tilespmem:$0x16C00] =	vst v63  }
0x15: {  	s16 =	simm.s32 $0x8400  }
0x16: {  	[tilespmem:s16], [sflag:$0x2] =	stream.indirect.gather [hbm4b:s5+s14], $0x40, s14, s14, $0xb8;
	[tilespmem:$0x16C00] =	vst v63  }
0x17: {  	s17 =	simm.s32 $0x100;
	s18 =	simm.s32 $0xA400  }
0x18: {  	[tilespmem:s18], [sflag:$0x3] =	stream.indirect.gather [hbm4b:s5+s14], $0x40, s17, s14, $0xb8;
	[tilespmem:$0x16C00] =	vst v63  }
0x19: {  	s19 =	simm.s32 $0x180;
	s20 =	simm.s32 $0xC400;
	s12 =	simm.s32 $0x0  }
0x1a: {  	[tilespmem:s20], [sflag:$0x4] =	stream.indirect.gather [hbm4b:s5+s14], $0x40, s19, s14, $0xb8;
	[tilespmem:$0x16C00] =	vst v63  }
.LBB2_2:
0x1b: {  	_ =	swait.ge [sflag:s21], $0x2000  }
0x1c: {  	p1 =	seq.s32 s12, $0x0;
	[sflag:s21] =	ssyncset.done $0x0  }
0x1d: {  	s6 =	simm.s32 @!p1 $0x5;
	[sflag:s21] =	ssyncadd.s32 $0xFFFFE000  }
0x1e: {  	_ =	swait.ge @!p1 [sflag:s6], $0x2000  }
0x1f: {  	[sflag:s6] =	ssyncset.done @!p1 $0x0  }
0x20: {  	s16 =	simm.s32 $0x6480;
	s18 =	simm.s32 $0x3;
	[sflag:s6] =	ssyncadd.s32 @!p1 $0xFFFFE000  }
0x21: {  	v4 =	vmov s18;
	v5 =	vld [tilespmem:s16+$0x40]  }
0x22: {  	v9 =	vand.u32 $0x7F, v4  }
0x23: {  	s19 =	simm.s32 $0x0;
	v4 =	vadd.s32 v0, v9  }
0x24: {  	s20 =	simm.s32 $0x1;
	s15 =	simm.s32 $0x2;
	v6 =	vmov s19;
	v7 =	vld [tilespmem:s16+$0xFFFFFF80]  }
0x25: {  	v11 =	vmov s15;
	v8 =	vand.u32 $0x7C, v6;
	v6 =	vmov s20;
	v10 =	vld [tilespmem:s16+$0xFFFFFFC0]  }
0x26: {  	v12 =	vadd.s32 v0, v8;
	v15 =	vand.u32 $0x7D, v6;
	v6 =	vld [tilespmem:s16+$0x0];
	v5 =	vmul.f32 $8.000000000e+00, v5  }
0x27: {  	v17 =	vand.u32 $0x7E, v11;
	v13 =	vadd.s32 v0, v15  }
0x28: {  	v11 =	vadd.s32 v0, v17;
	[tilespmem:v4+s22+$0x0] =	vst.idx.msk $0xffff, v5  }
0x29: {  	v4 =	vmul.f32 $8.000000000e+00, v7;
	v5 =	vld [tilespmem:s16+$0x50]  }
0x2a: {  	v7 =	vmul.f32 $8.000000000e+00, v10  }
0x2b: {  	[tilespmem:v12+s22+$0x0] =	vst.idx.msk $0xffff, v4;
	v4 =	vmul.f32 $8.000000000e+00, v6;
	v6 =	vadd.s32 v1, v9  }
0x2c: {  	[tilespmem:v13+s22+$0x0] =	vst.idx.msk $0xffff, v7;
	v10 =	vld [tilespmem:s16+$0xFFFFFF90]  }
0x2d: {  	v7 =	vld [tilespmem:s16+$0xFFFFFFD0];
	[tilespmem:v11+s22+$0x0] =	vst.idx.msk $0xffff, v4  }
0x2e: {  	v11 =	vld [tilespmem:s16+$0x10];
	v4 =	vmul.f32 $8.000000000e+00, v5  }
0x2f: {  	s10 =	simm.s32 $0x4;
	s17 =	simm.s32 $0x7;
	s15 =	simm.s32 $0x6580;
	v12 =	vadd.s32 v1, v15  }
0x30: {  	v14 =	vld [tilespmem:s15+$0x40];
	v13 =	vadd.s32 v1, v17;
	v5 =	vmov s10;
	[tilespmem:v6+s22+$0x0] =	vst.idx.msk $0xffff, v4;
	v6 =	vmov s17  }
0x31: {  	v16 =	vadd.s32 v1, v8;
	v4 =	vand.u32 $0x7C, v5;
	v5 =	vand.u32 $0x7F, v6;
	v18 =	vld [tilespmem:s16+$0x60]  }
0x32: {  	s18 =	simm.s32 $0x5;
	v22 =	vadd.s32 v2, v9;
	v19 =	vld [tilespmem:s15+$0xFFFFFF80];
	v6 =	vmul.f32 $8.000000000e+00, v7;
	v20 =	vadd.s32 v0, v5  }
0x33: {  	s19 =	simm.s32 $0x6;
	v21 =	vld [tilespmem:s15+$0xFFFFFFC0];
	v10 =	vmul.f32 $8.000000000e+00, v10;
	v7 =	vmul.f32 $8.000000000e+00, v11;
	v11 =	vmov s18  }
0x34: {  	v23 =	vadd.s32 v0, v4;
	[tilespmem:v12+s22+$0x0] =	vst.idx.msk $0xffff, v6;
	v12 =	vmov s19;
	v6 =	vand.u32 $0x7D, v11;
	v11 =	vld [tilespmem:s15+$0x0]  }
0x35: {  	[tilespmem:v13+s22+$0x0] =	vst.idx.msk $0xffff, v7;
	v13 =	vadd.s32 v0, v6;
	v7 =	vand.u32 $0x7E, v12;
	v12 =	vmul.f32 $8.000000000e+00, v14;
	v14 =	vld [tilespmem:s16+$0xFFFFFFE0]  }
0x36: {  	[tilespmem:v16+s22+$0x0] =	vst.idx.msk $0xffff, v10;
	v10 =	vadd.s32 v0, v7;
	v16 =	vld [tilespmem:s16+$0x20];
	v18 =	vmul.f32 $8.000000000e+00, v18  }
0x37: {  	v19 =	vmul.f32 $8.000000000e+00, v19;
	[tilespmem:v20+s22+$0x0] =	vst.idx.msk $0xffff, v12;
	v12 =	vld [tilespmem:s16+$0xFFFFFFA0];
	v20 =	vadd.s32 v2, v15  }
0x38: {  	v25 =	vadd.s32 v2, v17;
	v21 =	vmul.f32 $8.000000000e+00, v21;
	v24 =	vld [tilespmem:s15+$0x50];
	[tilespmem:v22+s22+$0x0] =	vst.idx.msk $0xffff, v18  }
0x39: {  	[tilespmem:v23+s22+$0x0] =	vst.idx.msk $0xffff, v19;
	v19 =	vadd.s32 v2, v8;
	v11 =	vmul.f32 $8.000000000e+00, v11;
	v22 =	vld [tilespmem:s16+$0x70]  }
0x3a: {  	v23 =	vld [tilespmem:s15+$0xFFFFFF90];
	[tilespmem:v13+s22+$0x0] =	vst.idx.msk $0xffff, v21;
	v21 =	vadd.s32 v1, v5;
	v14 =	vmul.f32 $8.000000000e+00, v14  }
0x3b: {  	v27 =	vadd.s32 v3, v9;
	v26 =	vld [tilespmem:s15+$0xFFFFFFD0];
	[tilespmem:v10+s22+$0x0] =	vst.idx.msk $0xffff, v11;
	v10 =	vmul.f32 $8.000000000e+00, v16  }
0x3c: {  	v18 =	vadd.s32 v1, v4;
	v13 =	vld [tilespmem:s15+$0x10];
	v9 =	vmul.f32 $8.000000000e+00, v12;
	[tilespmem:v20+s22+$0x0] =	vst.idx.msk $0xffff, v14  }
0x3d: {  	s18 =	simm.s32 $0x8;
	v16 =	vadd.s32 v1, v6;
	[tilespmem:v25+s22+$0x0] =	vst.idx.msk $0xffff, v10;
	v14 =	vmul.f32 $8.000000000e+00, v24;
	v12 =	vld [tilespmem:s16+$0xFFFFFFF0]  }
0x3e: {  	v20 =	vmov s18;
	v10 =	vadd.s32 v1, v7;
	v11 =	vld [tilespmem:s16+$0x30];
	[tilespmem:v19+s22+$0x0] =	vst.idx.msk $0xffff, v9;
	v63 =	vmul.f32 $8.000000000e+00, v22  }
0x3f: {  	s20 =	simm.s32 $0xB;
	s17 =	simm.s32 $0x6680;
	v15 =	vadd.s32 v3, v15;
	v9 =	vand.u32 $0x7C, v20;
	v20 =	vmul.f32 $8.000000000e+00, v23;
	[tilespmem:v21+s22+$0x0] =	vst.idx.msk $0xffff, v14;
	v14 =	vld [tilespmem:s16+$0xFFFFFFB0]  }
0x40: {  	v17 =	vadd.s32 v3, v17;
	s19 =	simm.s32 $0xC;
	v22 =	vmov s20;
	v19 =	vld [tilespmem:s17+$0x40];
	s16 =	sshll.u32 s12, $0x2;
	v21 =	vmul.f32 $8.000000000e+00, v26;
	[tilespmem:v27+s22+$0x0] =	vst.idx.msk $0xffff, v63  }
.LBB2_3:
0x41: {  	p0 =	slt.u32 s19, $0x7C;
	s6 =	sadd.s32 $0x1, s18;
	v22 =	vand.u32 $0x7F, v22;
	[tilespmem:v18+s22+$0x0] =	vst.idx.msk $0xffff, v20;
	v13 =	vmul.f32 $8.000000000e+00, v13;
	v18 =	vld [tilespmem:s15+$0x60];
	v20 =	vadd.s32 v3, v8;
	v8 =	vmovc v4  }
0x42: {  	v4 =	vmovc v9;
	v23 =	vld [tilespmem:s17+$0xFFFFFF80];
	v24 =	vmov s6;
	s6 =	sadd.s32 $0x2, s18;
	v25 =	vadd.s32 v0, v22;
	[tilespmem:v16+s22+$0x0] =	vst.idx.msk $0xffff, v21;
	v12 =	vmul.f32 $8.000000000e+00, v12;
	s18 =	smov.u32 s19  }
0x43: {  	v9 =	vld [tilespmem:s17+$0xFFFFFFC0];
	v16 =	vmov s6;
	[tilespmem:v10+s22+$0x0] =	vst.idx.msk $0xffff, v13;
	v10 =	vadd.s32 v2, v5;
	v11 =	vmul.f32 $8.000000000e+00, v11  }
0x44: {  	v13 =	vadd.s32 v0, v4;
	v21 =	vand.u32 $0x7D, v24;
	v24 =	vld [tilespmem:s17+$0x0];
	v14 =	vmul.f32 $8.000000000e+00, v14;
	[tilespmem:v15+s22+$0x0] =	vst.idx.msk $0xffff, v12  }
0x45: {  	v12 =	vadd.s32 v0, v21;
	v26 =	vand.u32 $0x7E, v16;
	v15 =	vmul.f32 $8.000000000e+00, v19;
	v16 =	vld [tilespmem:s15+$0xFFFFFFE0];
	[tilespmem:v17+s22+$0x0] =	vst.idx.msk $0xffff, v11  }
0x46: {  	v11 =	vadd.s32 v0, v26;
	v17 =	vld [tilespmem:s15+$0x20];
	v18 =	vmul.f32 $8.000000000e+00, v18;
	[tilespmem:v20+s22+$0x0] =	vst.idx.msk $0xffff, v14  }
0x47: {  	v19 =	vadd.s32 v2, v6;
	v14 =	vmul.f32 $8.000000000e+00, v23;
	[tilespmem:v25+s22+$0x0] =	vst.idx.msk $0xffff, v15;
	v15 =	vld [tilespmem:s15+$0xFFFFFFA0]  }
0x48: {  	v23 =	vadd.s32 v2, v7;
	v9 =	vmul.f32 $8.000000000e+00, v9;
	v20 =	vld [tilespmem:s17+$0x50];
	[tilespmem:v10+s22+$0x0] =	vst.idx.msk $0xffff, v18  }
0x49: {  	[tilespmem:v13+s22+$0x0] =	vst.idx.msk $0xffff, v14;
	v10 =	vmul.f32 $8.000000000e+00, v24;
	v14 =	vadd.s32 v2, v8;
	v24 =	vld [tilespmem:s15+$0x70]  }
0x4a: {  	v27 =	vadd.s32 v1, v22;
	v25 =	vld [tilespmem:s17+$0xFFFFFF90];
	[tilespmem:v12+s22+$0x0] =	vst.idx.msk $0xffff, v9;
	v9 =	vmul.f32 $8.000000000e+00, v16  }
0x4b: {  	v29 =	vadd.s32 v3, v5;
	v5 =	vmov v22;
	v28 =	vld [tilespmem:s17+$0xFFFFFFD0];
	[tilespmem:v11+s22+$0x0] =	vst.idx.msk $0xffff, v10;
	v10 =	vmul.f32 $8.000000000e+00, v17  }
.Ltmp0:
0x4c: {  	v18 =	vadd.s32 v1, v4;
	v13 =	vld [tilespmem:s17+$0x10];
	v11 =	vmul.f32 $8.000000000e+00, v15;
	[tilespmem:v19+s22+$0x0] =	vst.idx.msk $0xffff, v9;
	(pc) =	sbr.rel @p0 .LBB2_3-.Ltmp0, $4  }
0x4d: {  	v16 =	vadd.s32 v1, v21;
	v15 =	vmul.f32 $8.000000000e+00, v20;
	v12 =	vld [tilespmem:s15+$0xFFFFFFF0];
	[tilespmem:v23+s22+$0x0] =	vst.idx.msk $0xffff, v10  }
0x4e: {  	v9 =	vmov s19;
	v10 =	vadd.s32 v1, v26;
	[tilespmem:v14+s22+$0x0] =	vst.idx.msk $0xffff, v11;
	v11 =	vld [tilespmem:s15+$0x30];
	v23 =	vmul.f32 $8.000000000e+00, v24  }
0x4f: {  	s6 =	sadd.s32 $0x3, s19;
	v9 =	vand.u32 $0x7C, v9;
	v20 =	vmul.f32 $8.000000000e+00, v25;
	[tilespmem:v27+s22+$0x0] =	vst.idx.msk $0xffff, v15;
	v14 =	vld [tilespmem:s15+$0xFFFFFFB0];
	v15 =	vadd.s32 v3, v6;
	v6 =	vmovc v21;
	s15 =	smov.u32 s17;
	s17 =	sadd.s32 $0x100, s17  }
0x50: {  	v22 =	vmov s6;
	v17 =	vadd.s32 v3, v7;
	v7 =	vmovc v26;
	s19 =	sadd.s32 $0x4, s19;
	v19 =	vld [tilespmem:s17+$0x40];
	v21 =	vmul.f32 $8.000000000e+00, v28;
	[tilespmem:v29+s22+$0x0] =	vst.idx.msk $0xffff, v23  }
0x51: {  	s6 =	sadd.s32 $0x1, s18;
	v22 =	vand.u32 $0x7F, v22;
	v28 =	vld [tilespmem:s17+$0xFFFFFF80]  }
0x52: {  	s10 =	sadd.s32 $0x2, s18;
	v24 =	vld [tilespmem:s17+$0xFFFFFFC0];
	v23 =	vmov s6;
	v25 =	vadd.s32 v0, v22  }
0x53: {  	v27 =	vld [tilespmem:s17+$0x0];
	v51 =	vadd.s32 v0, v9;
	v26 =	vmov s10;
	v23 =	vand.u32 $0x7D, v23  }
0x54: {  	v26 =	vand.u32 $0x7E, v26;
	v29 =	vadd.s32 v0, v23  }
0x55: {  	[tilespmem:v18+s22+$0x0] =	vst.idx.msk $0xffff, v20;
	v30 =	vadd.s32 v0, v26;
	v19 =	vmul.f32 $8.000000000e+00, v19  }
0x56: {  	[tilespmem:v16+s22+$0x0] =	vst.idx.msk $0xffff, v21;
	v54 =	vmul.f32 $8.000000000e+00, v28  }
0x57: {  	v52 =	vmul.f32 $8.000000000e+00, v24;
	[tilespmem:v25+s22+$0x0] =	vst.idx.msk $0xffff, v19  }
0x58: {  	v53 =	vmul.f32 $8.000000000e+00, v27;
	v55 =	vld [tilespmem:s17+$0x50];
	[tilespmem:v51+s22+$0x0] =	vst.idx.msk $0xffff, v54  }
0x59: {  	v13 =	vmul.f32 $8.000000000e+00, v13;
	v8 =	vadd.s32 v3, v8;
	[tilespmem:v29+s22+$0x0] =	vst.idx.msk $0xffff, v52;
	v59 =	vld [tilespmem:s17+$0xFFFFFF90]  }
0x5a: {  	v12 =	vmul.f32 $8.000000000e+00, v12;
	v57 =	vadd.s32 v1, v22;
	[tilespmem:v30+s22+$0x0] =	vst.idx.msk $0xffff, v53;
	v56 =	vld [tilespmem:s17+$0xFFFFFFD0]  }
0x5b: {  	[tilespmem:v10+s22+$0x0] =	vst.idx.msk $0xffff, v13;
	v58 =	vmul.f32 $8.000000000e+00, v11;
	v28 =	vadd.s32 v1, v9;
	v19 =	vld [tilespmem:s17+$0x10]  }
0x5c: {  	v61 =	vld [tilespmem:s15+$0x60];
	v60 =	vadd.s32 v1, v23;
	v14 =	vmul.f32 $8.000000000e+00, v14;
	[tilespmem:v15+s22+$0x0] =	vst.idx.msk $0xffff, v12  }
0x5d: {  	v32 =	vld [tilespmem:s15+$0xFFFFFFA0];
	v62 =	vadd.s32 v1, v26;
	[tilespmem:v17+s22+$0x0] =	vst.idx.msk $0xffff, v58;
	v16 =	vmul.f32 $8.000000000e+00, v55  }
0x5e: {  	[tilespmem:v8+s22+$0x0] =	vst.idx.msk $0xffff, v14;
	v29 =	vadd.s32 v2, v5;
	v30 =	vld [tilespmem:s15+$0x20];
	v11 =	vmul.f32 $8.000000000e+00, v59  }
0x5f: {  	v38 =	vadd.s32 v2, v4;
	v63 =	vld [tilespmem:s15+$0xFFFFFFE0];
	v31 =	vmul.f32 $8.000000000e+00, v56;
	[tilespmem:v57+s22+$0x0] =	vst.idx.msk $0xffff, v16  }
0x60: {  	v35 =	vadd.s32 v2, v7;
	v34 =	vmul.f32 $8.000000000e+00, v19;
	v36 =	vld [tilespmem:s17+$0x60];
	[tilespmem:v28+s22+$0x0] =	vst.idx.msk $0xffff, v11  }
0x61: {  	v33 =	vadd.s32 v2, v6;
	v37 =	vmul.f32 $8.000000000e+00, v61;
	[tilespmem:v60+s22+$0x0] =	vst.idx.msk $0xffff, v31;
	v43 =	vld [tilespmem:s17+$0xFFFFFFA0]  }
0x62: {  	v40 =	vadd.s32 v2, v22;
	v14 =	vmul.f32 $8.000000000e+00, v32;
	[tilespmem:v62+s22+$0x0] =	vst.idx.msk $0xffff, v34;
	v39 =	vld [tilespmem:s17+$0xFFFFFFE0]  }
0x63: {  	v48 =	vadd.s32 v2, v9;
	[tilespmem:v29+s22+$0x0] =	vst.idx.msk $0xffff, v37;
	v42 =	vmul.f32 $8.000000000e+00, v30;
	v41 =	vld [tilespmem:s17+$0x20]  }
0x64: {  	v44 =	vadd.s32 v2, v23;
	v15 =	vmul.f32 $8.000000000e+00, v63;
	[tilespmem:v38+s22+$0x0] =	vst.idx.msk $0xffff, v14;
	v45 =	vld [tilespmem:s15+$0x70]  }
0x65: {  	v46 =	vadd.s32 v2, v26;
	v14 =	vld [tilespmem:s15+$0xFFFFFFB0];
	[tilespmem:v35+s22+$0x0] =	vst.idx.msk $0xffff, v42;
	v47 =	vmul.f32 $8.000000000e+00, v36  }
0x66: {  	v5 =	vadd.s32 v3, v5;
	[tilespmem:v33+s22+$0x0] =	vst.idx.msk $0xffff, v15;
	v49 =	vld [tilespmem:s15+$0x30];
	v53 =	vmul.f32 $8.000000000e+00, v43  }
0x67: {  	v4 =	vadd.s32 v3, v4;
	v21 =	vld [tilespmem:s15+$0xFFFFFFF0];
	v12 =	vmul.f32 $8.000000000e+00, v39;
	[tilespmem:v40+s22+$0x0] =	vst.idx.msk $0xffff, v47  }
0x68: {  	v52 =	vadd.s32 v3, v7;
	v51 =	vmul.f32 $8.000000000e+00, v41;
	v10 =	vld [tilespmem:s17+$0x70];
	[tilespmem:v48+s22+$0x0] =	vst.idx.msk $0xffff, v53  }
0x69: {  	v50 =	vadd.s32 v3, v6;
	v54 =	vmul.f32 $8.000000000e+00, v45;
	[tilespmem:v44+s22+$0x0] =	vst.idx.msk $0xffff, v12;
	v59 =	vld [tilespmem:s17+$0xFFFFFFB0]  }
0x6a: {  	v57 =	vadd.s32 v3, v22;
	v14 =	vmul.f32 $8.000000000e+00, v14;
	[tilespmem:v46+s22+$0x0] =	vst.idx.msk $0xffff, v51;
	v55 =	vld [tilespmem:s17+$0xFFFFFFF0]  }
0x6b: {  	v62 =	vadd.s32 v3, v9;
	[tilespmem:v5+s22+$0x0] =	vst.idx.msk $0xffff, v54;
	v5 =	vmul.f32 $8.000000000e+00, v49;
	v58 =	vld [tilespmem:s17+$0x30]  }
0x6c: {  	v56 =	vmul.f32 $8.000000000e+00, v21;
	v60 =	vadd.s32 v3, v23;
	[tilespmem:v4+s22+$0x0] =	vst.idx.msk $0xffff, v14  }
0x6d: {  	v61 =	vadd.s32 v3, v26;
	[tilespmem:v52+s22+$0x0] =	vst.idx.msk $0xffff, v5;
	v5 =	vmul.f32 $8.000000000e+00, v10  }
0x6e: {  	[tilespmem:v50+s22+$0x0] =	vst.idx.msk $0xffff, v56;
	v63 =	vmul.f32 $8.000000000e+00, v59  }
0x6f: {  	p0 =	seq.s32 s12, $0x31;
	v4 =	vmul.f32 $8.000000000e+00, v55;
	[tilespmem:v57+s22+$0x0] =	vst.idx.msk $0xffff, v5  }
0x70: {  	s15 =	sshll.u32 @!p0 s16, $0x7;
	v5 =	vmul.f32 $8.000000000e+00, v58;
	[tilespmem:v62+s22+$0x0] =	vst.idx.msk $0xffff, v63  }
0x71: {  	s18 =	sshll.u32 s12, $0x14;
	s6 =	sadd.s32 @!p0 $0x200, s15;
	[tilespmem:v60+s22+$0x0] =	vst.idx.msk $0xffff, v4  }
0x72: {  	s16 =	simm.s32 @!p0 $0x80;
	s6 =	sand.u32 @!p0 $0xFE00, s6;
	s17 =	simm.s32 @!p0 $0x6400;
	[tilespmem:v61+s22+$0x0] =	vst.idx.msk $0xffff, v5  }
0x73: {  	[tilespmem:s17], [sflag:$0x1] =	stream.indirect.gather @!p0 [hbm4b:s5+s16], $0x40, s6, s16, $0xb8;
	[tilespmem:$0x16C00] =	vst v63  }
0x74: {  	s6 =	sor.u32 s4, s18  }
0x75: {  	s16 =	sshrl.u32 s6, $0x3  }
0x76: {  	s19 =	simm.s32 $0xE400;
	s18 =	sadd.s32 s2, s16  }
0x77: {  	[hbm4b:s18+s3] =	stream.linear.scatter [tilespmem:s19], [sflag:$0x5], $0x80, $0x38;
	[tilespmem:$0x16C00] =	vst v63  }
0x78: {  	s20 =	simm.s32 $0xE488;
	s10 =	sadd.s32 $0x10, s18  }
0x79: {  	[hbm4b:s10+s3] =	stream.linear.scatter [tilespmem:s20], [sflag:$0x5], $0x80, $0x38;
	[tilespmem:$0x16C00] =	vst v63  }
0x7a: {  	s17 =	simm.s32 $0xE510;
	s19 =	sadd.s32 $0x20, s18  }
0x7b: {  	[hbm4b:s19+s3] =	stream.linear.scatter [tilespmem:s17], [sflag:$0x5], $0x80, $0x38;
	[tilespmem:$0x16C00] =	vst v63  }
0x7c: {  	s20 =	simm.s32 $0xE598;
	s10 =	sadd.s32 $0x30, s18  }
0x7d: {  	[hbm4b:s10+s3] =	stream.linear.scatter [tilespmem:s20], [sflag:$0x5], $0x80, $0x38;
	[tilespmem:$0x16C00] =	vst v63  }
0x7e: {  	s17 =	simm.s32 $0xE620;
	s19 =	sadd.s32 $0x40, s18  }
0x7f: {  	[hbm4b:s19+s3] =	stream.linear.scatter [tilespmem:s17], [sflag:$0x5], $0x80, $0x38;
	[tilespmem:$0x16C00] =	vst v63  }
0x80: {  	s6 =	sadd.s32 $0x70, s18;
	s20 =	simm.s32 $0xE6A8;
	s10 =	sadd.s32 $0x50, s18  }
0x81: {  	[hbm4b:s10+s3] =	stream.linear.scatter [tilespmem:s20], [sflag:$0x5], $0x80, $0x38;
	[tilespmem:$0x16C00] =	vst v63  }
0x82: {  	s19 =	simm.s32 $0xE730;
	s17 =	simm.s32 $0x440;
	s20 =	sadd.s32 $0x60, s18  }
0x83: {  	[hbm4b:s20+s3] =	stream.linear.scatter [tilespmem:s19], [sflag:$0x5], $0x80, $0x38;
	[tilespmem:$0x16C00] =	vst v63  }
0x84: {  	s18 =	sadd.s32 $0x1000, s18;
	s19 =	simm.s32 $0x2200;
	s20 =	simm.s32 $0xE7B8  }
.LBB2_5:
0x85: {  	[hbm4b:s6+s3] =	stream.linear.scatter [tilespmem:s20], [sflag:$0x5], $0x80, $0x38;
	[tilespmem:$0x16C00] =	vst v63  }
0x86: {  	s6 =	smov.u32 s17;
	s17 =	smov.u32 s19  }
0x87: {  	s10 =	sadd.s32 $0x1100, s19;
	s17 =	sshra.s32 s17, $0x2;
	s20 =	sadd.s32 $0xE400, s6  }
0x88: {  	[hbm4b:s18+s3] =	stream.linear.scatter [tilespmem:s20], [sflag:$0x5], $0x80, $0x38;
	[tilespmem:$0x16C00] =	vst v63  }
0x89: {  	p2 =	sne.s32 s19, $0x7700;
	s19 =	sadd.s32 $0xE488, s6;
	s20 =	sadd.s32 $0x10, s18  }
0x8a: {  	[hbm4b:s20+s3] =	stream.linear.scatter [tilespmem:s19], [sflag:$0x5], $0x80, $0x38;
	[tilespmem:$0x16C00] =	vst v63  }
0x8b: {  	s19 =	sadd.s32 $0xE510, s6;
	s20 =	sadd.s32 $0x20, s18  }
0x8c: {  	[hbm4b:s20+s3] =	stream.linear.scatter [tilespmem:s19], [sflag:$0x5], $0x80, $0x38;
	[tilespmem:$0x16C00] =	vst v63  }
0x8d: {  	s19 =	sadd.s32 $0xE598, s6;
	s20 =	sadd.s32 $0x30, s18  }
0x8e: {  	[hbm4b:s20+s3] =	stream.linear.scatter [tilespmem:s19], [sflag:$0x5], $0x80, $0x38;
	[tilespmem:$0x16C00] =	vst v63  }
0x8f: {  	s19 =	sadd.s32 $0xE620, s6;
	s20 =	sadd.s32 $0x40, s18  }
0x90: {  	[hbm4b:s20+s3] =	stream.linear.scatter [tilespmem:s19], [sflag:$0x5], $0x80, $0x38;
	[tilespmem:$0x16C00] =	vst v63  }
0x91: {  	s19 =	sadd.s32 $0xE6A8, s6;
	s20 =	sadd.s32 $0x50, s18  }
0x92: {  	[hbm4b:s20+s3] =	stream.linear.scatter [tilespmem:s19], [sflag:$0x5], $0x80, $0x38;
	[tilespmem:$0x16C00] =	vst v63  }
.Ltmp1:
0x93: {  	_ = 	snop;
	(pc) =	sbr.rel @p2 .LBB2_5-.Ltmp1, $4  }
0x94: {  	s19 =	sadd.s32 $0xE730, s6;
	s20 =	sadd.s32 $0x60, s18  }
0x95: {  	[hbm4b:s20+s3] =	stream.linear.scatter [tilespmem:s19], [sflag:$0x5], $0x80, $0x38;
	[tilespmem:$0x16C00] =	vst v63  }
0x96: {  	s20 =	sadd.s32 $0xE7B8, s6  }
0x97: {  	s6 =	sadd.s32 $0x70, s18;
	s18 =	sadd.s32 $0x1000, s18;
	s19 =	smov.u32 s10  }
0x98: {  	[hbm4b:s6+s3] =	stream.linear.scatter [tilespmem:s20], [sflag:$0x5], $0x80, $0x38;
	[tilespmem:$0x16C00] =	vst v63  }
0x99: {  	s19 =	sadd.s32 $0xE400, s17  }
0x9a: {  	[hbm4b:s18+s3] =	stream.linear.scatter [tilespmem:s19], [sflag:$0x5], $0x80, $0x38;
	[tilespmem:$0x16C00] =	vst v63  }
0x9b: {  	s20 =	sadd.s32 $0xE488, s17;
	s10 =	sadd.s32 $0x10, s18  }
0x9c: {  	[hbm4b:s10+s3] =	stream.linear.scatter [tilespmem:s20], [sflag:$0x5], $0x80, $0x38;
	[tilespmem:$0x16C00] =	vst v63  }
0x9d: {  	s19 =	sadd.s32 $0xE510, s17;
	s20 =	sadd.s32 $0x20, s18  }
0x9e: {  	[hbm4b:s20+s3] =	stream.linear.scatter [tilespmem:s19], [sflag:$0x5], $0x80, $0x38;
	[tilespmem:$0x16C00] =	vst v63  }
0x9f: {  	s19 =	sadd.s32 $0xE598, s17;
	s20 =	sadd.s32 $0x30, s18  }
0xa0: {  	[hbm4b:s20+s3] =	stream.linear.scatter [tilespmem:s19], [sflag:$0x5], $0x80, $0x38;
	[tilespmem:$0x16C00] =	vst v63  }
0xa1: {  	s19 =	sadd.s32 $0xE620, s17;
	s20 =	sadd.s32 $0x40, s18  }
0xa2: {  	[hbm4b:s20+s3] =	stream.linear.scatter [tilespmem:s19], [sflag:$0x5], $0x80, $0x38;
	[tilespmem:$0x16C00] =	vst v63  }
0xa3: {  	s19 =	sadd.s32 $0xE6A8, s17;
	s20 =	sadd.s32 $0x50, s18  }
0xa4: {  	[hbm4b:s20+s3] =	stream.linear.scatter [tilespmem:s19], [sflag:$0x5], $0x80, $0x38;
	[tilespmem:$0x16C00] =	vst v63  }
0xa5: {  	s19 =	sadd.s32 $0xE730, s17;
	s20 =	sadd.s32 $0x60, s18  }
0xa6: {  	[hbm4b:s20+s3] =	stream.linear.scatter [tilespmem:s19], [sflag:$0x5], $0x80, $0x38;
	[tilespmem:$0x16C00] =	vst v63  }
0xa7: {  	s10 =	sadd.s32 $0xE7B8, s17;
	s17 =	sadd.s32 $0x70, s18  }
0xa8: {  	[hbm4b:s17+s3] =	stream.linear.scatter [tilespmem:s10], [sflag:$0x5], $0x80, $0x38;
	[tilespmem:$0x16C00] =	vst v63  }
0xa9: {  	_ =	swait.ge [sflag:s23], $0x2000  }
0xaa: {  	[sflag:s23] =	ssyncset.done $0x0  }
0xab: {  	s6 =	simm.s32 @!p1 $0x6;
	[sflag:s23] =	ssyncadd.s32 $0xFFFFE000  }
0xac: {  	_ =	swait.ge @!p1 [sflag:s6], $0x2000  }
0xad: {  	[sflag:s6] =	ssyncset.done @!p1 $0x0  }
0xae: {  	s18 =	simm.s32 $0x3;
	s20 =	simm.s32 $0x84F0;
	[sflag:s6] =	ssyncadd.s32 @!p1 $0xFFFFE000  }
0xaf: {  	v4 =	vmov s18;
	v5 =	vld [tilespmem:s20+$0xFFFFFFD0]  }
0xb0: {  	v9 =	vand.u32 $0x7F, v4  }
0xb1: {  	s19 =	simm.s32 $0x0;
	v4 =	vadd.s32 v0, v9  }
0xb2: {  	v6 =	vmov s19;
	s10 =	simm.s32 $0x1;
	s17 =	simm.s32 $0x2;
	v7 =	vld [tilespmem:s20+$0xFFFFFF10]  }
0xb3: {  	v8 =	vand.u32 $0x7C, v6;
	v6 =	vmov s10;
	v11 =	vmov s17;
	v10 =	vld [tilespmem:s20+$0xFFFFFF50]  }
0xb4: {  	v12 =	vadd.s32 v0, v8;
	v15 =	vand.u32 $0x7D, v6;
	v6 =	vld [tilespmem:s20+$0xFFFFFF90];
	v5 =	vmul.f32 $8.000000000e+00, v5  }
0xb5: {  	v17 =	vand.u32 $0x7E, v11;
	v13 =	vadd.s32 v0, v15  }
0xb6: {  	v11 =	vadd.s32 v0, v17;
	[tilespmem:v4+s24+$0x0] =	vst.idx.msk $0xffff, v5  }
0xb7: {  	v4 =	vmul.f32 $8.000000000e+00, v7;
	v5 =	vld [tilespmem:s20+$0xFFFFFFE0]  }
0xb8: {  	v7 =	vmul.f32 $8.000000000e+00, v10  }
0xb9: {  	[tilespmem:v12+s24+$0x0] =	vst.idx.msk $0xffff, v4;
	v4 =	vmul.f32 $8.000000000e+00, v6;
	v6 =	vadd.s32 v1, v9  }
0xba: {  	[tilespmem:v13+s24+$0x0] =	vst.idx.msk $0xffff, v7;
	v10 =	vld [tilespmem:s20+$0xFFFFFF20]  }
0xbb: {  	v7 =	vld [tilespmem:s20+$0xFFFFFF60];
	[tilespmem:v11+s24+$0x0] =	vst.idx.msk $0xffff, v4  }
0xbc: {  	v11 =	vld [tilespmem:s20+$0xFFFFFFA0];
	v4 =	vmul.f32 $8.000000000e+00, v5  }
0xbd: {  	s18 =	simm.s32 $0x4;
	s19 =	simm.s32 $0x7;
	s17 =	simm.s32 $0x85F0;
	v12 =	vadd.s32 v1, v15  }
0xbe: {  	v14 =	vld [tilespmem:s17+$0xFFFFFFD0];
	v13 =	vadd.s32 v1, v17;
	v5 =	vmov s18;
	[tilespmem:v6+s24+$0x0] =	vst.idx.msk $0xffff, v4;
	v6 =	vmov s19  }
0xbf: {  	v16 =	vadd.s32 v1, v8;
	v4 =	vand.u32 $0x7C, v5;
	v5 =	vand.u32 $0x7F, v6;
	v18 =	vld [tilespmem:s20+$0xFFFFFFF0]  }
0xc0: {  	v22 =	vadd.s32 v2, v9;
	v19 =	vld [tilespmem:s17+$0xFFFFFF10];
	s18 =	simm.s32 $0x5;
	v6 =	vmul.f32 $8.000000000e+00, v7;
	v20 =	vadd.s32 v0, v5  }
0xc1: {  	v21 =	vld [tilespmem:s17+$0xFFFFFF50];
	v10 =	vmul.f32 $8.000000000e+00, v10;
	s19 =	simm.s32 $0x6;
	v7 =	vmul.f32 $8.000000000e+00, v11;
	v11 =	vmov s18  }
0xc2: {  	v23 =	vadd.s32 v0, v4;
	[tilespmem:v12+s24+$0x0] =	vst.idx.msk $0xffff, v6;
	v12 =	vmov s19;
	v6 =	vand.u32 $0x7D, v11;
	v11 =	vld [tilespmem:s17+$0xFFFFFF90]  }
0xc3: {  	[tilespmem:v13+s24+$0x0] =	vst.idx.msk $0xffff, v7;
	v13 =	vadd.s32 v0, v6;
	v7 =	vand.u32 $0x7E, v12;
	v12 =	vmul.f32 $8.000000000e+00, v14;
	v14 =	vld [tilespmem:s20+$0xFFFFFF70]  }
0xc4: {  	[tilespmem:v16+s24+$0x0] =	vst.idx.msk $0xffff, v10;
	v10 =	vadd.s32 v0, v7;
	v16 =	vld [tilespmem:s20+$0xFFFFFFB0];
	v18 =	vmul.f32 $8.000000000e+00, v18  }
0xc5: {  	v19 =	vmul.f32 $8.000000000e+00, v19;
	[tilespmem:v20+s24+$0x0] =	vst.idx.msk $0xffff, v12;
	v12 =	vld [tilespmem:s20+$0xFFFFFF30];
	v20 =	vadd.s32 v2, v15  }
0xc6: {  	v25 =	vadd.s32 v2, v17;
	v21 =	vmul.f32 $8.000000000e+00, v21;
	v24 =	vld [tilespmem:s17+$0xFFFFFFE0];
	[tilespmem:v22+s24+$0x0] =	vst.idx.msk $0xffff, v18  }
0xc7: {  	[tilespmem:v23+s24+$0x0] =	vst.idx.msk $0xffff, v19;
	v19 =	vadd.s32 v2, v8;
	v11 =	vmul.f32 $8.000000000e+00, v11;
	v22 =	vld [tilespmem:s20+$0x0]  }
0xc8: {  	v23 =	vld [tilespmem:s17+$0xFFFFFF20];
	[tilespmem:v13+s24+$0x0] =	vst.idx.msk $0xffff, v21;
	v21 =	vadd.s32 v1, v5;
	v14 =	vmul.f32 $8.000000000e+00, v14  }
0xc9: {  	v27 =	vadd.s32 v3, v9;
	v26 =	vld [tilespmem:s17+$0xFFFFFF60];
	[tilespmem:v10+s24+$0x0] =	vst.idx.msk $0xffff, v11;
	v10 =	vmul.f32 $8.000000000e+00, v16  }
0xca: {  	v18 =	vadd.s32 v1, v4;
	v13 =	vld [tilespmem:s17+$0xFFFFFFA0];
	v9 =	vmul.f32 $8.000000000e+00, v12;
	[tilespmem:v20+s24+$0x0] =	vst.idx.msk $0xffff, v14  }
0xcb: {  	s19 =	simm.s32 $0x8;
	v16 =	vadd.s32 v1, v6;
	[tilespmem:v25+s24+$0x0] =	vst.idx.msk $0xffff, v10;
	v14 =	vmul.f32 $8.000000000e+00, v24;
	v12 =	vld [tilespmem:s20+$0xFFFFFF80]  }
0xcc: {  	v20 =	vmov s19;
	v10 =	vadd.s32 v1, v7;
	v11 =	vld [tilespmem:s20+$0xFFFFFFC0];
	[tilespmem:v19+s24+$0x0] =	vst.idx.msk $0xffff, v9;
	v63 =	vmul.f32 $8.000000000e+00, v22  }
0xcd: {  	s10 =	simm.s32 $0xB;
	s18 =	simm.s32 $0x86F0;
	v15 =	vadd.s32 v3, v15;
	v9 =	vand.u32 $0x7C, v20;
	v20 =	vmul.f32 $8.000000000e+00, v23;
	[tilespmem:v21+s24+$0x0] =	vst.idx.msk $0xffff, v14;
	v14 =	vld [tilespmem:s20+$0xFFFFFF40]  }
0xce: {  	v17 =	vadd.s32 v3, v17;
	v22 =	vmov s10;
	v19 =	vld [tilespmem:s18+$0xFFFFFFD0];
	s20 =	simm.s32 $0xC;
	v21 =	vmul.f32 $8.000000000e+00, v26;
	[tilespmem:v27+s24+$0x0] =	vst.idx.msk $0xffff, v63  }
.LBB2_7:
0xcf: {  	p2 =	slt.u32 s20, $0x7C;
	s6 =	sadd.s32 $0x1, s19;
	v22 =	vand.u32 $0x7F, v22;
	[tilespmem:v18+s24+$0x0] =	vst.idx.msk $0xffff, v20;
	v13 =	vmul.f32 $8.000000000e+00, v13;
	v18 =	vld [tilespmem:s17+$0xFFFFFFF0];
	v20 =	vadd.s32 v3, v8;
	v8 =	vmovc v4  }
0xd0: {  	v4 =	vmovc v9;
	v23 =	vld [tilespmem:s18+$0xFFFFFF10];
	v24 =	vmov s6;
	s6 =	sadd.s32 $0x2, s19;
	v25 =	vadd.s32 v0, v22;
	[tilespmem:v16+s24+$0x0] =	vst.idx.msk $0xffff, v21;
	v12 =	vmul.f32 $8.000000000e+00, v12;
	s19 =	smov.u32 s20  }
0xd1: {  	v9 =	vld [tilespmem:s18+$0xFFFFFF50];
	v16 =	vmov s6;
	[tilespmem:v10+s24+$0x0] =	vst.idx.msk $0xffff, v13;
	v10 =	vadd.s32 v2, v5;
	v11 =	vmul.f32 $8.000000000e+00, v11  }
0xd2: {  	v13 =	vadd.s32 v0, v4;
	v21 =	vand.u32 $0x7D, v24;
	v24 =	vld [tilespmem:s18+$0xFFFFFF90];
	v14 =	vmul.f32 $8.000000000e+00, v14;
	[tilespmem:v15+s24+$0x0] =	vst.idx.msk $0xffff, v12  }
0xd3: {  	v12 =	vadd.s32 v0, v21;
	v26 =	vand.u32 $0x7E, v16;
	v15 =	vmul.f32 $8.000000000e+00, v19;
	v16 =	vld [tilespmem:s17+$0xFFFFFF70];
	[tilespmem:v17+s24+$0x0] =	vst.idx.msk $0xffff, v11  }
0xd4: {  	v11 =	vadd.s32 v0, v26;
	v17 =	vld [tilespmem:s17+$0xFFFFFFB0];
	v18 =	vmul.f32 $8.000000000e+00, v18;
	[tilespmem:v20+s24+$0x0] =	vst.idx.msk $0xffff, v14  }
0xd5: {  	v19 =	vadd.s32 v2, v6;
	v14 =	vmul.f32 $8.000000000e+00, v23;
	[tilespmem:v25+s24+$0x0] =	vst.idx.msk $0xffff, v15;
	v15 =	vld [tilespmem:s17+$0xFFFFFF30]  }
0xd6: {  	v23 =	vadd.s32 v2, v7;
	v9 =	vmul.f32 $8.000000000e+00, v9;
	v20 =	vld [tilespmem:s18+$0xFFFFFFE0];
	[tilespmem:v10+s24+$0x0] =	vst.idx.msk $0xffff, v18  }
0xd7: {  	[tilespmem:v13+s24+$0x0] =	vst.idx.msk $0xffff, v14;
	v10 =	vmul.f32 $8.000000000e+00, v24;
	v14 =	vadd.s32 v2, v8;
	v24 =	vld [tilespmem:s17+$0x0]  }
0xd8: {  	v27 =	vadd.s32 v1, v22;
	v25 =	vld [tilespmem:s18+$0xFFFFFF20];
	[tilespmem:v12+s24+$0x0] =	vst.idx.msk $0xffff, v9;
	v9 =	vmul.f32 $8.000000000e+00, v16  }
0xd9: {  	v29 =	vadd.s32 v3, v5;
	v5 =	vmov v22;
	v28 =	vld [tilespmem:s18+$0xFFFFFF60];
	[tilespmem:v11+s24+$0x0] =	vst.idx.msk $0xffff, v10;
	v10 =	vmul.f32 $8.000000000e+00, v17  }
.Ltmp2:
0xda: {  	v18 =	vadd.s32 v1, v4;
	v13 =	vld [tilespmem:s18+$0xFFFFFFA0];
	v11 =	vmul.f32 $8.000000000e+00, v15;
	[tilespmem:v19+s24+$0x0] =	vst.idx.msk $0xffff, v9;
	(pc) =	sbr.rel @p2 .LBB2_7-.Ltmp2, $4  }
0xdb: {  	v16 =	vadd.s32 v1, v21;
	v15 =	vmul.f32 $8.000000000e+00, v20;
	v12 =	vld [tilespmem:s17+$0xFFFFFF80];
	[tilespmem:v23+s24+$0x0] =	vst.idx.msk $0xffff, v10  }
0xdc: {  	v9 =	vmov s20;
	v10 =	vadd.s32 v1, v26;
	[tilespmem:v14+s24+$0x0] =	vst.idx.msk $0xffff, v11;
	v11 =	vld [tilespmem:s17+$0xFFFFFFC0];
	v23 =	vmul.f32 $8.000000000e+00, v24  }
0xdd: {  	s6 =	sadd.s32 $0x3, s20;
	v9 =	vand.u32 $0x7C, v9;
	v20 =	vmul.f32 $8.000000000e+00, v25;
	[tilespmem:v27+s24+$0x0] =	vst.idx.msk $0xffff, v15;
	v14 =	vld [tilespmem:s17+$0xFFFFFF40];
	v15 =	vadd.s32 v3, v6;
	v6 =	vmovc v21;
	s17 =	smov.u32 s18;
	s18 =	sadd.s32 $0x100, s18  }
0xde: {  	v22 =	vmov s6;
	v17 =	vadd.s32 v3, v7;
	v7 =	vmovc v26;
	s20 =	sadd.s32 $0x4, s20;
	v19 =	vld [tilespmem:s18+$0xFFFFFFD0];
	v21 =	vmul.f32 $8.000000000e+00, v28;
	[tilespmem:v29+s24+$0x0] =	vst.idx.msk $0xffff, v23  }
0xdf: {  	s6 =	sadd.s32 $0x1, s19;
	v22 =	vand.u32 $0x7F, v22;
	v28 =	vld [tilespmem:s18+$0xFFFFFF10]  }
0xe0: {  	s19 =	sadd.s32 $0x2, s19;
	v24 =	vld [tilespmem:s18+$0xFFFFFF50];
	v23 =	vmov s6;
	v25 =	vadd.s32 v0, v22  }
0xe1: {  	v27 =	vld [tilespmem:s18+$0xFFFFFF90];
	v51 =	vadd.s32 v0, v9;
	v26 =	vmov s19;
	v23 =	vand.u32 $0x7D, v23  }
0xe2: {  	v26 =	vand.u32 $0x7E, v26;
	v29 =	vadd.s32 v0, v23  }
0xe3: {  	[tilespmem:v18+s24+$0x0] =	vst.idx.msk $0xffff, v20;
	v30 =	vadd.s32 v0, v26;
	v19 =	vmul.f32 $8.000000000e+00, v19  }
0xe4: {  	[tilespmem:v16+s24+$0x0] =	vst.idx.msk $0xffff, v21;
	v54 =	vmul.f32 $8.000000000e+00, v28  }
0xe5: {  	v52 =	vmul.f32 $8.000000000e+00, v24;
	[tilespmem:v25+s24+$0x0] =	vst.idx.msk $0xffff, v19  }
0xe6: {  	v53 =	vmul.f32 $8.000000000e+00, v27;
	v55 =	vld [tilespmem:s18+$0xFFFFFFE0];
	[tilespmem:v51+s24+$0x0] =	vst.idx.msk $0xffff, v54  }
0xe7: {  	v13 =	vmul.f32 $8.000000000e+00, v13;
	v8 =	vadd.s32 v3, v8;
	[tilespmem:v29+s24+$0x0] =	vst.idx.msk $0xffff, v52;
	v59 =	vld [tilespmem:s18+$0xFFFFFF20]  }
0xe8: {  	v12 =	vmul.f32 $8.000000000e+00, v12;
	v57 =	vadd.s32 v1, v22;
	[tilespmem:v30+s24+$0x0] =	vst.idx.msk $0xffff, v53;
	v56 =	vld [tilespmem:s18+$0xFFFFFF60]  }
0xe9: {  	[tilespmem:v10+s24+$0x0] =	vst.idx.msk $0xffff, v13;
	v58 =	vmul.f32 $8.000000000e+00, v11;
	v28 =	vadd.s32 v1, v9;
	v19 =	vld [tilespmem:s18+$0xFFFFFFA0]  }
0xea: {  	v61 =	vld [tilespmem:s17+$0xFFFFFFF0];
	v60 =	vadd.s32 v1, v23;
	v14 =	vmul.f32 $8.000000000e+00, v14;
	[tilespmem:v15+s24+$0x0] =	vst.idx.msk $0xffff, v12  }
0xeb: {  	v32 =	vld [tilespmem:s17+$0xFFFFFF30];
	v62 =	vadd.s32 v1, v26;
	[tilespmem:v17+s24+$0x0] =	vst.idx.msk $0xffff, v58;
	v16 =	vmul.f32 $8.000000000e+00, v55  }
0xec: {  	[tilespmem:v8+s24+$0x0] =	vst.idx.msk $0xffff, v14;
	v29 =	vadd.s32 v2, v5;
	v30 =	vld [tilespmem:s17+$0xFFFFFFB0];
	v11 =	vmul.f32 $8.000000000e+00, v59  }
0xed: {  	v38 =	vadd.s32 v2, v4;
	v63 =	vld [tilespmem:s17+$0xFFFFFF70];
	v31 =	vmul.f32 $8.000000000e+00, v56;
	[tilespmem:v57+s24+$0x0] =	vst.idx.msk $0xffff, v16  }
0xee: {  	v35 =	vadd.s32 v2, v7;
	v34 =	vmul.f32 $8.000000000e+00, v19;
	v36 =	vld [tilespmem:s18+$0xFFFFFFF0];
	[tilespmem:v28+s24+$0x0] =	vst.idx.msk $0xffff, v11  }
0xef: {  	v33 =	vadd.s32 v2, v6;
	v37 =	vmul.f32 $8.000000000e+00, v61;
	[tilespmem:v60+s24+$0x0] =	vst.idx.msk $0xffff, v31;
	v43 =	vld [tilespmem:s18+$0xFFFFFF30]  }
0xf0: {  	v40 =	vadd.s32 v2, v22;
	v14 =	vmul.f32 $8.000000000e+00, v32;
	[tilespmem:v62+s24+$0x0] =	vst.idx.msk $0xffff, v34;
	v39 =	vld [tilespmem:s18+$0xFFFFFF70]  }
0xf1: {  	v48 =	vadd.s32 v2, v9;
	[tilespmem:v29+s24+$0x0] =	vst.idx.msk $0xffff, v37;
	v42 =	vmul.f32 $8.000000000e+00, v30;
	v41 =	vld [tilespmem:s18+$0xFFFFFFB0]  }
0xf2: {  	v44 =	vadd.s32 v2, v23;
	v15 =	vmul.f32 $8.000000000e+00, v63;
	[tilespmem:v38+s24+$0x0] =	vst.idx.msk $0xffff, v14;
	v45 =	vld [tilespmem:s17+$0x0]  }
0xf3: {  	v46 =	vadd.s32 v2, v26;
	v14 =	vld [tilespmem:s17+$0xFFFFFF40];
	[tilespmem:v35+s24+$0x0] =	vst.idx.msk $0xffff, v42;
	v47 =	vmul.f32 $8.000000000e+00, v36  }
0xf4: {  	v5 =	vadd.s32 v3, v5;
	[tilespmem:v33+s24+$0x0] =	vst.idx.msk $0xffff, v15;
	v49 =	vld [tilespmem:s17+$0xFFFFFFC0];
	v53 =	vmul.f32 $8.000000000e+00, v43  }
0xf5: {  	v4 =	vadd.s32 v3, v4;
	v21 =	vld [tilespmem:s17+$0xFFFFFF80];
	v12 =	vmul.f32 $8.000000000e+00, v39;
	[tilespmem:v40+s24+$0x0] =	vst.idx.msk $0xffff, v47  }
0xf6: {  	v52 =	vadd.s32 v3, v7;
	v51 =	vmul.f32 $8.000000000e+00, v41;
	v10 =	vld [tilespmem:s18+$0x0];
	[tilespmem:v48+s24+$0x0] =	vst.idx.msk $0xffff, v53  }
0xf7: {  	v50 =	vadd.s32 v3, v6;
	v54 =	vmul.f32 $8.000000000e+00, v45;
	[tilespmem:v44+s24+$0x0] =	vst.idx.msk $0xffff, v12;
	v59 =	vld [tilespmem:s18+$0xFFFFFF40]  }
0xf8: {  	v57 =	vadd.s32 v3, v22;
	v14 =	vmul.f32 $8.000000000e+00, v14;
	[tilespmem:v46+s24+$0x0] =	vst.idx.msk $0xffff, v51;
	v55 =	vld [tilespmem:s18+$0xFFFFFF80]  }
0xf9: {  	v62 =	vadd.s32 v3, v9;
	[tilespmem:v5+s24+$0x0] =	vst.idx.msk $0xffff, v54;
	v5 =	vmul.f32 $8.000000000e+00, v49;
	v58 =	vld [tilespmem:s18+$0xFFFFFFC0]  }
0xfa: {  	v56 =	vmul.f32 $8.000000000e+00, v21;
	v60 =	vadd.s32 v3, v23;
	[tilespmem:v4+s24+$0x0] =	vst.idx.msk $0xffff, v14  }
0xfb: {  	v61 =	vadd.s32 v3, v26;
	[tilespmem:v52+s24+$0x0] =	vst.idx.msk $0xffff, v5;
	v5 =	vmul.f32 $8.000000000e+00, v10  }
0xfc: {  	[tilespmem:v50+s24+$0x0] =	vst.idx.msk $0xffff, v56;
	v63 =	vmul.f32 $8.000000000e+00, v59  }
0xfd: {  	v4 =	vmul.f32 $8.000000000e+00, v55;
	[tilespmem:v57+s24+$0x0] =	vst.idx.msk $0xffff, v5  }
0xfe: {  	v5 =	vmul.f32 $8.000000000e+00, v58;
	[tilespmem:v62+s24+$0x0] =	vst.idx.msk $0xffff, v63  }
0xff: {  	s6 =	sadd.s32 @!p0 $0x280, s15;
	[tilespmem:v60+s24+$0x0] =	vst.idx.msk $0xffff, v4  }
0x100: {  	s10 =	simm.s32 @!p0 $0x80;
	s6 =	sand.u32 @!p0 $0xFE80, s6;
	s17 =	simm.s32 @!p0 $0x8400;
	[tilespmem:v61+s24+$0x0] =	vst.idx.msk $0xffff, v5  }
0x101: {  	[tilespmem:s17], [sflag:$0x2] =	stream.indirect.gather @!p0 [hbm4b:s5+s10], $0x40, s6, s10, $0xb8;
	[tilespmem:$0x16C00] =	vst v63  }
0x102: {  	s20 =	simm.s32 $0x10600;
	s10 =	sadd.s32 s16, s7  }
0x103: {  	[hbm4b:s10+s3] =	stream.linear.scatter [tilespmem:s20], [sflag:$0x6], $0x80, $0x38;
	[tilespmem:$0x16C00] =	vst v63  }
0x104: {  	s17 =	simm.s32 $0x10688;
	s18 =	sadd.s32 $0x10, s10  }
0x105: {  	[hbm4b:s18+s3] =	stream.linear.scatter [tilespmem:s17], [sflag:$0x6], $0x80, $0x38;
	[tilespmem:$0x16C00] =	vst v63  }
0x106: {  	s19 =	simm.s32 $0x10710;
	s20 =	sadd.s32 $0x20, s10  }
0x107: {  	[hbm4b:s20+s3] =	stream.linear.scatter [tilespmem:s19], [sflag:$0x6], $0x80, $0x38;
	[tilespmem:$0x16C00] =	vst v63  }
0x108: {  	s17 =	simm.s32 $0x10798;
	s18 =	sadd.s32 $0x30, s10  }
0x109: {  	[hbm4b:s18+s3] =	stream.linear.scatter [tilespmem:s17], [sflag:$0x6], $0x80, $0x38;
	[tilespmem:$0x16C00] =	vst v63  }
0x10a: {  	s19 =	simm.s32 $0x10820;
	s20 =	sadd.s32 $0x40, s10  }
0x10b: {  	[hbm4b:s20+s3] =	stream.linear.scatter [tilespmem:s19], [sflag:$0x6], $0x80, $0x38;
	[tilespmem:$0x16C00] =	vst v63  }
0x10c: {  	s6 =	sadd.s32 $0x70, s10;
	s17 =	simm.s32 $0x108A8;
	s18 =	sadd.s32 $0x50, s10  }
0x10d: {  	[hbm4b:s18+s3] =	stream.linear.scatter [tilespmem:s17], [sflag:$0x6], $0x80, $0x38;
	[tilespmem:$0x16C00] =	vst v63  }
0x10e: {  	s19 =	simm.s32 $0x10930;
	s20 =	sadd.s32 $0x60, s10;
	s17 =	simm.s32 $0x440  }
0x10f: {  	[hbm4b:s20+s3] =	stream.linear.scatter [tilespmem:s19], [sflag:$0x6], $0x80, $0x38;
	[tilespmem:$0x16C00] =	vst v63  }
0x110: {  	s18 =	sadd.s32 $0x1000, s10;
	s19 =	simm.s32 $0x2200;
	s20 =	simm.s32 $0x109B8  }
.LBB2_9:
0x111: {  	[hbm4b:s6+s3] =	stream.linear.scatter [tilespmem:s20], [sflag:$0x6], $0x80, $0x38;
	[tilespmem:$0x16C00] =	vst v63  }
0x112: {  	s6 =	smov.u32 s17;
	s10 =	smov.u32 s19  }
0x113: {  	s17 =	sshra.s32 s10, $0x2;
	s10 =	sadd.s32 $0x1100, s19;
	s20 =	sadd.s32 $0x10600, s6  }
0x114: {  	[hbm4b:s18+s3] =	stream.linear.scatter [tilespmem:s20], [sflag:$0x6], $0x80, $0x38;
	[tilespmem:$0x16C00] =	vst v63  }
0x115: {  	p2 =	sne.s32 s19, $0x7700;
	s19 =	sadd.s32 $0x10688, s6;
	s20 =	sadd.s32 $0x10, s18  }
0x116: {  	[hbm4b:s20+s3] =	stream.linear.scatter [tilespmem:s19], [sflag:$0x6], $0x80, $0x38;
	[tilespmem:$0x16C00] =	vst v63  }
0x117: {  	s19 =	sadd.s32 $0x10710, s6;
	s20 =	sadd.s32 $0x20, s18  }
0x118: {  	[hbm4b:s20+s3] =	stream.linear.scatter [tilespmem:s19], [sflag:$0x6], $0x80, $0x38;
	[tilespmem:$0x16C00] =	vst v63  }
0x119: {  	s19 =	sadd.s32 $0x10798, s6;
	s20 =	sadd.s32 $0x30, s18  }
0x11a: {  	[hbm4b:s20+s3] =	stream.linear.scatter [tilespmem:s19], [sflag:$0x6], $0x80, $0x38;
	[tilespmem:$0x16C00] =	vst v63  }
0x11b: {  	s19 =	sadd.s32 $0x10820, s6;
	s20 =	sadd.s32 $0x40, s18  }
0x11c: {  	[hbm4b:s20+s3] =	stream.linear.scatter [tilespmem:s19], [sflag:$0x6], $0x80, $0x38;
	[tilespmem:$0x16C00] =	vst v63  }
0x11d: {  	s19 =	sadd.s32 $0x108A8, s6;
	s20 =	sadd.s32 $0x50, s18  }
0x11e: {  	[hbm4b:s20+s3] =	stream.linear.scatter [tilespmem:s19], [sflag:$0x6], $0x80, $0x38;
	[tilespmem:$0x16C00] =	vst v63  }
.Ltmp3:
0x11f: {  	_ = 	snop;
	(pc) =	sbr.rel @p2 .LBB2_9-.Ltmp3, $4  }
0x120: {  	s19 =	sadd.s32 $0x10930, s6;
	s20 =	sadd.s32 $0x60, s18  }
0x121: {  	[hbm4b:s20+s3] =	stream.linear.scatter [tilespmem:s19], [sflag:$0x6], $0x80, $0x38;
	[tilespmem:$0x16C00] =	vst v63  }
0x122: {  	s20 =	sadd.s32 $0x109B8, s6  }
0x123: {  	s6 =	sadd.s32 $0x70, s18;
	s18 =	sadd.s32 $0x1000, s18;
	s19 =	smov.u32 s10  }
0x124: {  	[hbm4b:s6+s3] =	stream.linear.scatter [tilespmem:s20], [sflag:$0x6], $0x80, $0x38;
	[tilespmem:$0x16C00] =	vst v63  }
0x125: {  	s19 =	sadd.s32 $0x10600, s17  }
0x126: {  	[hbm4b:s18+s3] =	stream.linear.scatter [tilespmem:s19], [sflag:$0x6], $0x80, $0x38;
	[tilespmem:$0x16C00] =	vst v63  }
0x127: {  	s20 =	sadd.s32 $0x10688, s17;
	s10 =	sadd.s32 $0x10, s18  }
0x128: {  	[hbm4b:s10+s3] =	stream.linear.scatter [tilespmem:s20], [sflag:$0x6], $0x80, $0x38;
	[tilespmem:$0x16C00] =	vst v63  }
0x129: {  	s19 =	sadd.s32 $0x10710, s17;
	s20 =	sadd.s32 $0x20, s18  }
0x12a: {  	[hbm4b:s20+s3] =	stream.linear.scatter [tilespmem:s19], [sflag:$0x6], $0x80, $0x38;
	[tilespmem:$0x16C00] =	vst v63  }
0x12b: {  	s19 =	sadd.s32 $0x10798, s17;
	s20 =	sadd.s32 $0x30, s18  }
0x12c: {  	[hbm4b:s20+s3] =	stream.linear.scatter [tilespmem:s19], [sflag:$0x6], $0x80, $0x38;
	[tilespmem:$0x16C00] =	vst v63  }
0x12d: {  	s19 =	sadd.s32 $0x10820, s17;
	s20 =	sadd.s32 $0x40, s18  }
0x12e: {  	[hbm4b:s20+s3] =	stream.linear.scatter [tilespmem:s19], [sflag:$0x6], $0x80, $0x38;
	[tilespmem:$0x16C00] =	vst v63  }
0x12f: {  	s19 =	sadd.s32 $0x108A8, s17;
	s20 =	sadd.s32 $0x50, s18  }
0x130: {  	[hbm4b:s20+s3] =	stream.linear.scatter [tilespmem:s19], [sflag:$0x6], $0x80, $0x38;
	[tilespmem:$0x16C00] =	vst v63  }
0x131: {  	s19 =	sadd.s32 $0x10930, s17;
	s20 =	sadd.s32 $0x60, s18  }
0x132: {  	[hbm4b:s20+s3] =	stream.linear.scatter [tilespmem:s19], [sflag:$0x6], $0x80, $0x38;
	[tilespmem:$0x16C00] =	vst v63  }
0x133: {  	s10 =	sadd.s32 $0x109B8, s17;
	s17 =	sadd.s32 $0x70, s18  }
0x134: {  	[hbm4b:s17+s3] =	stream.linear.scatter [tilespmem:s10], [sflag:$0x6], $0x80, $0x38;
	[tilespmem:$0x16C00] =	vst v63  }
0x135: {  	_ =	swait.ge [sflag:s25], $0x2000  }
0x136: {  	[sflag:s25] =	ssyncset.done $0x0  }
0x137: {  	s6 =	simm.s32 @!p1 $0x7;
	[sflag:s25] =	ssyncadd.s32 $0xFFFFE000  }
0x138: {  	_ =	swait.ge @!p1 [sflag:s6], $0x2000  }
0x139: {  	[sflag:s6] =	ssyncset.done @!p1 $0x0  }
0x13a: {  	s18 =	simm.s32 $0x3;
	s20 =	simm.s32 $0xA4F0;
	[sflag:s6] =	ssyncadd.s32 @!p1 $0xFFFFE000  }
0x13b: {  	v4 =	vmov s18;
	v5 =	vld [tilespmem:s20+$0xFFFFFFD0]  }
0x13c: {  	v9 =	vand.u32 $0x7F, v4  }
0x13d: {  	s19 =	simm.s32 $0x0;
	v4 =	vadd.s32 v0, v9  }
0x13e: {  	v6 =	vmov s19;
	s10 =	simm.s32 $0x1;
	s17 =	simm.s32 $0x2;
	v7 =	vld [tilespmem:s20+$0xFFFFFF10]  }
0x13f: {  	v8 =	vand.u32 $0x7C, v6;
	v6 =	vmov s10;
	v11 =	vmov s17;
	v10 =	vld [tilespmem:s20+$0xFFFFFF50]  }
0x140: {  	v12 =	vadd.s32 v0, v8;
	v15 =	vand.u32 $0x7D, v6;
	v6 =	vld [tilespmem:s20+$0xFFFFFF90];
	v5 =	vmul.f32 $8.000000000e+00, v5  }
0x141: {  	v17 =	vand.u32 $0x7E, v11;
	v13 =	vadd.s32 v0, v15  }
0x142: {  	v11 =	vadd.s32 v0, v17;
	[tilespmem:v4+s26+$0x0] =	vst.idx.msk $0xffff, v5  }
0x143: {  	v4 =	vmul.f32 $8.000000000e+00, v7;
	v5 =	vld [tilespmem:s20+$0xFFFFFFE0]  }
0x144: {  	v7 =	vmul.f32 $8.000000000e+00, v10  }
0x145: {  	[tilespmem:v12+s26+$0x0] =	vst.idx.msk $0xffff, v4;
	v4 =	vmul.f32 $8.000000000e+00, v6;
	v6 =	vadd.s32 v1, v9  }
0x146: {  	[tilespmem:v13+s26+$0x0] =	vst.idx.msk $0xffff, v7;
	v10 =	vld [tilespmem:s20+$0xFFFFFF20]  }
0x147: {  	v7 =	vld [tilespmem:s20+$0xFFFFFF60];
	[tilespmem:v11+s26+$0x0] =	vst.idx.msk $0xffff, v4  }
0x148: {  	v11 =	vld [tilespmem:s20+$0xFFFFFFA0];
	v4 =	vmul.f32 $8.000000000e+00, v5  }
0x149: {  	s18 =	simm.s32 $0x4;
	s19 =	simm.s32 $0x7;
	s17 =	simm.s32 $0xA5F0;
	v12 =	vadd.s32 v1, v15  }
0x14a: {  	v14 =	vld [tilespmem:s17+$0xFFFFFFD0];
	v13 =	vadd.s32 v1, v17;
	v5 =	vmov s18;
	[tilespmem:v6+s26+$0x0] =	vst.idx.msk $0xffff, v4;
	v6 =	vmov s19  }
0x14b: {  	v16 =	vadd.s32 v1, v8;
	v4 =	vand.u32 $0x7C, v5;
	v5 =	vand.u32 $0x7F, v6;
	v18 =	vld [tilespmem:s20+$0xFFFFFFF0]  }
0x14c: {  	v22 =	vadd.s32 v2, v9;
	v19 =	vld [tilespmem:s17+$0xFFFFFF10];
	s18 =	simm.s32 $0x5;
	v6 =	vmul.f32 $8.000000000e+00, v7;
	v20 =	vadd.s32 v0, v5  }
0x14d: {  	v21 =	vld [tilespmem:s17+$0xFFFFFF50];
	v10 =	vmul.f32 $8.000000000e+00, v10;
	s19 =	simm.s32 $0x6;
	v7 =	vmul.f32 $8.000000000e+00, v11;
	v11 =	vmov s18  }
0x14e: {  	v23 =	vadd.s32 v0, v4;
	[tilespmem:v12+s26+$0x0] =	vst.idx.msk $0xffff, v6;
	v12 =	vmov s19;
	v6 =	vand.u32 $0x7D, v11;
	v11 =	vld [tilespmem:s17+$0xFFFFFF90]  }
0x14f: {  	[tilespmem:v13+s26+$0x0] =	vst.idx.msk $0xffff, v7;
	v13 =	vadd.s32 v0, v6;
	v7 =	vand.u32 $0x7E, v12;
	v12 =	vmul.f32 $8.000000000e+00, v14;
	v14 =	vld [tilespmem:s20+$0xFFFFFF70]  }
0x150: {  	[tilespmem:v16+s26+$0x0] =	vst.idx.msk $0xffff, v10;
	v10 =	vadd.s32 v0, v7;
	v16 =	vld [tilespmem:s20+$0xFFFFFFB0];
	v18 =	vmul.f32 $8.000000000e+00, v18  }
0x151: {  	v19 =	vmul.f32 $8.000000000e+00, v19;
	[tilespmem:v20+s26+$0x0] =	vst.idx.msk $0xffff, v12;
	v12 =	vld [tilespmem:s20+$0xFFFFFF30];
	v20 =	vadd.s32 v2, v15  }
0x152: {  	v25 =	vadd.s32 v2, v17;
	v21 =	vmul.f32 $8.000000000e+00, v21;
	v24 =	vld [tilespmem:s17+$0xFFFFFFE0];
	[tilespmem:v22+s26+$0x0] =	vst.idx.msk $0xffff, v18  }
0x153: {  	[tilespmem:v23+s26+$0x0] =	vst.idx.msk $0xffff, v19;
	v19 =	vadd.s32 v2, v8;
	v11 =	vmul.f32 $8.000000000e+00, v11;
	v22 =	vld [tilespmem:s20+$0x0]  }
0x154: {  	v23 =	vld [tilespmem:s17+$0xFFFFFF20];
	[tilespmem:v13+s26+$0x0] =	vst.idx.msk $0xffff, v21;
	v21 =	vadd.s32 v1, v5;
	v14 =	vmul.f32 $8.000000000e+00, v14  }
0x155: {  	v27 =	vadd.s32 v3, v9;
	v26 =	vld [tilespmem:s17+$0xFFFFFF60];
	[tilespmem:v10+s26+$0x0] =	vst.idx.msk $0xffff, v11;
	v10 =	vmul.f32 $8.000000000e+00, v16  }
0x156: {  	v18 =	vadd.s32 v1, v4;
	v13 =	vld [tilespmem:s17+$0xFFFFFFA0];
	v9 =	vmul.f32 $8.000000000e+00, v12;
	[tilespmem:v20+s26+$0x0] =	vst.idx.msk $0xffff, v14  }
0x157: {  	s19 =	simm.s32 $0x8;
	v16 =	vadd.s32 v1, v6;
	[tilespmem:v25+s26+$0x0] =	vst.idx.msk $0xffff, v10;
	v14 =	vmul.f32 $8.000000000e+00, v24;
	v12 =	vld [tilespmem:s20+$0xFFFFFF80]  }
0x158: {  	v20 =	vmov s19;
	v10 =	vadd.s32 v1, v7;
	v11 =	vld [tilespmem:s20+$0xFFFFFFC0];
	[tilespmem:v19+s26+$0x0] =	vst.idx.msk $0xffff, v9;
	v63 =	vmul.f32 $8.000000000e+00, v22  }
0x159: {  	s10 =	simm.s32 $0xB;
	s18 =	simm.s32 $0xA6F0;
	v15 =	vadd.s32 v3, v15;
	v9 =	vand.u32 $0x7C, v20;
	v20 =	vmul.f32 $8.000000000e+00, v23;
	[tilespmem:v21+s26+$0x0] =	vst.idx.msk $0xffff, v14;
	v14 =	vld [tilespmem:s20+$0xFFFFFF40]  }
0x15a: {  	v17 =	vadd.s32 v3, v17;
	v22 =	vmov s10;
	v19 =	vld [tilespmem:s18+$0xFFFFFFD0];
	s20 =	simm.s32 $0xC;
	v21 =	vmul.f32 $8.000000000e+00, v26;
	[tilespmem:v27+s26+$0x0] =	vst.idx.msk $0xffff, v63  }
.LBB2_11:
0x15b: {  	p2 =	slt.u32 s20, $0x7C;
	s6 =	sadd.s32 $0x1, s19;
	v22 =	vand.u32 $0x7F, v22;
	[tilespmem:v18+s26+$0x0] =	vst.idx.msk $0xffff, v20;
	v13 =	vmul.f32 $8.000000000e+00, v13;
	v18 =	vld [tilespmem:s17+$0xFFFFFFF0];
	v20 =	vadd.s32 v3, v8;
	v8 =	vmovc v4  }
0x15c: {  	v4 =	vmovc v9;
	v23 =	vld [tilespmem:s18+$0xFFFFFF10];
	v24 =	vmov s6;
	s6 =	sadd.s32 $0x2, s19;
	v25 =	vadd.s32 v0, v22;
	[tilespmem:v16+s26+$0x0] =	vst.idx.msk $0xffff, v21;
	v12 =	vmul.f32 $8.000000000e+00, v12;
	s19 =	smov.u32 s20  }
0x15d: {  	v9 =	vld [tilespmem:s18+$0xFFFFFF50];
	v16 =	vmov s6;
	[tilespmem:v10+s26+$0x0] =	vst.idx.msk $0xffff, v13;
	v10 =	vadd.s32 v2, v5;
	v11 =	vmul.f32 $8.000000000e+00, v11  }
0x15e: {  	v13 =	vadd.s32 v0, v4;
	v21 =	vand.u32 $0x7D, v24;
	v24 =	vld [tilespmem:s18+$0xFFFFFF90];
	v14 =	vmul.f32 $8.000000000e+00, v14;
	[tilespmem:v15+s26+$0x0] =	vst.idx.msk $0xffff, v12  }
0x15f: {  	v12 =	vadd.s32 v0, v21;
	v26 =	vand.u32 $0x7E, v16;
	v15 =	vmul.f32 $8.000000000e+00, v19;
	v16 =	vld [tilespmem:s17+$0xFFFFFF70];
	[tilespmem:v17+s26+$0x0] =	vst.idx.msk $0xffff, v11  }
0x160: {  	v11 =	vadd.s32 v0, v26;
	v17 =	vld [tilespmem:s17+$0xFFFFFFB0];
	v18 =	vmul.f32 $8.000000000e+00, v18;
	[tilespmem:v20+s26+$0x0] =	vst.idx.msk $0xffff, v14  }
0x161: {  	v19 =	vadd.s32 v2, v6;
	v14 =	vmul.f32 $8.000000000e+00, v23;
	[tilespmem:v25+s26+$0x0] =	vst.idx.msk $0xffff, v15;
	v15 =	vld [tilespmem:s17+$0xFFFFFF30]  }
0x162: {  	v23 =	vadd.s32 v2, v7;
	v9 =	vmul.f32 $8.000000000e+00, v9;
	v20 =	vld [tilespmem:s18+$0xFFFFFFE0];
	[tilespmem:v10+s26+$0x0] =	vst.idx.msk $0xffff, v18  }
0x163: {  	[tilespmem:v13+s26+$0x0] =	vst.idx.msk $0xffff, v14;
	v10 =	vmul.f32 $8.000000000e+00, v24;
	v14 =	vadd.s32 v2, v8;
	v24 =	vld [tilespmem:s17+$0x0]  }
0x164: {  	v27 =	vadd.s32 v1, v22;
	v25 =	vld [tilespmem:s18+$0xFFFFFF20];
	[tilespmem:v12+s26+$0x0] =	vst.idx.msk $0xffff, v9;
	v9 =	vmul.f32 $8.000000000e+00, v16  }
0x165: {  	v29 =	vadd.s32 v3, v5;
	v5 =	vmov v22;
	v28 =	vld [tilespmem:s18+$0xFFFFFF60];
	[tilespmem:v11+s26+$0x0] =	vst.idx.msk $0xffff, v10;
	v10 =	vmul.f32 $8.000000000e+00, v17  }
.Ltmp4:
0x166: {  	v18 =	vadd.s32 v1, v4;
	v13 =	vld [tilespmem:s18+$0xFFFFFFA0];
	v11 =	vmul.f32 $8.000000000e+00, v15;
	[tilespmem:v19+s26+$0x0] =	vst.idx.msk $0xffff, v9;
	(pc) =	sbr.rel @p2 .LBB2_11-.Ltmp4, $4  }
0x167: {  	v16 =	vadd.s32 v1, v21;
	v15 =	vmul.f32 $8.000000000e+00, v20;
	v12 =	vld [tilespmem:s17+$0xFFFFFF80];
	[tilespmem:v23+s26+$0x0] =	vst.idx.msk $0xffff, v10  }
0x168: {  	v9 =	vmov s20;
	v10 =	vadd.s32 v1, v26;
	[tilespmem:v14+s26+$0x0] =	vst.idx.msk $0xffff, v11;
	v11 =	vld [tilespmem:s17+$0xFFFFFFC0];
	v23 =	vmul.f32 $8.000000000e+00, v24  }
0x169: {  	s6 =	sadd.s32 $0x3, s20;
	v9 =	vand.u32 $0x7C, v9;
	v20 =	vmul.f32 $8.000000000e+00, v25;
	[tilespmem:v27+s26+$0x0] =	vst.idx.msk $0xffff, v15;
	v14 =	vld [tilespmem:s17+$0xFFFFFF40];
	v15 =	vadd.s32 v3, v6;
	v6 =	vmovc v21;
	s17 =	smov.u32 s18;
	s18 =	sadd.s32 $0x100, s18  }
0x16a: {  	v22 =	vmov s6;
	v17 =	vadd.s32 v3, v7;
	v7 =	vmovc v26;
	s20 =	sadd.s32 $0x4, s20;
	v19 =	vld [tilespmem:s18+$0xFFFFFFD0];
	v21 =	vmul.f32 $8.000000000e+00, v28;
	[tilespmem:v29+s26+$0x0] =	vst.idx.msk $0xffff, v23  }
0x16b: {  	s6 =	sadd.s32 $0x1, s19;
	v22 =	vand.u32 $0x7F, v22;
	v28 =	vld [tilespmem:s18+$0xFFFFFF10]  }
0x16c: {  	s19 =	sadd.s32 $0x2, s19;
	v24 =	vld [tilespmem:s18+$0xFFFFFF50];
	v23 =	vmov s6;
	v25 =	vadd.s32 v0, v22  }
0x16d: {  	v27 =	vld [tilespmem:s18+$0xFFFFFF90];
	v51 =	vadd.s32 v0, v9;
	v26 =	vmov s19;
	v23 =	vand.u32 $0x7D, v23  }
0x16e: {  	v26 =	vand.u32 $0x7E, v26;
	v29 =	vadd.s32 v0, v23  }
0x16f: {  	[tilespmem:v18+s26+$0x0] =	vst.idx.msk $0xffff, v20;
	v30 =	vadd.s32 v0, v26;
	v19 =	vmul.f32 $8.000000000e+00, v19  }
0x170: {  	[tilespmem:v16+s26+$0x0] =	vst.idx.msk $0xffff, v21;
	v54 =	vmul.f32 $8.000000000e+00, v28  }
0x171: {  	v52 =	vmul.f32 $8.000000000e+00, v24;
	[tilespmem:v25+s26+$0x0] =	vst.idx.msk $0xffff, v19  }
0x172: {  	v53 =	vmul.f32 $8.000000000e+00, v27;
	v55 =	vld [tilespmem:s18+$0xFFFFFFE0];
	[tilespmem:v51+s26+$0x0] =	vst.idx.msk $0xffff, v54  }
0x173: {  	v13 =	vmul.f32 $8.000000000e+00, v13;
	v8 =	vadd.s32 v3, v8;
	[tilespmem:v29+s26+$0x0] =	vst.idx.msk $0xffff, v52;
	v59 =	vld [tilespmem:s18+$0xFFFFFF20]  }
0x174: {  	v12 =	vmul.f32 $8.000000000e+00, v12;
	v57 =	vadd.s32 v1, v22;
	[tilespmem:v30+s26+$0x0] =	vst.idx.msk $0xffff, v53;
	v56 =	vld [tilespmem:s18+$0xFFFFFF60]  }
0x175: {  	[tilespmem:v10+s26+$0x0] =	vst.idx.msk $0xffff, v13;
	v58 =	vmul.f32 $8.000000000e+00, v11;
	v28 =	vadd.s32 v1, v9;
	v19 =	vld [tilespmem:s18+$0xFFFFFFA0]  }
0x176: {  	v61 =	vld [tilespmem:s17+$0xFFFFFFF0];
	v60 =	vadd.s32 v1, v23;
	v14 =	vmul.f32 $8.000000000e+00, v14;
	[tilespmem:v15+s26+$0x0] =	vst.idx.msk $0xffff, v12  }
0x177: {  	v32 =	vld [tilespmem:s17+$0xFFFFFF30];
	v62 =	vadd.s32 v1, v26;
	[tilespmem:v17+s26+$0x0] =	vst.idx.msk $0xffff, v58;
	v16 =	vmul.f32 $8.000000000e+00, v55  }
0x178: {  	[tilespmem:v8+s26+$0x0] =	vst.idx.msk $0xffff, v14;
	v29 =	vadd.s32 v2, v5;
	v30 =	vld [tilespmem:s17+$0xFFFFFFB0];
	v11 =	vmul.f32 $8.000000000e+00, v59  }
0x179: {  	v38 =	vadd.s32 v2, v4;
	v63 =	vld [tilespmem:s17+$0xFFFFFF70];
	v31 =	vmul.f32 $8.000000000e+00, v56;
	[tilespmem:v57+s26+$0x0] =	vst.idx.msk $0xffff, v16  }
0x17a: {  	v35 =	vadd.s32 v2, v7;
	v34 =	vmul.f32 $8.000000000e+00, v19;
	v36 =	vld [tilespmem:s18+$0xFFFFFFF0];
	[tilespmem:v28+s26+$0x0] =	vst.idx.msk $0xffff, v11  }
0x17b: {  	v33 =	vadd.s32 v2, v6;
	v37 =	vmul.f32 $8.000000000e+00, v61;
	[tilespmem:v60+s26+$0x0] =	vst.idx.msk $0xffff, v31;
	v43 =	vld [tilespmem:s18+$0xFFFFFF30]  }
0x17c: {  	v40 =	vadd.s32 v2, v22;
	v14 =	vmul.f32 $8.000000000e+00, v32;
	[tilespmem:v62+s26+$0x0] =	vst.idx.msk $0xffff, v34;
	v39 =	vld [tilespmem:s18+$0xFFFFFF70]  }
0x17d: {  	v48 =	vadd.s32 v2, v9;
	[tilespmem:v29+s26+$0x0] =	vst.idx.msk $0xffff, v37;
	v42 =	vmul.f32 $8.000000000e+00, v30;
	v41 =	vld [tilespmem:s18+$0xFFFFFFB0]  }
0x17e: {  	v44 =	vadd.s32 v2, v23;
	v15 =	vmul.f32 $8.000000000e+00, v63;
	[tilespmem:v38+s26+$0x0] =	vst.idx.msk $0xffff, v14;
	v45 =	vld [tilespmem:s17+$0x0]  }
0x17f: {  	v46 =	vadd.s32 v2, v26;
	v14 =	vld [tilespmem:s17+$0xFFFFFF40];
	[tilespmem:v35+s26+$0x0] =	vst.idx.msk $0xffff, v42;
	v47 =	vmul.f32 $8.000000000e+00, v36  }
0x180: {  	v5 =	vadd.s32 v3, v5;
	[tilespmem:v33+s26+$0x0] =	vst.idx.msk $0xffff, v15;
	v49 =	vld [tilespmem:s17+$0xFFFFFFC0];
	v53 =	vmul.f32 $8.000000000e+00, v43  }
0x181: {  	v4 =	vadd.s32 v3, v4;
	v21 =	vld [tilespmem:s17+$0xFFFFFF80];
	v12 =	vmul.f32 $8.000000000e+00, v39;
	[tilespmem:v40+s26+$0x0] =	vst.idx.msk $0xffff, v47  }
0x182: {  	v52 =	vadd.s32 v3, v7;
	v51 =	vmul.f32 $8.000000000e+00, v41;
	v10 =	vld [tilespmem:s18+$0x0];
	[tilespmem:v48+s26+$0x0] =	vst.idx.msk $0xffff, v53  }
0x183: {  	v50 =	vadd.s32 v3, v6;
	v54 =	vmul.f32 $8.000000000e+00, v45;
	[tilespmem:v44+s26+$0x0] =	vst.idx.msk $0xffff, v12;
	v59 =	vld [tilespmem:s18+$0xFFFFFF40]  }
0x184: {  	v57 =	vadd.s32 v3, v22;
	v14 =	vmul.f32 $8.000000000e+00, v14;
	[tilespmem:v46+s26+$0x0] =	vst.idx.msk $0xffff, v51;
	v55 =	vld [tilespmem:s18+$0xFFFFFF80]  }
0x185: {  	v62 =	vadd.s32 v3, v9;
	[tilespmem:v5+s26+$0x0] =	vst.idx.msk $0xffff, v54;
	v5 =	vmul.f32 $8.000000000e+00, v49;
	v58 =	vld [tilespmem:s18+$0xFFFFFFC0]  }
0x186: {  	v56 =	vmul.f32 $8.000000000e+00, v21;
	v60 =	vadd.s32 v3, v23;
	[tilespmem:v4+s26+$0x0] =	vst.idx.msk $0xffff, v14  }
0x187: {  	v61 =	vadd.s32 v3, v26;
	[tilespmem:v52+s26+$0x0] =	vst.idx.msk $0xffff, v5;
	v5 =	vmul.f32 $8.000000000e+00, v10  }
0x188: {  	[tilespmem:v50+s26+$0x0] =	vst.idx.msk $0xffff, v56;
	v63 =	vmul.f32 $8.000000000e+00, v59  }
0x189: {  	v4 =	vmul.f32 $8.000000000e+00, v55;
	[tilespmem:v57+s26+$0x0] =	vst.idx.msk $0xffff, v5  }
0x18a: {  	v5 =	vmul.f32 $8.000000000e+00, v58;
	[tilespmem:v62+s26+$0x0] =	vst.idx.msk $0xffff, v63  }
0x18b: {  	s6 =	sadd.s32 @!p0 $0x300, s15;
	[tilespmem:v60+s26+$0x0] =	vst.idx.msk $0xffff, v4  }
0x18c: {  	s10 =	simm.s32 @!p0 $0x80;
	s6 =	sand.u32 @!p0 $0xFF00, s6;
	s17 =	simm.s32 @!p0 $0xA400;
	[tilespmem:v61+s26+$0x0] =	vst.idx.msk $0xffff, v5  }
0x18d: {  	[tilespmem:s17], [sflag:$0x3] =	stream.indirect.gather @!p0 [hbm4b:s5+s10], $0x40, s6, s10, $0xb8;
	[tilespmem:$0x16C00] =	vst v63  }
0x18e: {  	s20 =	simm.s32 $0x12800;
	s10 =	sadd.s32 s16, s8  }
0x18f: {  	[hbm4b:s10+s3] =	stream.linear.scatter [tilespmem:s20], [sflag:$0x7], $0x80, $0x38;
	[tilespmem:$0x16C00] =	vst v63  }
0x190: {  	s17 =	simm.s32 $0x12888;
	s18 =	sadd.s32 $0x10, s10  }
0x191: {  	[hbm4b:s18+s3] =	stream.linear.scatter [tilespmem:s17], [sflag:$0x7], $0x80, $0x38;
	[tilespmem:$0x16C00] =	vst v63  }
0x192: {  	s19 =	simm.s32 $0x12910;
	s20 =	sadd.s32 $0x20, s10  }
0x193: {  	[hbm4b:s20+s3] =	stream.linear.scatter [tilespmem:s19], [sflag:$0x7], $0x80, $0x38;
	[tilespmem:$0x16C00] =	vst v63  }
0x194: {  	s17 =	simm.s32 $0x12998;
	s18 =	sadd.s32 $0x30, s10  }
0x195: {  	[hbm4b:s18+s3] =	stream.linear.scatter [tilespmem:s17], [sflag:$0x7], $0x80, $0x38;
	[tilespmem:$0x16C00] =	vst v63  }
0x196: {  	s19 =	simm.s32 $0x12A20;
	s20 =	sadd.s32 $0x40, s10  }
0x197: {  	[hbm4b:s20+s3] =	stream.linear.scatter [tilespmem:s19], [sflag:$0x7], $0x80, $0x38;
	[tilespmem:$0x16C00] =	vst v63  }
0x198: {  	s6 =	sadd.s32 $0x70, s10;
	s17 =	simm.s32 $0x12AA8;
	s18 =	sadd.s32 $0x50, s10  }
0x199: {  	[hbm4b:s18+s3] =	stream.linear.scatter [tilespmem:s17], [sflag:$0x7], $0x80, $0x38;
	[tilespmem:$0x16C00] =	vst v63  }
0x19a: {  	s19 =	simm.s32 $0x12B30;
	s20 =	sadd.s32 $0x60, s10;
	s17 =	simm.s32 $0x440  }
0x19b: {  	[hbm4b:s20+s3] =	stream.linear.scatter [tilespmem:s19], [sflag:$0x7], $0x80, $0x38;
	[tilespmem:$0x16C00] =	vst v63  }
0x19c: {  	s18 =	sadd.s32 $0x1000, s10;
	s19 =	simm.s32 $0x2200;
	s20 =	simm.s32 $0x12BB8  }
.LBB2_13:
0x19d: {  	[hbm4b:s6+s3] =	stream.linear.scatter [tilespmem:s20], [sflag:$0x7], $0x80, $0x38;
	[tilespmem:$0x16C00] =	vst v63  }
0x19e: {  	s6 =	smov.u32 s17;
	s10 =	smov.u32 s19  }
0x19f: {  	s17 =	sshra.s32 s10, $0x2;
	s10 =	sadd.s32 $0x1100, s19;
	s20 =	sadd.s32 $0x12800, s6  }
0x1a0: {  	[hbm4b:s18+s3] =	stream.linear.scatter [tilespmem:s20], [sflag:$0x7], $0x80, $0x38;
	[tilespmem:$0x16C00] =	vst v63  }
0x1a1: {  	p2 =	sne.s32 s19, $0x7700;
	s19 =	sadd.s32 $0x12888, s6;
	s20 =	sadd.s32 $0x10, s18  }
0x1a2: {  	[hbm4b:s20+s3] =	stream.linear.scatter [tilespmem:s19], [sflag:$0x7], $0x80, $0x38;
	[tilespmem:$0x16C00] =	vst v63  }
0x1a3: {  	s19 =	sadd.s32 $0x12910, s6;
	s20 =	sadd.s32 $0x20, s18  }
0x1a4: {  	[hbm4b:s20+s3] =	stream.linear.scatter [tilespmem:s19], [sflag:$0x7], $0x80, $0x38;
	[tilespmem:$0x16C00] =	vst v63  }
0x1a5: {  	s19 =	sadd.s32 $0x12998, s6;
	s20 =	sadd.s32 $0x30, s18  }
0x1a6: {  	[hbm4b:s20+s3] =	stream.linear.scatter [tilespmem:s19], [sflag:$0x7], $0x80, $0x38;
	[tilespmem:$0x16C00] =	vst v63  }
0x1a7: {  	s19 =	sadd.s32 $0x12A20, s6;
	s20 =	sadd.s32 $0x40, s18  }
0x1a8: {  	[hbm4b:s20+s3] =	stream.linear.scatter [tilespmem:s19], [sflag:$0x7], $0x80, $0x38;
	[tilespmem:$0x16C00] =	vst v63  }
0x1a9: {  	s19 =	sadd.s32 $0x12AA8, s6;
	s20 =	sadd.s32 $0x50, s18  }
0x1aa: {  	[hbm4b:s20+s3] =	stream.linear.scatter [tilespmem:s19], [sflag:$0x7], $0x80, $0x38;
	[tilespmem:$0x16C00] =	vst v63  }
.Ltmp5:
0x1ab: {  	_ = 	snop;
	(pc) =	sbr.rel @p2 .LBB2_13-.Ltmp5, $4  }
0x1ac: {  	s19 =	sadd.s32 $0x12B30, s6;
	s20 =	sadd.s32 $0x60, s18  }
0x1ad: {  	[hbm4b:s20+s3] =	stream.linear.scatter [tilespmem:s19], [sflag:$0x7], $0x80, $0x38;
	[tilespmem:$0x16C00] =	vst v63  }
0x1ae: {  	s20 =	sadd.s32 $0x12BB8, s6  }
0x1af: {  	s6 =	sadd.s32 $0x70, s18;
	s18 =	sadd.s32 $0x1000, s18;
	s19 =	smov.u32 s10  }
0x1b0: {  	[hbm4b:s6+s3] =	stream.linear.scatter [tilespmem:s20], [sflag:$0x7], $0x80, $0x38;
	[tilespmem:$0x16C00] =	vst v63  }
0x1b1: {  	s19 =	sadd.s32 $0x12800, s17  }
0x1b2: {  	[hbm4b:s18+s3] =	stream.linear.scatter [tilespmem:s19], [sflag:$0x7], $0x80, $0x38;
	[tilespmem:$0x16C00] =	vst v63  }
0x1b3: {  	s20 =	sadd.s32 $0x12888, s17;
	s10 =	sadd.s32 $0x10, s18  }
0x1b4: {  	[hbm4b:s10+s3] =	stream.linear.scatter [tilespmem:s20], [sflag:$0x7], $0x80, $0x38;
	[tilespmem:$0x16C00] =	vst v63  }
0x1b5: {  	s19 =	sadd.s32 $0x12910, s17;
	s20 =	sadd.s32 $0x20, s18  }
0x1b6: {  	[hbm4b:s20+s3] =	stream.linear.scatter [tilespmem:s19], [sflag:$0x7], $0x80, $0x38;
	[tilespmem:$0x16C00] =	vst v63  }
0x1b7: {  	s19 =	sadd.s32 $0x12998, s17;
	s20 =	sadd.s32 $0x30, s18  }
0x1b8: {  	[hbm4b:s20+s3] =	stream.linear.scatter [tilespmem:s19], [sflag:$0x7], $0x80, $0x38;
	[tilespmem:$0x16C00] =	vst v63  }
0x1b9: {  	s19 =	sadd.s32 $0x12A20, s17;
	s20 =	sadd.s32 $0x40, s18  }
0x1ba: {  	[hbm4b:s20+s3] =	stream.linear.scatter [tilespmem:s19], [sflag:$0x7], $0x80, $0x38;
	[tilespmem:$0x16C00] =	vst v63  }
0x1bb: {  	s19 =	sadd.s32 $0x12AA8, s17;
	s20 =	sadd.s32 $0x50, s18  }
0x1bc: {  	[hbm4b:s20+s3] =	stream.linear.scatter [tilespmem:s19], [sflag:$0x7], $0x80, $0x38;
	[tilespmem:$0x16C00] =	vst v63  }
0x1bd: {  	s19 =	sadd.s32 $0x12B30, s17;
	s20 =	sadd.s32 $0x60, s18  }
0x1be: {  	[hbm4b:s20+s3] =	stream.linear.scatter [tilespmem:s19], [sflag:$0x7], $0x80, $0x38;
	[tilespmem:$0x16C00] =	vst v63  }
0x1bf: {  	s10 =	sadd.s32 $0x12BB8, s17;
	s17 =	sadd.s32 $0x70, s18  }
0x1c0: {  	[hbm4b:s17+s3] =	stream.linear.scatter [tilespmem:s10], [sflag:$0x7], $0x80, $0x38;
	[tilespmem:$0x16C00] =	vst v63  }
0x1c1: {  	_ =	swait.ge [sflag:s28], $0x2000  }
0x1c2: {  	[sflag:s28] =	ssyncset.done $0x0  }
0x1c3: {  	s6 =	simm.s32 @!p1 $0x8;
	[sflag:s28] =	ssyncadd.s32 $0xFFFFE000  }
0x1c4: {  	_ =	swait.ge @!p1 [sflag:s6], $0x2000  }
0x1c5: {  	[sflag:s6] =	ssyncset.done @!p1 $0x0  }
0x1c6: {  	s18 =	simm.s32 $0x3;
	s20 =	simm.s32 $0xC4F0;
	[sflag:s6] =	ssyncadd.s32 @!p1 $0xFFFFE000  }
0x1c7: {  	v4 =	vmov s18;
	v5 =	vld [tilespmem:s20+$0xFFFFFFD0]  }
0x1c8: {  	v9 =	vand.u32 $0x7F, v4  }
0x1c9: {  	s19 =	simm.s32 $0x0;
	v4 =	vadd.s32 v0, v9  }
0x1ca: {  	v6 =	vmov s19;
	s10 =	simm.s32 $0x1;
	s17 =	simm.s32 $0x2;
	v7 =	vld [tilespmem:s20+$0xFFFFFF10]  }
0x1cb: {  	v8 =	vand.u32 $0x7C, v6;
	v6 =	vmov s10;
	v11 =	vmov s17;
	v10 =	vld [tilespmem:s20+$0xFFFFFF50]  }
0x1cc: {  	v12 =	vadd.s32 v0, v8;
	v15 =	vand.u32 $0x7D, v6;
	v6 =	vld [tilespmem:s20+$0xFFFFFF90];
	v5 =	vmul.f32 $8.000000000e+00, v5  }
0x1cd: {  	v17 =	vand.u32 $0x7E, v11;
	v13 =	vadd.s32 v0, v15  }
0x1ce: {  	v11 =	vadd.s32 v0, v17;
	[tilespmem:v4+s29+$0x0] =	vst.idx.msk $0xffff, v5  }
0x1cf: {  	v4 =	vmul.f32 $8.000000000e+00, v7;
	v5 =	vld [tilespmem:s20+$0xFFFFFFE0]  }
0x1d0: {  	v7 =	vmul.f32 $8.000000000e+00, v10  }
0x1d1: {  	[tilespmem:v12+s29+$0x0] =	vst.idx.msk $0xffff, v4;
	v4 =	vmul.f32 $8.000000000e+00, v6;
	v6 =	vadd.s32 v1, v9  }
0x1d2: {  	[tilespmem:v13+s29+$0x0] =	vst.idx.msk $0xffff, v7;
	v10 =	vld [tilespmem:s20+$0xFFFFFF20]  }
0x1d3: {  	v7 =	vld [tilespmem:s20+$0xFFFFFF60];
	[tilespmem:v11+s29+$0x0] =	vst.idx.msk $0xffff, v4  }
0x1d4: {  	v11 =	vld [tilespmem:s20+$0xFFFFFFA0];
	v4 =	vmul.f32 $8.000000000e+00, v5  }
0x1d5: {  	s18 =	simm.s32 $0x4;
	s19 =	simm.s32 $0x7;
	s17 =	simm.s32 $0xC5F0;
	v12 =	vadd.s32 v1, v15  }
0x1d6: {  	v14 =	vld [tilespmem:s17+$0xFFFFFFD0];
	v13 =	vadd.s32 v1, v17;
	v5 =	vmov s18;
	[tilespmem:v6+s29+$0x0] =	vst.idx.msk $0xffff, v4;
	v6 =	vmov s19  }
0x1d7: {  	v16 =	vadd.s32 v1, v8;
	v4 =	vand.u32 $0x7C, v5;
	v5 =	vand.u32 $0x7F, v6;
	v18 =	vld [tilespmem:s20+$0xFFFFFFF0]  }
0x1d8: {  	v22 =	vadd.s32 v2, v9;
	v19 =	vld [tilespmem:s17+$0xFFFFFF10];
	s18 =	simm.s32 $0x5;
	v6 =	vmul.f32 $8.000000000e+00, v7;
	v20 =	vadd.s32 v0, v5  }
0x1d9: {  	v21 =	vld [tilespmem:s17+$0xFFFFFF50];
	v10 =	vmul.f32 $8.000000000e+00, v10;
	s19 =	simm.s32 $0x6;
	v7 =	vmul.f32 $8.000000000e+00, v11;
	v11 =	vmov s18  }
0x1da: {  	v23 =	vadd.s32 v0, v4;
	[tilespmem:v12+s29+$0x0] =	vst.idx.msk $0xffff, v6;
	v12 =	vmov s19;
	v6 =	vand.u32 $0x7D, v11;
	v11 =	vld [tilespmem:s17+$0xFFFFFF90]  }
0x1db: {  	[tilespmem:v13+s29+$0x0] =	vst.idx.msk $0xffff, v7;
	v13 =	vadd.s32 v0, v6;
	v7 =	vand.u32 $0x7E, v12;
	v12 =	vmul.f32 $8.000000000e+00, v14;
	v14 =	vld [tilespmem:s20+$0xFFFFFF70]  }
0x1dc: {  	[tilespmem:v16+s29+$0x0] =	vst.idx.msk $0xffff, v10;
	v10 =	vadd.s32 v0, v7;
	v16 =	vld [tilespmem:s20+$0xFFFFFFB0];
	v18 =	vmul.f32 $8.000000000e+00, v18  }
0x1dd: {  	v19 =	vmul.f32 $8.000000000e+00, v19;
	[tilespmem:v20+s29+$0x0] =	vst.idx.msk $0xffff, v12;
	v12 =	vld [tilespmem:s20+$0xFFFFFF30];
	v20 =	vadd.s32 v2, v15  }
0x1de: {  	v25 =	vadd.s32 v2, v17;
	v21 =	vmul.f32 $8.000000000e+00, v21;
	v24 =	vld [tilespmem:s17+$0xFFFFFFE0];
	[tilespmem:v22+s29+$0x0] =	vst.idx.msk $0xffff, v18  }
0x1df: {  	[tilespmem:v23+s29+$0x0] =	vst.idx.msk $0xffff, v19;
	v19 =	vadd.s32 v2, v8;
	v11 =	vmul.f32 $8.000000000e+00, v11;
	v22 =	vld [tilespmem:s20+$0x0]  }
0x1e0: {  	v23 =	vld [tilespmem:s17+$0xFFFFFF20];
	[tilespmem:v13+s29+$0x0] =	vst.idx.msk $0xffff, v21;
	v21 =	vadd.s32 v1, v5;
	v14 =	vmul.f32 $8.000000000e+00, v14  }
0x1e1: {  	v27 =	vadd.s32 v3, v9;
	v26 =	vld [tilespmem:s17+$0xFFFFFF60];
	[tilespmem:v10+s29+$0x0] =	vst.idx.msk $0xffff, v11;
	v10 =	vmul.f32 $8.000000000e+00, v16  }
0x1e2: {  	v18 =	vadd.s32 v1, v4;
	v13 =	vld [tilespmem:s17+$0xFFFFFFA0];
	v9 =	vmul.f32 $8.000000000e+00, v12;
	[tilespmem:v20+s29+$0x0] =	vst.idx.msk $0xffff, v14  }
0x1e3: {  	s19 =	simm.s32 $0x8;
	v16 =	vadd.s32 v1, v6;
	[tilespmem:v25+s29+$0x0] =	vst.idx.msk $0xffff, v10;
	v14 =	vmul.f32 $8.000000000e+00, v24;
	v12 =	vld [tilespmem:s20+$0xFFFFFF80]  }
0x1e4: {  	v20 =	vmov s19;
	v10 =	vadd.s32 v1, v7;
	v11 =	vld [tilespmem:s20+$0xFFFFFFC0];
	[tilespmem:v19+s29+$0x0] =	vst.idx.msk $0xffff, v9;
	v63 =	vmul.f32 $8.000000000e+00, v22  }
0x1e5: {  	s10 =	simm.s32 $0xB;
	s18 =	simm.s32 $0xC6F0;
	v15 =	vadd.s32 v3, v15;
	v9 =	vand.u32 $0x7C, v20;
	v20 =	vmul.f32 $8.000000000e+00, v23;
	[tilespmem:v21+s29+$0x0] =	vst.idx.msk $0xffff, v14;
	v14 =	vld [tilespmem:s20+$0xFFFFFF40]  }
0x1e6: {  	v17 =	vadd.s32 v3, v17;
	v22 =	vmov s10;
	v19 =	vld [tilespmem:s18+$0xFFFFFFD0];
	s20 =	simm.s32 $0xC;
	v21 =	vmul.f32 $8.000000000e+00, v26;
	[tilespmem:v27+s29+$0x0] =	vst.idx.msk $0xffff, v63  }
.LBB2_15:
0x1e7: {  	p1 =	slt.u32 s20, $0x7C;
	s6 =	sadd.s32 $0x1, s19;
	v22 =	vand.u32 $0x7F, v22;
	[tilespmem:v18+s29+$0x0] =	vst.idx.msk $0xffff, v20;
	v13 =	vmul.f32 $8.000000000e+00, v13;
	v18 =	vld [tilespmem:s17+$0xFFFFFFF0];
	v20 =	vadd.s32 v3, v8;
	v8 =	vmovc v4  }
0x1e8: {  	v4 =	vmovc v9;
	v23 =	vld [tilespmem:s18+$0xFFFFFF10];
	v24 =	vmov s6;
	s6 =	sadd.s32 $0x2, s19;
	v25 =	vadd.s32 v0, v22;
	[tilespmem:v16+s29+$0x0] =	vst.idx.msk $0xffff, v21;
	v12 =	vmul.f32 $8.000000000e+00, v12;
	s19 =	smov.u32 s20  }
0x1e9: {  	v9 =	vld [tilespmem:s18+$0xFFFFFF50];
	v16 =	vmov s6;
	[tilespmem:v10+s29+$0x0] =	vst.idx.msk $0xffff, v13;
	v10 =	vadd.s32 v2, v5;
	v11 =	vmul.f32 $8.000000000e+00, v11  }
0x1ea: {  	v13 =	vadd.s32 v0, v4;
	v21 =	vand.u32 $0x7D, v24;
	v24 =	vld [tilespmem:s18+$0xFFFFFF90];
	v14 =	vmul.f32 $8.000000000e+00, v14;
	[tilespmem:v15+s29+$0x0] =	vst.idx.msk $0xffff, v12  }
0x1eb: {  	v12 =	vadd.s32 v0, v21;
	v26 =	vand.u32 $0x7E, v16;
	v15 =	vmul.f32 $8.000000000e+00, v19;
	v16 =	vld [tilespmem:s17+$0xFFFFFF70];
	[tilespmem:v17+s29+$0x0] =	vst.idx.msk $0xffff, v11  }
0x1ec: {  	v11 =	vadd.s32 v0, v26;
	v17 =	vld [tilespmem:s17+$0xFFFFFFB0];
	v18 =	vmul.f32 $8.000000000e+00, v18;
	[tilespmem:v20+s29+$0x0] =	vst.idx.msk $0xffff, v14  }
0x1ed: {  	v19 =	vadd.s32 v2, v6;
	v14 =	vmul.f32 $8.000000000e+00, v23;
	[tilespmem:v25+s29+$0x0] =	vst.idx.msk $0xffff, v15;
	v15 =	vld [tilespmem:s17+$0xFFFFFF30]  }
0x1ee: {  	v23 =	vadd.s32 v2, v7;
	v9 =	vmul.f32 $8.000000000e+00, v9;
	v20 =	vld [tilespmem:s18+$0xFFFFFFE0];
	[tilespmem:v10+s29+$0x0] =	vst.idx.msk $0xffff, v18  }
0x1ef: {  	[tilespmem:v13+s29+$0x0] =	vst.idx.msk $0xffff, v14;
	v10 =	vmul.f32 $8.000000000e+00, v24;
	v14 =	vadd.s32 v2, v8;
	v24 =	vld [tilespmem:s17+$0x0]  }
0x1f0: {  	v27 =	vadd.s32 v1, v22;
	v25 =	vld [tilespmem:s18+$0xFFFFFF20];
	[tilespmem:v12+s29+$0x0] =	vst.idx.msk $0xffff, v9;
	v9 =	vmul.f32 $8.000000000e+00, v16  }
0x1f1: {  	v29 =	vadd.s32 v3, v5;
	v5 =	vmov v22;
	v28 =	vld [tilespmem:s18+$0xFFFFFF60];
	[tilespmem:v11+s29+$0x0] =	vst.idx.msk $0xffff, v10;
	v10 =	vmul.f32 $8.000000000e+00, v17  }
.Ltmp6:
0x1f2: {  	v18 =	vadd.s32 v1, v4;
	v13 =	vld [tilespmem:s18+$0xFFFFFFA0];
	v11 =	vmul.f32 $8.000000000e+00, v15;
	[tilespmem:v19+s29+$0x0] =	vst.idx.msk $0xffff, v9;
	(pc) =	sbr.rel @p1 .LBB2_15-.Ltmp6, $4  }
0x1f3: {  	v16 =	vadd.s32 v1, v21;
	v15 =	vmul.f32 $8.000000000e+00, v20;
	v12 =	vld [tilespmem:s17+$0xFFFFFF80];
	[tilespmem:v23+s29+$0x0] =	vst.idx.msk $0xffff, v10  }
0x1f4: {  	v9 =	vmov s20;
	v10 =	vadd.s32 v1, v26;
	[tilespmem:v14+s29+$0x0] =	vst.idx.msk $0xffff, v11;
	v11 =	vld [tilespmem:s17+$0xFFFFFFC0];
	v23 =	vmul.f32 $8.000000000e+00, v24  }
0x1f5: {  	s6 =	sadd.s32 $0x3, s20;
	v9 =	vand.u32 $0x7C, v9;
	v20 =	vmul.f32 $8.000000000e+00, v25;
	[tilespmem:v27+s29+$0x0] =	vst.idx.msk $0xffff, v15;
	v14 =	vld [tilespmem:s17+$0xFFFFFF40];
	v15 =	vadd.s32 v3, v6;
	v6 =	vmovc v21;
	s17 =	smov.u32 s18;
	s18 =	sadd.s32 $0x100, s18  }
0x1f6: {  	v22 =	vmov s6;
	v17 =	vadd.s32 v3, v7;
	v7 =	vmovc v26;
	s20 =	sadd.s32 $0x4, s20;
	v19 =	vld [tilespmem:s18+$0xFFFFFFD0];
	v21 =	vmul.f32 $8.000000000e+00, v28;
	[tilespmem:v29+s29+$0x0] =	vst.idx.msk $0xffff, v23  }
0x1f7: {  	s6 =	sadd.s32 $0x1, s19;
	v22 =	vand.u32 $0x7F, v22;
	v28 =	vld [tilespmem:s18+$0xFFFFFF10]  }
0x1f8: {  	s19 =	sadd.s32 $0x2, s19;
	v24 =	vld [tilespmem:s18+$0xFFFFFF50];
	v23 =	vmov s6;
	v25 =	vadd.s32 v0, v22  }
0x1f9: {  	v27 =	vld [tilespmem:s18+$0xFFFFFF90];
	v51 =	vadd.s32 v0, v9;
	v26 =	vmov s19;
	v23 =	vand.u32 $0x7D, v23  }
0x1fa: {  	v26 =	vand.u32 $0x7E, v26;
	v29 =	vadd.s32 v0, v23  }
0x1fb: {  	[tilespmem:v18+s29+$0x0] =	vst.idx.msk $0xffff, v20;
	v30 =	vadd.s32 v0, v26;
	v19 =	vmul.f32 $8.000000000e+00, v19  }
0x1fc: {  	[tilespmem:v16+s29+$0x0] =	vst.idx.msk $0xffff, v21;
	v54 =	vmul.f32 $8.000000000e+00, v28  }
0x1fd: {  	v52 =	vmul.f32 $8.000000000e+00, v24;
	[tilespmem:v25+s29+$0x0] =	vst.idx.msk $0xffff, v19  }
0x1fe: {  	v53 =	vmul.f32 $8.000000000e+00, v27;
	v55 =	vld [tilespmem:s18+$0xFFFFFFE0];
	[tilespmem:v51+s29+$0x0] =	vst.idx.msk $0xffff, v54  }
0x1ff: {  	v13 =	vmul.f32 $8.000000000e+00, v13;
	v8 =	vadd.s32 v3, v8;
	[tilespmem:v29+s29+$0x0] =	vst.idx.msk $0xffff, v52;
	v59 =	vld [tilespmem:s18+$0xFFFFFF20]  }
0x200: {  	v12 =	vmul.f32 $8.000000000e+00, v12;
	v57 =	vadd.s32 v1, v22;
	[tilespmem:v30+s29+$0x0] =	vst.idx.msk $0xffff, v53;
	v56 =	vld [tilespmem:s18+$0xFFFFFF60]  }
0x201: {  	[tilespmem:v10+s29+$0x0] =	vst.idx.msk $0xffff, v13;
	v58 =	vmul.f32 $8.000000000e+00, v11;
	v28 =	vadd.s32 v1, v9;
	v19 =	vld [tilespmem:s18+$0xFFFFFFA0]  }
0x202: {  	v61 =	vld [tilespmem:s17+$0xFFFFFFF0];
	v60 =	vadd.s32 v1, v23;
	v14 =	vmul.f32 $8.000000000e+00, v14;
	[tilespmem:v15+s29+$0x0] =	vst.idx.msk $0xffff, v12  }
0x203: {  	v32 =	vld [tilespmem:s17+$0xFFFFFF30];
	v62 =	vadd.s32 v1, v26;
	[tilespmem:v17+s29+$0x0] =	vst.idx.msk $0xffff, v58;
	v16 =	vmul.f32 $8.000000000e+00, v55  }
0x204: {  	[tilespmem:v8+s29+$0x0] =	vst.idx.msk $0xffff, v14;
	v29 =	vadd.s32 v2, v5;
	v30 =	vld [tilespmem:s17+$0xFFFFFFB0];
	v11 =	vmul.f32 $8.000000000e+00, v59  }
0x205: {  	v38 =	vadd.s32 v2, v4;
	v63 =	vld [tilespmem:s17+$0xFFFFFF70];
	v31 =	vmul.f32 $8.000000000e+00, v56;
	[tilespmem:v57+s29+$0x0] =	vst.idx.msk $0xffff, v16  }
0x206: {  	v35 =	vadd.s32 v2, v7;
	v34 =	vmul.f32 $8.000000000e+00, v19;
	v36 =	vld [tilespmem:s18+$0xFFFFFFF0];
	[tilespmem:v28+s29+$0x0] =	vst.idx.msk $0xffff, v11  }
0x207: {  	v33 =	vadd.s32 v2, v6;
	v37 =	vmul.f32 $8.000000000e+00, v61;
	[tilespmem:v60+s29+$0x0] =	vst.idx.msk $0xffff, v31;
	v43 =	vld [tilespmem:s18+$0xFFFFFF30]  }
0x208: {  	v40 =	vadd.s32 v2, v22;
	v14 =	vmul.f32 $8.000000000e+00, v32;
	[tilespmem:v62+s29+$0x0] =	vst.idx.msk $0xffff, v34;
	v39 =	vld [tilespmem:s18+$0xFFFFFF70]  }
0x209: {  	v48 =	vadd.s32 v2, v9;
	[tilespmem:v29+s29+$0x0] =	vst.idx.msk $0xffff, v37;
	v42 =	vmul.f32 $8.000000000e+00, v30;
	v41 =	vld [tilespmem:s18+$0xFFFFFFB0]  }
0x20a: {  	v44 =	vadd.s32 v2, v23;
	v15 =	vmul.f32 $8.000000000e+00, v63;
	[tilespmem:v38+s29+$0x0] =	vst.idx.msk $0xffff, v14;
	v45 =	vld [tilespmem:s17+$0x0]  }
0x20b: {  	v46 =	vadd.s32 v2, v26;
	v14 =	vld [tilespmem:s17+$0xFFFFFF40];
	[tilespmem:v35+s29+$0x0] =	vst.idx.msk $0xffff, v42;
	v47 =	vmul.f32 $8.000000000e+00, v36  }
0x20c: {  	v5 =	vadd.s32 v3, v5;
	[tilespmem:v33+s29+$0x0] =	vst.idx.msk $0xffff, v15;
	v49 =	vld [tilespmem:s17+$0xFFFFFFC0];
	v53 =	vmul.f32 $8.000000000e+00, v43  }
0x20d: {  	v4 =	vadd.s32 v3, v4;
	v21 =	vld [tilespmem:s17+$0xFFFFFF80];
	v12 =	vmul.f32 $8.000000000e+00, v39;
	[tilespmem:v40+s29+$0x0] =	vst.idx.msk $0xffff, v47  }
0x20e: {  	v52 =	vadd.s32 v3, v7;
	v51 =	vmul.f32 $8.000000000e+00, v41;
	v10 =	vld [tilespmem:s18+$0x0];
	[tilespmem:v48+s29+$0x0] =	vst.idx.msk $0xffff, v53  }
0x20f: {  	v50 =	vadd.s32 v3, v6;
	v54 =	vmul.f32 $8.000000000e+00, v45;
	[tilespmem:v44+s29+$0x0] =	vst.idx.msk $0xffff, v12;
	v59 =	vld [tilespmem:s18+$0xFFFFFF40]  }
0x210: {  	v57 =	vadd.s32 v3, v22;
	v14 =	vmul.f32 $8.000000000e+00, v14;
	[tilespmem:v46+s29+$0x0] =	vst.idx.msk $0xffff, v51;
	v55 =	vld [tilespmem:s18+$0xFFFFFF80]  }
0x211: {  	v62 =	vadd.s32 v3, v9;
	[tilespmem:v5+s29+$0x0] =	vst.idx.msk $0xffff, v54;
	v5 =	vmul.f32 $8.000000000e+00, v49;
	v58 =	vld [tilespmem:s18+$0xFFFFFFC0]  }
0x212: {  	v56 =	vmul.f32 $8.000000000e+00, v21;
	v60 =	vadd.s32 v3, v23;
	[tilespmem:v4+s29+$0x0] =	vst.idx.msk $0xffff, v14  }
0x213: {  	v61 =	vadd.s32 v3, v26;
	[tilespmem:v52+s29+$0x0] =	vst.idx.msk $0xffff, v5;
	v5 =	vmul.f32 $8.000000000e+00, v10  }
0x214: {  	[tilespmem:v50+s29+$0x0] =	vst.idx.msk $0xffff, v56;
	v63 =	vmul.f32 $8.000000000e+00, v59  }
0x215: {  	v4 =	vmul.f32 $8.000000000e+00, v55;
	[tilespmem:v57+s29+$0x0] =	vst.idx.msk $0xffff, v5  }
0x216: {  	v5 =	vmul.f32 $8.000000000e+00, v58;
	[tilespmem:v62+s29+$0x0] =	vst.idx.msk $0xffff, v63  }
0x217: {  	s6 =	sadd.s32 @!p0 $0x380, s15;
	[tilespmem:v60+s29+$0x0] =	vst.idx.msk $0xffff, v4  }
0x218: {  	s10 =	simm.s32 @!p0 $0x80;
	s15 =	simm.s32 @!p0 $0xC400;
	s6 =	sand.u32 @!p0 $0xFF80, s6;
	[tilespmem:v61+s29+$0x0] =	vst.idx.msk $0xffff, v5  }
0x219: {  	[tilespmem:s15], [sflag:$0x4] =	stream.indirect.gather @!p0 [hbm4b:s5+s10], $0x40, s6, s10, $0xb8;
	[tilespmem:$0x16C00] =	vst v63  }
0x21a: {  	s20 =	simm.s32 $0x14A00;
	s10 =	sadd.s32 s16, s9  }
0x21b: {  	[hbm4b:s10+s3] =	stream.linear.scatter [tilespmem:s20], [sflag:$0x8], $0x80, $0x38;
	[tilespmem:$0x16C00] =	vst v63  }
0x21c: {  	s15 =	simm.s32 $0x14A88;
	s16 =	sadd.s32 $0x10, s10  }
0x21d: {  	[hbm4b:s16+s3] =	stream.linear.scatter [tilespmem:s15], [sflag:$0x8], $0x80, $0x38;
	[tilespmem:$0x16C00] =	vst v63  }
0x21e: {  	s19 =	simm.s32 $0x14B98;
	s17 =	simm.s32 $0x14B10;
	s18 =	sadd.s32 $0x20, s10  }
0x21f: {  	[hbm4b:s18+s3] =	stream.linear.scatter [tilespmem:s17], [sflag:$0x8], $0x80, $0x38;
	[tilespmem:$0x16C00] =	vst v63  }
0x220: {  	s6 =	sadd.s32 $0x70, s10;
	s20 =	sadd.s32 $0x30, s10;
	s15 =	simm.s32 $0x14C20  }
0x221: {  	[hbm4b:s20+s3] =	stream.linear.scatter [tilespmem:s19], [sflag:$0x8], $0x80, $0x38;
	[tilespmem:$0x16C00] =	vst v63  }
0x222: {  	s16 =	sadd.s32 $0x40, s10;
	s17 =	simm.s32 $0x14CA8;
	s18 =	sadd.s32 $0x50, s10  }
0x223: {  	[hbm4b:s16+s3] =	stream.linear.scatter [tilespmem:s15], [sflag:$0x8], $0x80, $0x38;
	[tilespmem:$0x16C00] =	vst v63  }
0x224: {  	s19 =	simm.s32 $0x14D30;
	s20 =	sadd.s32 $0x60, s10;
	s15 =	simm.s32 $0x440  }
0x225: {  	[hbm4b:s18+s3] =	stream.linear.scatter [tilespmem:s17], [sflag:$0x8], $0x80, $0x38;
	[tilespmem:$0x16C00] =	vst v63  }
0x226: {  	s16 =	sadd.s32 $0x1000, s10;
	s17 =	simm.s32 $0x2200;
	s18 =	simm.s32 $0x14DB8  }
0x227: {  	[hbm4b:s20+s3] =	stream.linear.scatter [tilespmem:s19], [sflag:$0x8], $0x80, $0x38;
	[tilespmem:$0x16C00] =	vst v63  }
.LBB2_17:
0x228: {  	[hbm4b:s6+s3] =	stream.linear.scatter [tilespmem:s18], [sflag:$0x8], $0x80, $0x38;
	[tilespmem:$0x16C00] =	vst v63  }
0x229: {  	s6 =	smov.u32 s15;
	s10 =	smov.u32 s17  }
0x22a: {  	s15 =	sshra.s32 s10, $0x2;
	s10 =	sadd.s32 $0x1100, s17;
	s18 =	sadd.s32 $0x14A00, s6  }
0x22b: {  	[hbm4b:s16+s3] =	stream.linear.scatter [tilespmem:s18], [sflag:$0x8], $0x80, $0x38;
	[tilespmem:$0x16C00] =	vst v63  }
0x22c: {  	p0 =	sne.s32 s17, $0x7700;
	s17 =	sadd.s32 $0x14A88, s6;
	s18 =	sadd.s32 $0x10, s16  }
0x22d: {  	[hbm4b:s18+s3] =	stream.linear.scatter [tilespmem:s17], [sflag:$0x8], $0x80, $0x38;
	[tilespmem:$0x16C00] =	vst v63  }
0x22e: {  	s17 =	sadd.s32 $0x14B10, s6;
	s18 =	sadd.s32 $0x20, s16  }
0x22f: {  	[hbm4b:s18+s3] =	stream.linear.scatter [tilespmem:s17], [sflag:$0x8], $0x80, $0x38;
	[tilespmem:$0x16C00] =	vst v63  }
0x230: {  	s17 =	sadd.s32 $0x14B98, s6;
	s18 =	sadd.s32 $0x30, s16  }
0x231: {  	[hbm4b:s18+s3] =	stream.linear.scatter [tilespmem:s17], [sflag:$0x8], $0x80, $0x38;
	[tilespmem:$0x16C00] =	vst v63  }
0x232: {  	s17 =	sadd.s32 $0x14C20, s6;
	s18 =	sadd.s32 $0x40, s16  }
0x233: {  	[hbm4b:s18+s3] =	stream.linear.scatter [tilespmem:s17], [sflag:$0x8], $0x80, $0x38;
	[tilespmem:$0x16C00] =	vst v63  }
0x234: {  	s17 =	sadd.s32 $0x14CA8, s6;
	s18 =	sadd.s32 $0x50, s16  }
0x235: {  	[hbm4b:s18+s3] =	stream.linear.scatter [tilespmem:s17], [sflag:$0x8], $0x80, $0x38;
	[tilespmem:$0x16C00] =	vst v63  }
.Ltmp7:
0x236: {  	_ = 	snop;
	(pc) =	sbr.rel @p0 .LBB2_17-.Ltmp7, $4  }
0x237: {  	s17 =	sadd.s32 $0x14D30, s6;
	s18 =	sadd.s32 $0x60, s16  }
0x238: {  	[hbm4b:s18+s3] =	stream.linear.scatter [tilespmem:s17], [sflag:$0x8], $0x80, $0x38;
	[tilespmem:$0x16C00] =	vst v63  }
0x239: {  	s18 =	sadd.s32 $0x14DB8, s6  }
0x23a: {  	s6 =	sadd.s32 $0x70, s16;
	s16 =	sadd.s32 $0x1000, s16;
	s17 =	smov.u32 s10  }
0x23b: {  	[hbm4b:s6+s3] =	stream.linear.scatter [tilespmem:s18], [sflag:$0x8], $0x80, $0x38;
	[tilespmem:$0x16C00] =	vst v63  }
0x23c: {  	s19 =	sadd.s32 $0x14A00, s15  }
0x23d: {  	[hbm4b:s16+s3] =	stream.linear.scatter [tilespmem:s19], [sflag:$0x8], $0x80, $0x38;
	[tilespmem:$0x16C00] =	vst v63  }
0x23e: {  	s20 =	sadd.s32 $0x14A88, s15;
	s10 =	sadd.s32 $0x10, s16  }
0x23f: {  	[hbm4b:s10+s3] =	stream.linear.scatter [tilespmem:s20], [sflag:$0x8], $0x80, $0x38;
	[tilespmem:$0x16C00] =	vst v63  }
0x240: {  	s17 =	sadd.s32 $0x14B10, s15;
	s18 =	sadd.s32 $0x20, s16  }
0x241: {  	[hbm4b:s18+s3] =	stream.linear.scatter [tilespmem:s17], [sflag:$0x8], $0x80, $0x38;
	[tilespmem:$0x16C00] =	vst v63  }
0x242: {  	s19 =	sadd.s32 $0x14B98, s15;
	s20 =	sadd.s32 $0x30, s16  }
0x243: {  	[hbm4b:s20+s3] =	stream.linear.scatter [tilespmem:s19], [sflag:$0x8], $0x80, $0x38;
	[tilespmem:$0x16C00] =	vst v63  }
0x244: {  	s12 =	sadd.s32 $0x1, s12;
	s17 =	sadd.s32 $0x14C20, s15;
	s18 =	sadd.s32 $0x40, s16  }
0x245: {  	[hbm4b:s18+s3] =	stream.linear.scatter [tilespmem:s17], [sflag:$0x8], $0x80, $0x38;
	[tilespmem:$0x16C00] =	vst v63  }
0x246: {  	p0 =	sne.s32 s12, $0x32;
	s19 =	sadd.s32 $0x14CA8, s15;
	s20 =	sadd.s32 $0x50, s16  }
0x247: {  	[hbm4b:s20+s3] =	stream.linear.scatter [tilespmem:s19], [sflag:$0x8], $0x80, $0x38;
	[tilespmem:$0x16C00] =	vst v63  }
.Ltmp8:
0x248: {  	_ = 	snop;
	(pc) =	sbr.rel @p0 .LBB2_2-.Ltmp8, $4  }
0x249: {  	s17 =	sadd.s32 $0x14D30, s15;
	s18 =	sadd.s32 $0x60, s16  }
0x24a: {  	[hbm4b:s18+s3] =	stream.linear.scatter [tilespmem:s17], [sflag:$0x8], $0x80, $0x38;
	[tilespmem:$0x16C00] =	vst v63  }
0x24b: {  	s19 =	sadd.s32 $0x14DB8, s15;
	s20 =	sadd.s32 $0x70, s16  }
0x24c: {  	[hbm4b:s20+s3] =	stream.linear.scatter [tilespmem:s19], [sflag:$0x8], $0x80, $0x38;
	[tilespmem:$0x16C00] =	vst v63  }
0x24d: {  	_ =	swait.ge [sflag:s30], $0x2000  }
0x24e: {  	[sflag:s30] =	ssyncset.done $0x0  }
0x24f: {  	[sflag:s30] =	ssyncadd.s32 $0xFFFFE000  }
0x250: {  	_ =	swait.ge [sflag:s31], $0x2000  }
0x251: {  	[sflag:s31] =	ssyncset.done $0x0  }
0x252: {  	[sflag:s31] =	ssyncadd.s32 $0xFFFFE000  }
0x253: {  	_ =	swait.ge [sflag:s1], $0x2000  }
0x254: {  	[sflag:s1] =	ssyncset.done $0x0  }
0x255: {  	[sflag:s1] =	ssyncadd.s32 $0xFFFFE000  }
0x256: {  	_ =	swait.ge [sflag:s0], $0x2000  }
0x257: {  	s11 =	sadd.s32 $0x1, s11;
	s6 =	rddreg [dreg:$0x4]  }
0x258: {  	p0 =	sne.s32 s11, s6  }
.Ltmp9:
0x259: {  	_ = 	snop;
	(pc) =	sbr.rel @p0 .LBB2_1-.Ltmp9, $3  }
0x25a: {  	_ =	sdelay $0x1  }
0x25b: {  	[sflag:s0] =	ssyncset.done $0x0  }
0x25c: {  	[sflag:s0] =	ssyncadd.s32 $0xFFFFE000  }
0x25d: {  	_ =	sfence.sel $0x180000  }
0x25e: {  	[bflag:$0x0] =	sbarrier.arrive $0xFFFF  }
0x25f: {  	_ =	strace $0x90000047  }
0x260: {  	s0 =	stileid.u32;
	[bflag:$0x2] =	sbarrier.arrive $0xFFFF  }
0x261: {  	p0 =	sne.s32 s0, $0x0;
	s0 =	rddreg [dreg:$0x2]  }
0x262: {  	s0 =	sadd.s32 @!p0 $0x100000, s0  }
0x263: {  	[sflag:s0] =	ssyncadd.tile.s32 @!p0 $0x1;
	_ =	shalt  }
.Lfunc_end2:
_tile_overlayer_lowered:
.L_overlay_start_2:
0x264: {  	(tag) =	ssettag $0x2  }
0x265: {  	s0 =	rddreg [dreg:$0x0];
	s2 =	stileid.u32  }
0x266: {  	s1 =	rddreg [dreg:$0x1];
	p0 =	sne.s32 s2, $0x0  }
0x267: {  	s3 =	rddreg [dreg:$0x2];
	[bflag:$0x3] =	sbarrier.arrive $0xFFFF;
	s2 =	simm.s32 @!p0 $0x1C09  }
0x268: {  	[timem:s3], [sflag:s2] =	dma.local @!p0 [hbm:s0], s1  }
0x269: {  	s0 =	simm.s32 @!p0 $0x9  }
0x26a: {  	_ =	swait.ge @!p0 [sflag:s0], s1  }
0x26b: {  	s1 =	ssub.s32 @!p0 $0x0, s1;
	[sflag:s0] =	ssyncset.done @!p0 $0x0  }
0x26c: {  	[sflag:s0] =	ssyncadd.s32 @!p0 s1  }
0x26d: {  	[bflag:$0x3] =	sbarrier.arrive $0xFFFF  }
0x26e: {  	_ =	shalt  }

</sc_bundles>
